<compile_context>
chip_gen: v7x
topology: tpu7x:2x2x1
jax: 0.10.2.dev20260603
libtpu: 0.0.44.dev20260713+nightly
codegen_flags: <defaults>
</compile_context>

<pallas_src>
import functools

import jax
import jax.numpy as jnp
from jax import lax
from jax.experimental import pallas as pl
from jax.experimental.pallas import tpu as pltpu
from jax.experimental.pallas import tpu_sc as plsc

NC = 2
NS = 16
WD = 50
WA = 125
KB = 3
TR = 3



def _sc_degree(d2d, zeros1, npad, nwin):
    mesh = plsc.VectorSubcoreMesh(core_axis_name="c", subcore_axis_name="s")
    chunk = npad // NS

    @functools.partial(
        pl.kernel,
        out_type=jax.ShapeDtypeStruct((NC, npad), jnp.float32),
        mesh=mesh,
        scratch_types=[
            pltpu.VMEM((nwin, WD), jnp.int32),
            pltpu.VMEM((WD,), jnp.float32),
            pltpu.VMEM_SHARED((npad,), jnp.float32),
        ],
    )
    def k(d_hbm, z_hbm, out_hbm, didx, ones, deg_sh):
        c = lax.axis_index("c")
        s = lax.axis_index("s")
        wid = c * NS + s

        pltpu.sync_copy(d_hbm.at[pl.ds(wid * nwin, nwin)], didx)
        for i in range(WD // 16):
            ones[pl.ds(i * 16, 16)] = jnp.ones((16,), jnp.float32)
        ones[pl.ds(WD - 16, 16)] = jnp.ones((16,), jnp.float32)
        pltpu.sync_copy(z_hbm.at[pl.ds(s * chunk, chunk)],
                        deg_sh.at[pl.ds(s * chunk, chunk)])
        plsc.subcore_barrier()

        def body(w, carry):
            pltpu.sync_copy(ones, deg_sh.at[didx.at[w]], add=True)
            return carry

        lax.fori_loop(0, nwin, body, 0)
        plsc.subcore_barrier()
        pltpu.sync_copy(deg_sh.at[pl.ds(s * chunk, chunk)],
                        out_hbm.at[c, pl.ds(s * chunk, chunk)])

    return k(d2d, zeros1)


def _sc_aggregate(y, s2d, d2c, zeros2, n, f, nwin):
    mesh = plsc.VectorSubcoreMesh(core_axis_name="c", subcore_axis_name="s")
    half = n // 2
    arows = half + NS * TR
    chunk = (half // NS) // 8 * 8
    last = half - chunk * (NS - 1)
    zchunk = (arows // NS) // 8 * 8
    zlast = arows - zchunk * (NS - 1)

    @functools.partial(
        pl.kernel,
        out_type=jax.ShapeDtypeStruct((NC, half, f), jnp.float32),
        mesh=mesh,
        scratch_types=[
            pltpu.VMEM((nwin, WA), jnp.int32),
            pltpu.VMEM((nwin, WA), jnp.int32),
            pltpu.VMEM((WA, f), jnp.float32),
            pltpu.VMEM((WA, f), jnp.float32),
            pltpu.VMEM((WA, f), jnp.float32),
            pltpu.VMEM_SHARED((arows, f), jnp.float32),
            pltpu.SemaphoreType.DMA,
            pltpu.SemaphoreType.DMA,
            pltpu.SemaphoreType.DMA,
        ],
    )
    def k(y_hbm, s_hbm, d_hbm, z_hbm, out_hbm, sidx, didx,
          b0, b1, b2, agg_sh, g0, g1, g2):
        bufs = [b0, b1, b2]
        gsems = [g0, g1, g2]
        c = lax.axis_index("c")
        s = lax.axis_index("s")

        pltpu.sync_copy(s_hbm.at[pl.ds(s * nwin, nwin)], sidx)
        pltpu.sync_copy(d_hbm.at[c, pl.ds(s * nwin, nwin)], didx)

        @pl.when(s < NS - 1)
        def _():
            pltpu.sync_copy(z_hbm.at[pl.ds(s * zchunk, zchunk)],
                            agg_sh.at[pl.ds(s * zchunk, zchunk)])

        @pl.when(s == NS - 1)
        def _():
            pltpu.sync_copy(z_hbm.at[pl.ds((NS - 1) * zchunk, zlast)],
                            agg_sh.at[pl.ds((NS - 1) * zchunk, zlast)])

        plsc.subcore_barrier()

        for b in range(KB):
            pltpu.async_copy(y_hbm.at[sidx.at[b]], bufs[b], gsems[b])

        def body(g, carry):
            for b in range(KB):
                w = KB * g + b
                pltpu.make_async_copy(
                    y_hbm.at[sidx.at[w]], bufs[b], gsems[b]).wait()
                pltpu.sync_copy(bufs[b], agg_sh.at[didx.at[w]], add=True)

                @pl.when(w + KB < nwin)
                def _():
                    pltpu.async_copy(
                        y_hbm.at[sidx.at[w + KB]], bufs[b], gsems[b])

            return carry

        lax.fori_loop(0, nwin // KB, body, 0)
        for b in range(nwin % KB):
            w = (nwin // KB) * KB + b
            pltpu.make_async_copy(
                y_hbm.at[sidx.at[w]], bufs[b], gsems[b]).wait()
            pltpu.sync_copy(bufs[b], agg_sh.at[didx.at[w]], add=True)

        plsc.subcore_barrier()

        @pl.when(s < NS - 1)
        def _():
            pltpu.sync_copy(agg_sh.at[pl.ds(s * chunk, chunk)],
                            out_hbm.at[c, pl.ds(s * chunk, chunk)])

        @pl.when(s == NS - 1)
        def _():
            pltpu.sync_copy(agg_sh.at[pl.ds((NS - 1) * chunk, last)],
                            out_hbm.at[c, pl.ds((NS - 1) * chunk, last)])

    return k(y, s2d, d2c, zeros2)



def _dot(a, b):
    return jax.lax.dot_general(a, b, (((1,), (0,)), ((), ())),
                               preferred_element_type=jnp.float32)


def _tc_input_layer(x, in_w, in_b, w1, degT, r):
    n, fi = x.shape
    h = in_w.shape[1]

    def body(x_ref, iw_ref, ib_ref, w1_ref, deg_ref, h0_ref, xw_ref, y_ref):
        h0 = jnp.maximum(_dot(x_ref[...], iw_ref[...]) + ib_ref[...], 0.0)
        h0_ref[...] = h0
        xw = _dot(h0, w1_ref[...])
        xw_ref[...] = xw
        deg = deg_ref[...]
        dinv = lax.rsqrt(deg[:, 0:1] + deg[:, 1:2] + 1.0)
        y_ref[...] = xw * dinv

    grid = (n // r,)
    return pl.pallas_call(
        body,
        grid=grid,
        in_specs=[
            pl.BlockSpec((r, fi), lambda i: (i, 0)),
            pl.BlockSpec((fi, h), lambda i: (0, 0)),
            pl.BlockSpec((1, h), lambda i: (0, 0)),
            pl.BlockSpec((h, h), lambda i: (0, 0)),
            pl.BlockSpec((r, 2), lambda i: (i, 0)),
        ],
        out_specs=[
            pl.BlockSpec((r, h), lambda i: (i, 0)),
            pl.BlockSpec((r, h), lambda i: (i, 0)),
            pl.BlockSpec((r, h), lambda i: (i, 0)),
        ],
        out_shape=[
            jax.ShapeDtypeStruct((n, h), jnp.float32),
            jax.ShapeDtypeStruct((n, h), jnp.float32),
            jax.ShapeDtypeStruct((n, h), jnp.float32),
        ],
    )(x, in_w, in_b, w1, degT)


def _layer_core(agg_ref, xw_ref, hp_ref, deg_ref, cb_ref, ls_ref, lb_ref):
    deg = deg_ref[...]
    dinv = lax.rsqrt(deg[:, 0:1] + deg[:, 1:2] + 1.0)
    agg = agg_ref[0] * dinv + xw_ref[...] * (dinv * dinv) + cb_ref[...]
    m = jnp.mean(agg, axis=1, keepdims=True)
    cen = agg - m
    var = jnp.mean(cen * cen, axis=1, keepdims=True)
    ln = cen * lax.rsqrt(var + 1e-5) * ls_ref[...] + lb_ref[...]
    return jnp.maximum(ln, 0.0) + hp_ref[...], dinv


def _epilogue_specs(half, h, r):
    nb = half // r
    return [
        pl.BlockSpec((1, r, h), lambda i: (i // nb, i % nb, 0)),
        pl.BlockSpec((r, h), lambda i: (i, 0)),
        pl.BlockSpec((r, h), lambda i: (i, 0)),
        pl.BlockSpec((r, 2), lambda i: (i, 0)),
        pl.BlockSpec((1, h), lambda i: (0, 0)),
        pl.BlockSpec((1, h), lambda i: (0, 0)),
        pl.BlockSpec((1, h), lambda i: (0, 0)),
    ]


def _tc_layer_epilogue(aggp, xw, hprev, degT, conv_b, ln_s, ln_b, w_next, r):
    _, half, h = aggp.shape
    n = 2 * half

    def body(agg_ref, xw_ref, hp_ref, deg_ref, cb_ref, ls_ref, lb_ref,
             wn_ref, h_ref, xw2_ref, y_ref):
        hv, dinv = _layer_core(agg_ref, xw_ref, hp_ref, deg_ref, cb_ref,
                               ls_ref, lb_ref)
        h_ref[...] = hv
        xw2 = _dot(hv, wn_ref[...])
        xw2_ref[...] = xw2
        y_ref[...] = xw2 * dinv

    in_specs = _epilogue_specs(half, h, r)
    in_specs.append(pl.BlockSpec((h, h), lambda i: (0, 0)))
    return pl.pallas_call(
        body, grid=(n // r,), in_specs=in_specs,
        out_specs=[pl.BlockSpec((r, h), lambda i: (i, 0))] * 3,
        out_shape=[jax.ShapeDtypeStruct((n, h), jnp.float32)] * 3,
    )(aggp, xw, hprev, degT, conv_b, ln_s, ln_b, w_next)


def _tc_globals(gf, glob_w, glob_b, s1b, b1, t1, t1b, t2blk, t2b):

    def body(gf_ref, gw_ref, gb_ref, s1b_ref, b1_ref,
             t1_ref, t1b_ref, t2_ref, t2b_ref,
             gemb_ref, tl_ref, be_ref):
        gemb = jnp.maximum(_dot(gf_ref[...], gw_ref[...]) + gb_ref[...], 0.0)
        gemb_ref[...] = gemb
        th = jnp.maximum(_dot(gemb, t1_ref[...]) + t1b_ref[...], 0.0)
        tl_ref[...] = _dot(th, t2_ref[...]) + t2b_ref[...]
        be_ref[...] = _dot(gemb, s1b_ref[...]) + b1_ref[...]

    args = [gf, glob_w, glob_b, s1b, b1, t1, t1b, t2blk, t2b]
    return pl.pallas_call(
        body,
        in_specs=[pl.BlockSpec(a.shape, lambda: tuple(0 for _ in a.shape))
                  for a in args],
        out_specs=[
            pl.BlockSpec(glob_b.shape, lambda: (0, 0)),
            pl.BlockSpec(t2b.shape, lambda: (0, 0)),
            pl.BlockSpec(b1.shape, lambda: (0, 0)),
        ],
        out_shape=[
            jax.ShapeDtypeStruct(glob_b.shape, jnp.float32),
            jax.ShapeDtypeStruct(t2b.shape, jnp.float32),
            jax.ShapeDtypeStruct(b1.shape, jnp.float32),
        ],
    )(*args)


def _tc_value(pooled, gemb, vln_s, vln_b,
              v1_w, v1_b, v2_w, v2_b, v3_w, v3_b, n_nodes):

    def body(pool_ref, gemb_ref, vls_ref, vlb_ref,
             v1w_ref, v1b_ref, v2w_ref, v2b_ref, v3w_ref, v3b_ref,
             val_ref):
        graph_emb = pool_ref[...] * (1.0 / n_nodes)
        vin = jnp.concatenate([graph_emb, gemb_ref[...]], axis=1)
        m = jnp.mean(vin, axis=1, keepdims=True)
        cen = vin - m
        var = jnp.mean(cen * cen, axis=1, keepdims=True)
        vin = cen * lax.rsqrt(var + 1e-5) * vls_ref[...] + vlb_ref[...]
        v = jnp.maximum(_dot(vin, v1w_ref[...]) + v1b_ref[...], 0.0)
        v = jnp.maximum(_dot(v, v2w_ref[...]) + v2b_ref[...], 0.0)
        val_ref[...] = _dot(v, v3w_ref[...]) + v3b_ref[...]

    args = [pooled, gemb, vln_s, vln_b,
            v1_w, v1_b, v2_w, v2_b, v3_w, v3_b]
    return pl.pallas_call(
        body,
        in_specs=[pl.BlockSpec(a.shape, lambda: tuple(0 for _ in a.shape))
                  for a in args],
        out_specs=pl.BlockSpec((1, 1), lambda: (0, 0)),
        out_shape=jax.ShapeDtypeStruct((1, 1), jnp.float32),
    )(*args)


def _tc_final_layer(aggp, xw, hprev, degT, conv_b, ln_s, ln_b,
                    s1a, bias_eff, w2flat, b2vec, r):
    _, half, h = aggp.shape
    n = 2 * half
    cols = s1a.shape[1]
    nh = cols // h

    def body(agg_ref, xw_ref, hp_ref, deg_ref, cb_ref, ls_ref, lb_ref,
             w_ref, be_ref, w2_ref, b2_ref, out_ref, pool_ref):
        hv, _ = _layer_core(agg_ref, xw_ref, hp_ref, deg_ref, cb_ref,
                            ls_ref, lb_ref)
        i = pl.program_id(0)

        @pl.when(i == 0)
        def _():
            pool_ref[...] = jnp.zeros_like(pool_ref)

        pool_ref[...] += jnp.sum(hv, axis=0, keepdims=True)
        h1 = jnp.maximum(_dot(hv, w_ref[...]) + be_ref[...], 0.0)
        h1 = h1 * w2_ref[...]
        pieces = [jnp.sum(h1[:, k * h:(k + 1) * h], axis=1, keepdims=True)
                  for k in range(nh)]
        out_ref[...] = jnp.concatenate(pieces, axis=1) + b2_ref[...]

    in_specs = _epilogue_specs(half, h, r)
    in_specs += [
        pl.BlockSpec((h, cols), lambda i: (0, 0)),
        pl.BlockSpec((1, cols), lambda i: (0, 0)),
        pl.BlockSpec((1, cols), lambda i: (0, 0)),
        pl.BlockSpec((1, nh), lambda i: (0, 0)),
    ]
    return pl.pallas_call(
        body, grid=(n // r,), in_specs=in_specs,
        out_specs=[pl.BlockSpec((r, nh), lambda i: (i, 0)),
                   pl.BlockSpec((1, h), lambda i: (0, 0))],
        out_shape=[jax.ShapeDtypeStruct((n, nh), jnp.float32),
                   jax.ShapeDtypeStruct((1, h), jnp.float32)],
    )(aggp, xw, hprev, degT, conv_b, ln_s, ln_b,
      s1a, bias_eff, w2flat, b2vec)



def kernel(x, edge_index, global_features, batch, params):
    n, fi = x.shape
    e = edge_index.shape[1]
    h = params['in_w'].shape[1]
    nwin_d = e // (NC * NS * WD)
    nwin_a = e // (NS * WA)
    r = 1000

    dst_d = edge_index[1].reshape(e // WD, WD)
    src_a = edge_index[0].reshape(e // WA, WA)
    half = n // 2
    dst = edge_index[1]
    pos = jnp.arange(e, dtype=jnp.int32)
    trash = half + (pos // (e // NS)) * TR + pos % TR
    dlo = jnp.where(dst < half, dst, trash)
    dhi = jnp.where(dst >= half, dst - half, trash)
    d2c = jnp.stack([dlo, dhi]).reshape(2, e // WA, WA)
    npad = ((n + 2047) // 2048) * 2048
    zeros1 = jnp.zeros((npad,), jnp.float32)
    zeros2 = jnp.zeros((half + NS * TR, h), jnp.float32)

    row = lambda v: v.reshape(1, -1)
    heads = params['heads']
    s1a = jnp.concatenate(
        [w for hp in heads for w in (hp['s1_w'][:h], hp['d1_w'][:h])], axis=1)
    s1b = jnp.concatenate(
        [w for hp in heads for w in (hp['s1_w'][h:], hp['d1_w'][h:])], axis=1)
    b1 = jnp.concatenate(
        [b for hp in heads for b in (hp['s1_b'], hp['d1_b'])]).reshape(1, -1)
    w2flat = jnp.concatenate(
        [w[:, 0] for hp in heads for w in (hp['s2_w'], hp['d2_w'])]
    ).reshape(1, -1)
    b2vec = jnp.stack(
        [b[0] for hp in heads for b in (hp['s2_b'], hp['d2_b'])]).reshape(1, -1)
    t1 = jnp.concatenate([hp['t1_w'] for hp in heads], axis=1)
    t1b = jnp.concatenate([hp['t1_b'] for hp in heads]).reshape(1, -1)
    nt = heads[0]['t2_w'].shape[1]
    t2blk = jnp.zeros((len(heads) * h, len(heads) * nt), jnp.float32)
    for k, hp in enumerate(heads):
        t2blk = t2blk.at[k * h:(k + 1) * h, k * nt:(k + 1) * nt].set(hp['t2_w'])
    t2b = jnp.concatenate([hp['t2_b'] for hp in heads]).reshape(1, -1)

    gemb, tl_all, bias_eff = _tc_globals(
        global_features, params['glob_w'], row(params['glob_b']),
        s1b, b1, t1, t1b, t2blk, t2b)

    degp = _sc_degree(dst_d, zeros1, npad, nwin_d)
    degT = degp[:, :n].T
    hcur, xw, y = _tc_input_layer(x, params['in_w'], row(params['in_b']),
                                  params['conv_w'][0], degT, r)

    for i in range(2):
        aggp = _sc_aggregate(y, src_a, d2c, zeros2, n, h, nwin_a)
        hcur, xw, y = _tc_layer_epilogue(
            aggp, xw, hcur, degT, row(params['conv_b'][i]),
            row(params['ln_s'][i]), row(params['ln_b'][i]),
            params['conv_w'][i + 1], r)

    aggp = _sc_aggregate(y, src_a, d2c, zeros2, n, h, nwin_a)
    out10, pooled = _tc_final_layer(
        aggp, xw, hcur, degT, row(params['conv_b'][2]),
        row(params['ln_s'][2]), row(params['ln_b'][2]),
        s1a, bias_eff, w2flat, b2vec, r)

    value = _tc_value(
        pooled, gemb, row(params['vln_s']), row(params['vln_b']),
        params['v1_w'], row(params['v1_b']), params['v2_w'],
        row(params['v2_b']), params['v3_w'], row(params['v3_b']), float(n))

    parts = []
    for k in range(len(heads)):
        parts.append(out10[:, 2 * k])
        parts.append(out10[:, 2 * k + 1])
        parts.append(tl_all[0, k * nt:(k + 1) * nt])
    parts.append(value[0])
    return jnp.concatenate(parts)

# --- scband reference (transcript-rebuilt; emitter-appended) ---
"""Pipeline reference for scband-gcnpolicy-11433202942390 (READ-ONLY COPY).

The authoritative reference and input builder live on the scoring server;
editing this copy changes nothing except your own understanding.
"""

import jax, jax.numpy as jnp
import numpy as np

N = 10000
E = 320000
F_IN = 128
H = 128
G = 64
L = 3
A = 5
T = 20

def _lin(key, fi, fo):
    k1, k2 = jax.random.split(key)
    w = jax.random.normal(k1, (fi, fo), jnp.float32) / np.sqrt(fi)
    b = jax.random.normal(k2, (fo,), jnp.float32) * 0.01
    return w, b

def _make_params(key):
    ks = iter(jax.random.split(key, 64))
    p = {}
    p['in_w'], p['in_b'] = _lin(next(ks), F_IN, H)
    p['conv_w'] = []; p['conv_b'] = []; p['ln_s'] = []; p['ln_b'] = []
    for _ in range(L):
        w, b = _lin(next(ks), H, H)
        p['conv_w'].append(w); p['conv_b'].append(b)
        p['ln_s'].append(jnp.ones((H,), jnp.float32)); p['ln_b'].append(jnp.zeros((H,), jnp.float32))
    p['glob_w'], p['glob_b'] = _lin(next(ks), G, H)
    p['vln_s'] = jnp.ones((2 * H,), jnp.float32); p['vln_b'] = jnp.zeros((2 * H,), jnp.float32)
    p['v1_w'], p['v1_b'] = _lin(next(ks), 2 * H, H)
    p['v2_w'], p['v2_b'] = _lin(next(ks), H, H // 2)
    p['v3_w'], p['v3_b'] = _lin(next(ks), H // 2, 1)
    heads = []
    for _ in range(A):
        hp = {}
        hp['s1_w'], hp['s1_b'] = _lin(next(ks), 2 * H, H)
        hp['s2_w'], hp['s2_b'] = _lin(next(ks), H, 1)
        hp['d1_w'], hp['d1_b'] = _lin(next(ks), 2 * H, H)
        hp['d2_w'], hp['d2_b'] = _lin(next(ks), H, 1)
        hp['t1_w'], hp['t1_b'] = _lin(next(ks), H, H)
        hp['t2_w'], hp['t2_b'] = _lin(next(ks), H, T)
        heads.append(hp)
    p['heads'] = heads
    return p

def _layernorm(x, s, b):
    m = jnp.mean(x, axis=-1, keepdims=True)
    v = jnp.var(x, axis=-1, keepdims=True)
    return (x - m) / jnp.sqrt(v + 1e-5) * s + b

def _forward(x, global_features, params, edge_index, batch):
    src = edge_index[0]
    dst = edge_index[1]
    loop = jnp.arange(N, dtype=edge_index.dtype)
    s = jnp.concatenate([src, loop])
    d = jnp.concatenate([dst, loop])
    h = jax.nn.relu(x @ params['in_w'] + params['in_b'])
    deg = jnp.zeros((N,), h.dtype).at[d].add(1.0)
    dinv = jax.lax.rsqrt(jnp.maximum(deg, 1.0))
    norm = dinv[s] * dinv[d]
    for i in range(L):
        res = h
        xw = h @ params['conv_w'][i]
        msg = xw[s] * norm[:, None]
        agg = jnp.zeros_like(xw).at[d].add(msg) + params['conv_b'][i]
        hn = _layernorm(agg, params['ln_s'][i], params['ln_b'][i])
        h = jax.nn.relu(hn) + res
    node_emb = h
    sums = jax.ops.segment_sum(node_emb, batch, num_segments=1)
    counts = jax.ops.segment_sum(jnp.ones((N, 1), node_emb.dtype), batch, num_segments=1)
    graph_emb = sums / counts
    gemb = jax.nn.relu(global_features @ params['glob_w'] + params['glob_b'])
    vin = jnp.concatenate([graph_emb, gemb], axis=-1)
    vin = _layernorm(vin, params['vln_s'], params['vln_b'])
    v = jax.nn.relu(vin @ params['v1_w'] + params['v1_b'])
    v = jax.nn.relu(v @ params['v2_w'] + params['v2_b'])
    value = v @ params['v3_w'] + params['v3_b']
    ge = gemb[batch]
    comb = jnp.concatenate([node_emb, ge], axis=-1)
    outs = []
    for hp in params['heads']:
        sh = jax.nn.relu(comb @ hp['s1_w'] + hp['s1_b'])
        sl = (sh @ hp['s2_w'] + hp['s2_b'])[:, 0]
        dh = jax.nn.relu(comb @ hp['d1_w'] + hp['d1_b'])
        dl = (dh @ hp['d2_w'] + hp['d2_b'])[:, 0]
        th = jax.nn.relu(gemb @ hp['t1_w'] + hp['t1_b'])
        tl = th @ hp['t2_w'] + hp['t2_b']
        outs.extend([sl, dl, tl.ravel()])
    return jnp.concatenate(outs + [value.ravel()])

def setup_inputs(seed: int = 0):
    key = jax.random.key(seed)
    k1, k2, k3, k4 = jax.random.split(key, 4)
    return {
        'x': jax.random.normal(k1, (N, F_IN), jnp.float32),
        'edge_index': jax.random.randint(k2, (2, E), 0, N, jnp.int32),
        'global_features': jax.random.normal(k3, (1, G), jnp.float32),
        'batch': jnp.zeros((N,), jnp.int32),
        'params': _make_params(k4),
    }

def reference(x, edge_index, global_features, batch, params):
    return _forward(x, global_features, params, edge_index, batch)

if __name__ == "__main__":
    import jax
    _d = setup_inputs()
    print(jax.jit(kernel)(*tuple(_d.values())))

</pallas_src>

<mosaic_0001>
#map = affine_map<(d0, d1) -> (0, 0)>
#map1 = affine_map<(d0, d1) -> (0, 0, 0)>
module attributes {stable_mosaic.version = 14 : i64} {
  func.func @k(%arg0: i32, %arg1: i32, %arg2: memref<10000x128xf32, #tpu.memory_space<hbm>>, %arg3: memref<2560x125xi32, #tpu.memory_space<hbm>>, %arg4: memref<2x2560x125xi32, #tpu.memory_space<hbm>>, %arg5: memref<5048x128xf32, #tpu.memory_space<hbm>>, %arg6: memref<2x5000x128xf32, #tpu.memory_space<hbm>>, %arg7: memref<160x125xi32, #tpu.memory_space<vmem>>, %arg8: memref<160x125xi32, #tpu.memory_space<vmem>>, %arg9: memref<125x128xf32, #tpu.memory_space<vmem>>, %arg10: memref<125x128xf32, #tpu.memory_space<vmem>>, %arg11: memref<125x128xf32, #tpu.memory_space<vmem>>, %arg12: memref<5048x128xf32, #tpu.memory_space<vmem_shared>>, %arg13: memref<!tpu.dma_semaphore, #tpu.memory_space<semaphore_mem>>, %arg14: memref<!tpu.dma_semaphore, #tpu.memory_space<semaphore_mem>>, %arg15: memref<!tpu.dma_semaphore, #tpu.memory_space<semaphore_mem>>) attributes {dimension_semantics = [#tpu.dimension_semantics<core_parallel>, #tpu.dimension_semantics<subcore_parallel>], iteration_bounds = array<i64: 2, 16>, scalar_prefetch = 0 : i64, scratch_operands = 9 : i64, tpu.core_type = #tpu.core_type<sc_vector_subcore>, window_params = [{transform_indices = #map}, {transform_indices = #map}, {transform_indices = #map1}, {transform_indices = #map}, {transform_indices = #map1}]} {
    %mul3A = arith.constant 160 : i32
    %mul3A_0 = arith.muli %arg1, %mul3A : i32
    "tpu.region"() ({
      %run_scoped3A_51 = tpu.sem_alloc : memref<!tpu.dma_semaphore, #tpu.memory_space<semaphore_mem>>
      %dma_start3A_52 = arith.constant 0 : i32
      %dma_start3A_53 = tpu.memref_slice %arg3[%mul3A_0, %dma_start3A_52] : memref<2560x125xi32, #tpu.memory_space<hbm>> -> memref<160x125xi32, #tpu.memory_space<hbm>>
      %dma_start3A_54 = arith.constant 0 : i32
      %dma_start3A_55 = tpu.memref_slice %arg3[%mul3A_0, %dma_start3A_54] : memref<2560x125xi32, #tpu.memory_space<hbm>> -> memref<160x125xi32, #tpu.memory_space<hbm>>
      tpu.enqueue_dma source(%dma_start3A_55 : memref<160x125xi32, #tpu.memory_space<hbm>>) target(%arg7 : memref<160x125xi32, #tpu.memory_space<vmem>>) target_semaphore(%run_scoped3A_51 : memref<!tpu.dma_semaphore, #tpu.memory_space<semaphore_mem>>)
      %dma_wait3A_56 = arith.constant 0 : i32
      %dma_wait3A_57 = tpu.memref_slice %arg3[%mul3A_0, %dma_wait3A_56] : memref<2560x125xi32, #tpu.memory_space<hbm>> -> memref<160x125xi32, #tpu.memory_space<hbm>>
      %dma_wait3A_58 = arith.constant 0 : i32
      %dma_wait3A_59 = tpu.memref_slice %arg3[%mul3A_0, %dma_wait3A_58] : memref<2560x125xi32, #tpu.memory_space<hbm>> -> memref<160x125xi32, #tpu.memory_space<hbm>>
      tpu.wait_dma2 semaphore(%run_scoped3A_51 : memref<!tpu.dma_semaphore, #tpu.memory_space<semaphore_mem>>) src(%dma_wait3A_59 : memref<160x125xi32, #tpu.memory_space<hbm>>) dst(%arg7 : memref<160x125xi32, #tpu.memory_space<vmem>>)
      tpu.yield
    }) : () -> ()
    %mul3A_1 = arith.constant 160 : i32
    %mul3A_2 = arith.muli %arg1, %mul3A_1 : i32
    "tpu.region"() ({
      %run_scoped3A_51 = tpu.sem_alloc : memref<!tpu.dma_semaphore, #tpu.memory_space<semaphore_mem>>
      %dma_start3A_52 = arith.constant 0 : i32
      %dma_start3A_53 = tpu.memref_slice %arg4[%arg0, %mul3A_2, %dma_start3A_52] : memref<2x2560x125xi32, #tpu.memory_space<hbm>> -> memref<1x160x125xi32, #tpu.memory_space<hbm>>
      %dma_start3A_54 = tpu.memref_squeeze %dma_start3A_53 : memref<1x160x125xi32, #tpu.memory_space<hbm>> -> memref<160x125xi32, #tpu.memory_space<hbm>>
      %dma_start3A_55 = arith.constant 0 : i32
      %dma_start3A_56 = tpu.memref_slice %arg4[%arg0, %mul3A_2, %dma_start3A_55] : memref<2x2560x125xi32, #tpu.memory_space<hbm>> -> memref<1x160x125xi32, #tpu.memory_space<hbm>>
      %dma_start3A_57 = tpu.memref_squeeze %dma_start3A_56 : memref<1x160x125xi32, #tpu.memory_space<hbm>> -> memref<160x125xi32, #tpu.memory_space<hbm>>
      tpu.enqueue_dma source(%dma_start3A_57 : memref<160x125xi32, #tpu.memory_space<hbm>>) target(%arg8 : memref<160x125xi32, #tpu.memory_space<vmem>>) target_semaphore(%run_scoped3A_51 : memref<!tpu.dma_semaphore, #tpu.memory_space<semaphore_mem>>)
      %dma_wait3A_58 = arith.constant 0 : i32
      %dma_wait3A_59 = tpu.memref_slice %arg4[%arg0, %mul3A_2, %dma_wait3A_58] : memref<2x2560x125xi32, #tpu.memory_space<hbm>> -> memref<1x160x125xi32, #tpu.memory_space<hbm>>
      %dma_wait3A_60 = tpu.memref_squeeze %dma_wait3A_59 : memref<1x160x125xi32, #tpu.memory_space<hbm>> -> memref<160x125xi32, #tpu.memory_space<hbm>>
      %dma_wait3A_61 = arith.constant 0 : i32
      %dma_wait3A_62 = tpu.memref_slice %arg4[%arg0, %mul3A_2, %dma_wait3A_61] : memref<2x2560x125xi32, #tpu.memory_space<hbm>> -> memref<1x160x125xi32, #tpu.memory_space<hbm>>
      %dma_wait3A_63 = tpu.memref_squeeze %dma_wait3A_62 : memref<1x160x125xi32, #tpu.memory_space<hbm>> -> memref<160x125xi32, #tpu.memory_space<hbm>>
      tpu.wait_dma2 semaphore(%run_scoped3A_51 : memref<!tpu.dma_semaphore, #tpu.memory_space<semaphore_mem>>) src(%dma_wait3A_63 : memref<160x125xi32, #tpu.memory_space<hbm>>) dst(%arg8 : memref<160x125xi32, #tpu.memory_space<vmem>>)
      tpu.yield
    }) : () -> ()
    %lt3A = arith.constant 15 : i32
    %lt3A_3 = arith.cmpi slt, %arg1, %lt3A : i32
    %convert_element_type3A = arith.extui %lt3A_3 : i1 to i32
    %cond3A = arith.constant 0 : i32
    %cond3A_4 = arith.cmpi ne, %convert_element_type3A, %cond3A : i32
    scf.if %cond3A_4 {
      %mul3A_51 = arith.constant 312 : i32
      %mul3A_52 = arith.muli %arg1, %mul3A_51 : i32
      %mul3A_53 = arith.constant 312 : i32
      %mul3A_54 = arith.muli %arg1, %mul3A_53 : i32
      "tpu.region"() ({
        %run_scoped3A_55 = tpu.sem_alloc : memref<!tpu.dma_semaphore, #tpu.memory_space<semaphore_mem>>
        %dma_start3A_56 = arith.constant 0 : i32
        %dma_start3A_57 = tpu.memref_slice %arg12[%mul3A_54, %dma_start3A_56] : memref<5048x128xf32, #tpu.memory_space<vmem_shared>> -> memref<312x128xf32, #tpu.memory_space<vmem_shared>>
        %dma_start3A_58 = arith.constant 0 : i32
        %dma_start3A_59 = tpu.memref_slice %arg5[%mul3A_52, %dma_start3A_58] : memref<5048x128xf32, #tpu.memory_space<hbm>> -> memref<312x128xf32, #tpu.memory_space<hbm>>
        tpu.enqueue_dma source(%dma_start3A_59 : memref<312x128xf32, #tpu.memory_space<hbm>>) target(%dma_start3A_57 : memref<312x128xf32, #tpu.memory_space<vmem_shared>>) target_semaphore(%run_scoped3A_55 : memref<!tpu.dma_semaphore, #tpu.memory_space<semaphore_mem>>)
        %dma_wait3A_60 = arith.constant 0 : i32
        %dma_wait3A_61 = tpu.memref_slice %arg12[%mul3A_54, %dma_wait3A_60] : memref<5048x128xf32, #tpu.memory_space<vmem_shared>> -> memref<312x128xf32, #tpu.memory_space<vmem_shared>>
        %dma_wait3A_62 = arith.constant 0 : i32
        %dma_wait3A_63 = tpu.memref_slice %arg5[%mul3A_52, %dma_wait3A_62] : memref<5048x128xf32, #tpu.memory_space<hbm>> -> memref<312x128xf32, #tpu.memory_space<hbm>>
        tpu.wait_dma2 semaphore(%run_scoped3A_55 : memref<!tpu.dma_semaphore, #tpu.memory_space<semaphore_mem>>) src(%dma_wait3A_63 : memref<312x128xf32, #tpu.memory_space<hbm>>) dst(%dma_wait3A_61 : memref<312x128xf32, #tpu.memory_space<vmem_shared>>)
        tpu.yield
      }) : () -> ()
    } else {
    }
    %eq3A = arith.constant 15 : i32
    %eq3A_5 = arith.cmpi eq, %arg1, %eq3A : i32
    %convert_element_type3A_6 = arith.extui %eq3A_5 : i1 to i32
    %cond3A_7 = arith.constant 0 : i32
    %cond3A_8 = arith.cmpi ne, %convert_element_type3A_6, %cond3A_7 : i32
    scf.if %cond3A_8 {
      "tpu.region"() ({
        %run_scoped3A_51 = tpu.sem_alloc : memref<!tpu.dma_semaphore, #tpu.memory_space<semaphore_mem>>
        %dma_start3A_52 = arith.constant 4680 : i32
        %dma_start3A_53 = arith.constant 0 : i32
        %dma_start3A_54 = tpu.memref_slice %arg12[%dma_start3A_52, %dma_start3A_53] : memref<5048x128xf32, #tpu.memory_space<vmem_shared>> -> memref<368x128xf32, #tpu.memory_space<vmem_shared>>
        %dma_start3A_55 = arith.constant 4680 : i32
        %dma_start3A_56 = arith.constant 0 : i32
        %dma_start3A_57 = tpu.memref_slice %arg5[%dma_start3A_55, %dma_start3A_56] : memref<5048x128xf32, #tpu.memory_space<hbm>> -> memref<368x128xf32, #tpu.memory_space<hbm>>
        tpu.enqueue_dma source(%dma_start3A_57 : memref<368x128xf32, #tpu.memory_space<hbm>>) target(%dma_start3A_54 : memref<368x128xf32, #tpu.memory_space<vmem_shared>>) target_semaphore(%run_scoped3A_51 : memref<!tpu.dma_semaphore, #tpu.memory_space<semaphore_mem>>)
        %dma_wait3A_58 = arith.constant 4680 : i32
        %dma_wait3A_59 = arith.constant 0 : i32
        %dma_wait3A_60 = tpu.memref_slice %arg12[%dma_wait3A_58, %dma_wait3A_59] : memref<5048x128xf32, #tpu.memory_space<vmem_shared>> -> memref<368x128xf32, #tpu.memory_space<vmem_shared>>
        %dma_wait3A_61 = arith.constant 4680 : i32
        %dma_wait3A_62 = arith.constant 0 : i32
        %dma_wait3A_63 = tpu.memref_slice %arg5[%dma_wait3A_61, %dma_wait3A_62] : memref<5048x128xf32, #tpu.memory_space<hbm>> -> memref<368x128xf32, #tpu.memory_space<hbm>>
        tpu.wait_dma2 semaphore(%run_scoped3A_51 : memref<!tpu.dma_semaphore, #tpu.memory_space<semaphore_mem>>) src(%dma_wait3A_63 : memref<368x128xf32, #tpu.memory_space<hbm>>) dst(%dma_wait3A_60 : memref<368x128xf32, #tpu.memory_space<vmem_shared>>)
        tpu.yield
      }) : () -> ()
    } else {
    }
    %barrier3A = arith.constant 0 : index
    tpu.barrier barrier_id(%barrier3A)
    %dma_start3A = arith.constant 0 : i32
    %dma_start3A_9 = arith.constant 0 : i32
    %dma_start3A_10 = tpu.memref_slice %arg7[%dma_start3A, %dma_start3A_9] : memref<160x125xi32, #tpu.memory_space<vmem>> -> memref<1x125xi32, #tpu.memory_space<vmem>>
    %dma_start3A_11 = tpu.memref_squeeze %dma_start3A_10 : memref<1x125xi32, #tpu.memory_space<vmem>> -> memref<125xi32, #tpu.memory_space<vmem>>
    %dma_start3A_12 = arith.constant 0 : i32
    %dma_start3A_13 = arith.constant 0 : i32
    %dma_start3A_14 = tpu.memref_slice %arg2[%dma_start3A_12, %dma_start3A_13] : memref<10000x128xf32, #tpu.memory_space<hbm>> -> memref<10000x128xf32, #tpu.memory_space<hbm>>
    tpu.enqueue_indirect_dma source(%dma_start3A_14 : memref<10000x128xf32, #tpu.memory_space<hbm>>) target(%arg9 : memref<125x128xf32, #tpu.memory_space<vmem>>) offsets(%dma_start3A_11 : memref<125xi32, #tpu.memory_space<vmem>>) semaphore(%arg13 : memref<!tpu.dma_semaphore, #tpu.memory_space<semaphore_mem>>)
    %dma_start3A_15 = arith.constant 1 : i32
    %dma_start3A_16 = arith.constant 0 : i32
    %dma_start3A_17 = tpu.memref_slice %arg7[%dma_start3A_15, %dma_start3A_16] : memref<160x125xi32, #tpu.memory_space<vmem>> -> memref<1x125xi32, #tpu.memory_space<vmem>>
    %dma_start3A_18 = tpu.memref_squeeze %dma_start3A_17 : memref<1x125xi32, #tpu.memory_space<vmem>> -> memref<125xi32, #tpu.memory_space<vmem>>
    %dma_start3A_19 = arith.constant 0 : i32
    %dma_start3A_20 = arith.constant 0 : i32
    %dma_start3A_21 = tpu.memref_slice %arg2[%dma_start3A_19, %dma_start3A_20] : memref<10000x128xf32, #tpu.memory_space<hbm>> -> memref<10000x128xf32, #tpu.memory_space<hbm>>
    tpu.enqueue_indirect_dma source(%dma_start3A_21 : memref<10000x128xf32, #tpu.memory_space<hbm>>) target(%arg10 : memref<125x128xf32, #tpu.memory_space<vmem>>) offsets(%dma_start3A_18 : memref<125xi32, #tpu.memory_space<vmem>>) semaphore(%arg14 : memref<!tpu.dma_semaphore, #tpu.memory_space<semaphore_mem>>)
    %dma_start3A_22 = arith.constant 2 : i32
    %dma_start3A_23 = arith.constant 0 : i32
    %dma_start3A_24 = tpu.memref_slice %arg7[%dma_start3A_22, %dma_start3A_23] : memref<160x125xi32, #tpu.memory_space<vmem>> -> memref<1x125xi32, #tpu.memory_space<vmem>>
    %dma_start3A_25 = tpu.memref_squeeze %dma_start3A_24 : memref<1x125xi32, #tpu.memory_space<vmem>> -> memref<125xi32, #tpu.memory_space<vmem>>
    %dma_start3A_26 = arith.constant 0 : i32
    %dma_start3A_27 = arith.constant 0 : i32
    %dma_start3A_28 = tpu.memref_slice %arg2[%dma_start3A_26, %dma_start3A_27] : memref<10000x128xf32, #tpu.memory_space<hbm>> -> memref<10000x128xf32, #tpu.memory_space<hbm>>
    tpu.enqueue_indirect_dma source(%dma_start3A_28 : memref<10000x128xf32, #tpu.memory_space<hbm>>) target(%arg11 : memref<125x128xf32, #tpu.memory_space<vmem>>) offsets(%dma_start3A_25 : memref<125xi32, #tpu.memory_space<vmem>>) semaphore(%arg15 : memref<!tpu.dma_semaphore, #tpu.memory_space<semaphore_mem>>)
    %scan3A = arith.constant 0 : i32
    %scan3A_29 = arith.constant 0 : i32
    %scan3A_30 = arith.constant 53 : i32
    %scan3A_31 = arith.addi %scan3A_29, %scan3A_30 : i32
    %scan3A_32 = arith.constant 1 : i32
    scf.for %scan3A_51 = %scan3A_29 to %scan3A_31 step %scan3A_32  : i32 {
      %mul3A_52 = arith.constant 3 : i32
      %mul3A_53 = arith.muli %mul3A_52, %scan3A_51 : i32
      %add3A = arith.constant 0 : i32
      %add3A_54 = arith.addi %mul3A_53, %add3A : i32
      %dma_wait3A_55 = arith.constant 0 : i32
      %dma_wait3A_56 = tpu.memref_slice %arg7[%add3A_54, %dma_wait3A_55] : memref<160x125xi32, #tpu.memory_space<vmem>> -> memref<1x125xi32, #tpu.memory_space<vmem>>
      %dma_wait3A_57 = tpu.memref_squeeze %dma_wait3A_56 : memref<1x125xi32, #tpu.memory_space<vmem>> -> memref<125xi32, #tpu.memory_space<vmem>>
      %dma_wait3A_58 = arith.constant 0 : i32
      %dma_wait3A_59 = arith.constant 0 : i32
      %dma_wait3A_60 = tpu.memref_slice %arg2[%dma_wait3A_58, %dma_wait3A_59] : memref<10000x128xf32, #tpu.memory_space<hbm>> -> memref<10000x128xf32, #tpu.memory_space<hbm>>
      tpu.wait_indirect_dma semaphore(%arg13 : memref<!tpu.dma_semaphore, #tpu.memory_space<semaphore_mem>>) src(%dma_wait3A_60 : memref<10000x128xf32, #tpu.memory_space<hbm>>) dst(%arg9 : memref<125x128xf32, #tpu.memory_space<vmem>>)
      "tpu.region"() ({
        %run_scoped3A_102 = tpu.sem_alloc : memref<!tpu.dma_semaphore, #tpu.memory_space<semaphore_mem>>
        %dma_start3A_103 = arith.constant 0 : i32
        %dma_start3A_104 = tpu.memref_slice %arg8[%add3A_54, %dma_start3A_103] : memref<160x125xi32, #tpu.memory_space<vmem>> -> memref<1x125xi32, #tpu.memory_space<vmem>>
        %dma_start3A_105 = tpu.memref_squeeze %dma_start3A_104 : memref<1x125xi32, #tpu.memory_space<vmem>> -> memref<125xi32, #tpu.memory_space<vmem>>
        %dma_start3A_106 = arith.constant 0 : i32
        %dma_start3A_107 = arith.constant 0 : i32
        %dma_start3A_108 = tpu.memref_slice %arg12[%dma_start3A_106, %dma_start3A_107] : memref<5048x128xf32, #tpu.memory_space<vmem_shared>> -> memref<5048x128xf32, #tpu.memory_space<vmem_shared>>
        tpu.enqueue_indirect_dma source(%arg9 : memref<125x128xf32, #tpu.memory_space<vmem>>) target(%dma_start3A_108 : memref<5048x128xf32, #tpu.memory_space<vmem_shared>>) offsets(%dma_start3A_105 : memref<125xi32, #tpu.memory_space<vmem>>) semaphore(%run_scoped3A_102 : memref<!tpu.dma_semaphore, #tpu.memory_space<semaphore_mem>>) {add = true}
        %dma_wait3A_109 = arith.constant 0 : i32
        %dma_wait3A_110 = tpu.memref_slice %arg8[%add3A_54, %dma_wait3A_109] : memref<160x125xi32, #tpu.memory_space<vmem>> -> memref<1x125xi32, #tpu.memory_space<vmem>>
        %dma_wait3A_111 = tpu.memref_squeeze %dma_wait3A_110 : memref<1x125xi32, #tpu.memory_space<vmem>> -> memref<125xi32, #tpu.memory_space<vmem>>
        %dma_wait3A_112 = arith.constant 0 : i32
        %dma_wait3A_113 = arith.constant 0 : i32
        %dma_wait3A_114 = tpu.memref_slice %arg12[%dma_wait3A_112, %dma_wait3A_113] : memref<5048x128xf32, #tpu.memory_space<vmem_shared>> -> memref<5048x128xf32, #tpu.memory_space<vmem_shared>>
        tpu.wait_indirect_dma semaphore(%run_scoped3A_102 : memref<!tpu.dma_semaphore, #tpu.memory_space<semaphore_mem>>) src(%arg9 : memref<125x128xf32, #tpu.memory_space<vmem>>) dst(%dma_wait3A_114 : memref<5048x128xf32, #tpu.memory_space<vmem_shared>>)
        tpu.yield
      }) : () -> ()
      %add3A_61 = arith.constant 3 : i32
      %add3A_62 = arith.addi %add3A_54, %add3A_61 : i32
      %lt3A_63 = arith.constant 160 : i32
      %lt3A_64 = arith.cmpi slt, %add3A_62, %lt3A_63 : i32
      %convert_element_type3A_65 = arith.extui %lt3A_64 : i1 to i32
      %cond3A_66 = arith.constant 0 : i32
      %cond3A_67 = arith.cmpi ne, %convert_element_type3A_65, %cond3A_66 : i32
      scf.if %cond3A_67 {
        %add3A_102 = arith.constant 3 : i32
        %add3A_103 = arith.addi %add3A_54, %add3A_102 : i32
        %dma_start3A_104 = arith.constant 0 : i32
        %dma_start3A_105 = tpu.memref_slice %arg7[%add3A_103, %dma_start3A_104] : memref<160x125xi32, #tpu.memory_space<vmem>> -> memref<1x125xi32, #tpu.memory_space<vmem>>
        %dma_start3A_106 = tpu.memref_squeeze %dma_start3A_105 : memref<1x125xi32, #tpu.memory_space<vmem>> -> memref<125xi32, #tpu.memory_space<vmem>>
        %dma_start3A_107 = arith.constant 0 : i32
        %dma_start3A_108 = arith.constant 0 : i32
        %dma_start3A_109 = tpu.memref_slice %arg2[%dma_start3A_107, %dma_start3A_108] : memref<10000x128xf32, #tpu.memory_space<hbm>> -> memref<10000x128xf32, #tpu.memory_space<hbm>>
        tpu.enqueue_indirect_dma source(%dma_start3A_109 : memref<10000x128xf32, #tpu.memory_space<hbm>>) target(%arg9 : memref<125x128xf32, #tpu.memory_space<vmem>>) offsets(%dma_start3A_106 : memref<125xi32, #tpu.memory_space<vmem>>) semaphore(%arg13 : memref<!tpu.dma_semaphore, #tpu.memory_space<semaphore_mem>>)
      } else {
      }
      %mul3A_68 = arith.constant 3 : i32
      %mul3A_69 = arith.muli %mul3A_68, %scan3A_51 : i32
      %add3A_70 = arith.constant 1 : i32
      %add3A_71 = arith.addi %mul3A_69, %add3A_70 : i32
      %dma_wait3A_72 = arith.constant 0 : i32
      %dma_wait3A_73 = tpu.memref_slice %arg7[%add3A_71, %dma_wait3A_72] : memref<160x125xi32, #tpu.memory_space<vmem>> -> memref<1x125xi32, #tpu.memory_space<vmem>>
      %dma_wait3A_74 = tpu.memref_squeeze %dma_wait3A_73 : memref<1x125xi32, #tpu.memory_space<vmem>> -> memref<125xi32, #tpu.memory_space<vmem>>
      %dma_wait3A_75 = arith.constant 0 : i32
      %dma_wait3A_76 = arith.constant 0 : i32
      %dma_wait3A_77 = tpu.memref_slice %arg2[%dma_wait3A_75, %dma_wait3A_76] : memref<10000x128xf32, #tpu.memory_space<hbm>> -> memref<10000x128xf32, #tpu.memory_space<hbm>>
      tpu.wait_indirect_dma semaphore(%arg14 : memref<!tpu.dma_semaphore, #tpu.memory_space<semaphore_mem>>) src(%dma_wait3A_77 : memref<10000x128xf32, #tpu.memory_space<hbm>>) dst(%arg10 : memref<125x128xf32, #tpu.memory_space<vmem>>)
      "tpu.region"() ({
        %run_scoped3A_102 = tpu.sem_alloc : memref<!tpu.dma_semaphore, #tpu.memory_space<semaphore_mem>>
        %dma_start3A_103 = arith.constant 0 : i32
        %dma_start3A_104 = tpu.memref_slice %arg8[%add3A_71, %dma_start3A_103] : memref<160x125xi32, #tpu.memory_space<vmem>> -> memref<1x125xi32, #tpu.memory_space<vmem>>
        %dma_start3A_105 = tpu.memref_squeeze %dma_start3A_104 : memref<1x125xi32, #tpu.memory_space<vmem>> -> memref<125xi32, #tpu.memory_space<vmem>>
        %dma_start3A_106 = arith.constant 0 : i32
        %dma_start3A_107 = arith.constant 0 : i32
        %dma_start3A_108 = tpu.memref_slice %arg12[%dma_start3A_106, %dma_start3A_107] : memref<5048x128xf32, #tpu.memory_space<vmem_shared>> -> memref<5048x128xf32, #tpu.memory_space<vmem_shared>>
        tpu.enqueue_indirect_dma source(%arg10 : memref<125x128xf32, #tpu.memory_space<vmem>>) target(%dma_start3A_108 : memref<5048x128xf32, #tpu.memory_space<vmem_shared>>) offsets(%dma_start3A_105 : memref<125xi32, #tpu.memory_space<vmem>>) semaphore(%run_scoped3A_102 : memref<!tpu.dma_semaphore, #tpu.memory_space<semaphore_mem>>) {add = true}
        %dma_wait3A_109 = arith.constant 0 : i32
        %dma_wait3A_110 = tpu.memref_slice %arg8[%add3A_71, %dma_wait3A_109] : memref<160x125xi32, #tpu.memory_space<vmem>> -> memref<1x125xi32, #tpu.memory_space<vmem>>
        %dma_wait3A_111 = tpu.memref_squeeze %dma_wait3A_110 : memref<1x125xi32, #tpu.memory_space<vmem>> -> memref<125xi32, #tpu.memory_space<vmem>>
        %dma_wait3A_112 = arith.constant 0 : i32
        %dma_wait3A_113 = arith.constant 0 : i32
        %dma_wait3A_114 = tpu.memref_slice %arg12[%dma_wait3A_112, %dma_wait3A_113] : memref<5048x128xf32, #tpu.memory_space<vmem_shared>> -> memref<5048x128xf32, #tpu.memory_space<vmem_shared>>
        tpu.wait_indirect_dma semaphore(%run_scoped3A_102 : memref<!tpu.dma_semaphore, #tpu.memory_space<semaphore_mem>>) src(%arg10 : memref<125x128xf32, #tpu.memory_space<vmem>>) dst(%dma_wait3A_114 : memref<5048x128xf32, #tpu.memory_space<vmem_shared>>)
        tpu.yield
      }) : () -> ()
      %add3A_78 = arith.constant 3 : i32
      %add3A_79 = arith.addi %add3A_71, %add3A_78 : i32
      %lt3A_80 = arith.constant 160 : i32
      %lt3A_81 = arith.cmpi slt, %add3A_79, %lt3A_80 : i32
      %convert_element_type3A_82 = arith.extui %lt3A_81 : i1 to i32
      %cond3A_83 = arith.constant 0 : i32
      %cond3A_84 = arith.cmpi ne, %convert_element_type3A_82, %cond3A_83 : i32
      scf.if %cond3A_84 {
        %add3A_102 = arith.constant 3 : i32
        %add3A_103 = arith.addi %add3A_71, %add3A_102 : i32
        %dma_start3A_104 = arith.constant 0 : i32
        %dma_start3A_105 = tpu.memref_slice %arg7[%add3A_103, %dma_start3A_104] : memref<160x125xi32, #tpu.memory_space<vmem>> -> memref<1x125xi32, #tpu.memory_space<vmem>>
        %dma_start3A_106 = tpu.memref_squeeze %dma_start3A_105 : memref<1x125xi32, #tpu.memory_space<vmem>> -> memref<125xi32, #tpu.memory_space<vmem>>
        %dma_start3A_107 = arith.constant 0 : i32
        %dma_start3A_108 = arith.constant 0 : i32
        %dma_start3A_109 = tpu.memref_slice %arg2[%dma_start3A_107, %dma_start3A_108] : memref<10000x128xf32, #tpu.memory_space<hbm>> -> memref<10000x128xf32, #tpu.memory_space<hbm>>
        tpu.enqueue_indirect_dma source(%dma_start3A_109 : memref<10000x128xf32, #tpu.memory_space<hbm>>) target(%arg10 : memref<125x128xf32, #tpu.memory_space<vmem>>) offsets(%dma_start3A_106 : memref<125xi32, #tpu.memory_space<vmem>>) semaphore(%arg14 : memref<!tpu.dma_semaphore, #tpu.memory_space<semaphore_mem>>)
      } else {
      }
      %mul3A_85 = arith.constant 3 : i32
      %mul3A_86 = arith.muli %mul3A_85, %scan3A_51 : i32
      %add3A_87 = arith.constant 2 : i32
      %add3A_88 = arith.addi %mul3A_86, %add3A_87 : i32
      %dma_wait3A_89 = arith.constant 0 : i32
      %dma_wait3A_90 = tpu.memref_slice %arg7[%add3A_88, %dma_wait3A_89] : memref<160x125xi32, #tpu.memory_space<vmem>> -> memref<1x125xi32, #tpu.memory_space<vmem>>
      %dma_wait3A_91 = tpu.memref_squeeze %dma_wait3A_90 : memref<1x125xi32, #tpu.memory_space<vmem>> -> memref<125xi32, #tpu.memory_space<vmem>>
      %dma_wait3A_92 = arith.constant 0 : i32
      %dma_wait3A_93 = arith.constant 0 : i32
      %dma_wait3A_94 = tpu.memref_slice %arg2[%dma_wait3A_92, %dma_wait3A_93] : memref<10000x128xf32, #tpu.memory_space<hbm>> -> memref<10000x128xf32, #tpu.memory_space<hbm>>
      tpu.wait_indirect_dma semaphore(%arg15 : memref<!tpu.dma_semaphore, #tpu.memory_space<semaphore_mem>>) src(%dma_wait3A_94 : memref<10000x128xf32, #tpu.memory_space<hbm>>) dst(%arg11 : memref<125x128xf32, #tpu.memory_space<vmem>>)
      "tpu.region"() ({
        %run_scoped3A_102 = tpu.sem_alloc : memref<!tpu.dma_semaphore, #tpu.memory_space<semaphore_mem>>
        %dma_start3A_103 = arith.constant 0 : i32
        %dma_start3A_104 = tpu.memref_slice %arg8[%add3A_88, %dma_start3A_103] : memref<160x125xi32, #tpu.memory_space<vmem>> -> memref<1x125xi32, #tpu.memory_space<vmem>>
        %dma_start3A_105 = tpu.memref_squeeze %dma_start3A_104 : memref<1x125xi32, #tpu.memory_space<vmem>> -> memref<125xi32, #tpu.memory_space<vmem>>
        %dma_start3A_106 = arith.constant 0 : i32
        %dma_start3A_107 = arith.constant 0 : i32
        %dma_start3A_108 = tpu.memref_slice %arg12[%dma_start3A_106, %dma_start3A_107] : memref<5048x128xf32, #tpu.memory_space<vmem_shared>> -> memref<5048x128xf32, #tpu.memory_space<vmem_shared>>
        tpu.enqueue_indirect_dma source(%arg11 : memref<125x128xf32, #tpu.memory_space<vmem>>) target(%dma_start3A_108 : memref<5048x128xf32, #tpu.memory_space<vmem_shared>>) offsets(%dma_start3A_105 : memref<125xi32, #tpu.memory_space<vmem>>) semaphore(%run_scoped3A_102 : memref<!tpu.dma_semaphore, #tpu.memory_space<semaphore_mem>>) {add = true}
        %dma_wait3A_109 = arith.constant 0 : i32
        %dma_wait3A_110 = tpu.memref_slice %arg8[%add3A_88, %dma_wait3A_109] : memref<160x125xi32, #tpu.memory_space<vmem>> -> memref<1x125xi32, #tpu.memory_space<vmem>>
        %dma_wait3A_111 = tpu.memref_squeeze %dma_wait3A_110 : memref<1x125xi32, #tpu.memory_space<vmem>> -> memref<125xi32, #tpu.memory_space<vmem>>
        %dma_wait3A_112 = arith.constant 0 : i32
        %dma_wait3A_113 = arith.constant 0 : i32
        %dma_wait3A_114 = tpu.memref_slice %arg12[%dma_wait3A_112, %dma_wait3A_113] : memref<5048x128xf32, #tpu.memory_space<vmem_shared>> -> memref<5048x128xf32, #tpu.memory_space<vmem_shared>>
        tpu.wait_indirect_dma semaphore(%run_scoped3A_102 : memref<!tpu.dma_semaphore, #tpu.memory_space<semaphore_mem>>) src(%arg11 : memref<125x128xf32, #tpu.memory_space<vmem>>) dst(%dma_wait3A_114 : memref<5048x128xf32, #tpu.memory_space<vmem_shared>>)
        tpu.yield
      }) : () -> ()
      %add3A_95 = arith.constant 3 : i32
      %add3A_96 = arith.addi %add3A_88, %add3A_95 : i32
      %lt3A_97 = arith.constant 160 : i32
      %lt3A_98 = arith.cmpi slt, %add3A_96, %lt3A_97 : i32
      %convert_element_type3A_99 = arith.extui %lt3A_98 : i1 to i32
      %cond3A_100 = arith.constant 0 : i32
      %cond3A_101 = arith.cmpi ne, %convert_element_type3A_99, %cond3A_100 : i32
      scf.if %cond3A_101 {
        %add3A_102 = arith.constant 3 : i32
        %add3A_103 = arith.addi %add3A_88, %add3A_102 : i32
        %dma_start3A_104 = arith.constant 0 : i32
        %dma_start3A_105 = tpu.memref_slice %arg7[%add3A_103, %dma_start3A_104] : memref<160x125xi32, #tpu.memory_space<vmem>> -> memref<1x125xi32, #tpu.memory_space<vmem>>
        %dma_start3A_106 = tpu.memref_squeeze %dma_start3A_105 : memref<1x125xi32, #tpu.memory_space<vmem>> -> memref<125xi32, #tpu.memory_space<vmem>>
        %dma_start3A_107 = arith.constant 0 : i32
        %dma_start3A_108 = arith.constant 0 : i32
        %dma_start3A_109 = tpu.memref_slice %arg2[%dma_start3A_107, %dma_start3A_108] : memref<10000x128xf32, #tpu.memory_space<hbm>> -> memref<10000x128xf32, #tpu.memory_space<hbm>>
        tpu.enqueue_indirect_dma source(%dma_start3A_109 : memref<10000x128xf32, #tpu.memory_space<hbm>>) target(%arg11 : memref<125x128xf32, #tpu.memory_space<vmem>>) offsets(%dma_start3A_106 : memref<125xi32, #tpu.memory_space<vmem>>) semaphore(%arg15 : memref<!tpu.dma_semaphore, #tpu.memory_space<semaphore_mem>>)
      } else {
      }
    }
    %scan3A_33 = arith.constant 53 : i32
    %dma_wait3A = arith.constant 159 : i32
    %dma_wait3A_34 = arith.constant 0 : i32
    %dma_wait3A_35 = tpu.memref_slice %arg7[%dma_wait3A, %dma_wait3A_34] : memref<160x125xi32, #tpu.memory_space<vmem>> -> memref<1x125xi32, #tpu.memory_space<vmem>>
    %dma_wait3A_36 = tpu.memref_squeeze %dma_wait3A_35 : memref<1x125xi32, #tpu.memory_space<vmem>> -> memref<125xi32, #tpu.memory_space<vmem>>
    %dma_wait3A_37 = arith.constant 0 : i32
    %dma_wait3A_38 = arith.constant 0 : i32
    %dma_wait3A_39 = tpu.memref_slice %arg2[%dma_wait3A_37, %dma_wait3A_38] : memref<10000x128xf32, #tpu.memory_space<hbm>> -> memref<10000x128xf32, #tpu.memory_space<hbm>>
    tpu.wait_indirect_dma semaphore(%arg13 : memref<!tpu.dma_semaphore, #tpu.memory_space<semaphore_mem>>) src(%dma_wait3A_39 : memref<10000x128xf32, #tpu.memory_space<hbm>>) dst(%arg9 : memref<125x128xf32, #tpu.memory_space<vmem>>)
    %run_scoped3A = arith.constant 159 : i32
    "tpu.region"() ({
      %run_scoped3A_51 = tpu.sem_alloc : memref<!tpu.dma_semaphore, #tpu.memory_space<semaphore_mem>>
      %dma_start3A_52 = arith.constant 0 : i32
      %dma_start3A_53 = tpu.memref_slice %arg8[%run_scoped3A, %dma_start3A_52] : memref<160x125xi32, #tpu.memory_space<vmem>> -> memref<1x125xi32, #tpu.memory_space<vmem>>
      %dma_start3A_54 = tpu.memref_squeeze %dma_start3A_53 : memref<1x125xi32, #tpu.memory_space<vmem>> -> memref<125xi32, #tpu.memory_space<vmem>>
      %dma_start3A_55 = arith.constant 0 : i32
      %dma_start3A_56 = arith.constant 0 : i32
      %dma_start3A_57 = tpu.memref_slice %arg12[%dma_start3A_55, %dma_start3A_56] : memref<5048x128xf32, #tpu.memory_space<vmem_shared>> -> memref<5048x128xf32, #tpu.memory_space<vmem_shared>>
      tpu.enqueue_indirect_dma source(%arg9 : memref<125x128xf32, #tpu.memory_space<vmem>>) target(%dma_start3A_57 : memref<5048x128xf32, #tpu.memory_space<vmem_shared>>) offsets(%dma_start3A_54 : memref<125xi32, #tpu.memory_space<vmem>>) semaphore(%run_scoped3A_51 : memref<!tpu.dma_semaphore, #tpu.memory_space<semaphore_mem>>) {add = true}
      %dma_wait3A_58 = arith.constant 0 : i32
      %dma_wait3A_59 = tpu.memref_slice %arg8[%run_scoped3A, %dma_wait3A_58] : memref<160x125xi32, #tpu.memory_space<vmem>> -> memref<1x125xi32, #tpu.memory_space<vmem>>
      %dma_wait3A_60 = tpu.memref_squeeze %dma_wait3A_59 : memref<1x125xi32, #tpu.memory_space<vmem>> -> memref<125xi32, #tpu.memory_space<vmem>>
      %dma_wait3A_61 = arith.constant 0 : i32
      %dma_wait3A_62 = arith.constant 0 : i32
      %dma_wait3A_63 = tpu.memref_slice %arg12[%dma_wait3A_61, %dma_wait3A_62] : memref<5048x128xf32, #tpu.memory_space<vmem_shared>> -> memref<5048x128xf32, #tpu.memory_space<vmem_shared>>
      tpu.wait_indirect_dma semaphore(%run_scoped3A_51 : memref<!tpu.dma_semaphore, #tpu.memory_space<semaphore_mem>>) src(%arg9 : memref<125x128xf32, #tpu.memory_space<vmem>>) dst(%dma_wait3A_63 : memref<5048x128xf32, #tpu.memory_space<vmem_shared>>)
      tpu.yield
    }) : () -> ()
    %barrier3A_40 = arith.constant 0 : index
    tpu.barrier barrier_id(%barrier3A_40)
    %lt3A_41 = arith.constant 15 : i32
    %lt3A_42 = arith.cmpi slt, %arg1, %lt3A_41 : i32
    %convert_element_type3A_43 = arith.extui %lt3A_42 : i1 to i32
    %cond3A_44 = arith.constant 0 : i32
    %cond3A_45 = arith.cmpi ne, %convert_element_type3A_43, %cond3A_44 : i32
    scf.if %cond3A_45 {
      %mul3A_51 = arith.constant 312 : i32
      %mul3A_52 = arith.muli %arg1, %mul3A_51 : i32
      %mul3A_53 = arith.constant 312 : i32
      %mul3A_54 = arith.muli %arg1, %mul3A_53 : i32
      "tpu.region"() ({
        %run_scoped3A_55 = tpu.sem_alloc : memref<!tpu.dma_semaphore, #tpu.memory_space<semaphore_mem>>
        %dma_start3A_56 = arith.constant 0 : i32
        %dma_start3A_57 = tpu.memref_slice %arg6[%arg0, %mul3A_54, %dma_start3A_56] : memref<2x5000x128xf32, #tpu.memory_space<hbm>> -> memref<1x312x128xf32, #tpu.memory_space<hbm>>
        %dma_start3A_58 = tpu.memref_squeeze %dma_start3A_57 : memref<1x312x128xf32, #tpu.memory_space<hbm>> -> memref<312x128xf32, #tpu.memory_space<hbm>>
        %dma_start3A_59 = arith.constant 0 : i32
        %dma_start3A_60 = tpu.memref_slice %arg12[%mul3A_52, %dma_start3A_59] : memref<5048x128xf32, #tpu.memory_space<vmem_shared>> -> memref<312x128xf32, #tpu.memory_space<vmem_shared>>
        tpu.enqueue_dma source(%dma_start3A_60 : memref<312x128xf32, #tpu.memory_space<vmem_shared>>) target(%dma_start3A_58 : memref<312x128xf32, #tpu.memory_space<hbm>>) target_semaphore(%run_scoped3A_55 : memref<!tpu.dma_semaphore, #tpu.memory_space<semaphore_mem>>)
        %dma_wait3A_61 = arith.constant 0 : i32
        %dma_wait3A_62 = tpu.memref_slice %arg6[%arg0, %mul3A_54, %dma_wait3A_61] : memref<2x5000x128xf32, #tpu.memory_space<hbm>> -> memref<1x312x128xf32, #tpu.memory_space<hbm>>
        %dma_wait3A_63 = tpu.memref_squeeze %dma_wait3A_62 : memref<1x312x128xf32, #tpu.memory_space<hbm>> -> memref<312x128xf32, #tpu.memory_space<hbm>>
        %dma_wait3A_64 = arith.constant 0 : i32
        %dma_wait3A_65 = tpu.memref_slice %arg12[%mul3A_52, %dma_wait3A_64] : memref<5048x128xf32, #tpu.memory_space<vmem_shared>> -> memref<312x128xf32, #tpu.memory_space<vmem_shared>>
        tpu.wait_dma2 semaphore(%run_scoped3A_55 : memref<!tpu.dma_semaphore, #tpu.memory_space<semaphore_mem>>) src(%dma_wait3A_65 : memref<312x128xf32, #tpu.memory_space<vmem_shared>>) dst(%dma_wait3A_63 : memref<312x128xf32, #tpu.memory_space<hbm>>)
        tpu.yield
      }) : () -> ()
    } else {
    }
    %eq3A_46 = arith.constant 15 : i32
    %eq3A_47 = arith.cmpi eq, %arg1, %eq3A_46 : i32
    %convert_element_type3A_48 = arith.extui %eq3A_47 : i1 to i32
    %cond3A_49 = arith.constant 0 : i32
    %cond3A_50 = arith.cmpi ne, %convert_element_type3A_48, %cond3A_49 : i32
    scf.if %cond3A_50 {
      "tpu.region"() ({
        %run_scoped3A_51 = tpu.sem_alloc : memref<!tpu.dma_semaphore, #tpu.memory_space<semaphore_mem>>
        %dma_start3A_52 = arith.constant 4680 : i32
        %dma_start3A_53 = arith.constant 0 : i32
        %dma_start3A_54 = tpu.memref_slice %arg6[%arg0, %dma_start3A_52, %dma_start3A_53] : memref<2x5000x128xf32, #tpu.memory_space<hbm>> -> memref<1x320x128xf32, #tpu.memory_space<hbm>>
        %dma_start3A_55 = tpu.memref_squeeze %dma_start3A_54 : memref<1x320x128xf32, #tpu.memory_space<hbm>> -> memref<320x128xf32, #tpu.memory_space<hbm>>
        %dma_start3A_56 = arith.constant 4680 : i32
        %dma_start3A_57 = arith.constant 0 : i32
        %dma_start3A_58 = tpu.memref_slice %arg12[%dma_start3A_56, %dma_start3A_57] : memref<5048x128xf32, #tpu.memory_space<vmem_shared>> -> memref<320x128xf32, #tpu.memory_space<vmem_shared>>
        tpu.enqueue_dma source(%dma_start3A_58 : memref<320x128xf32, #tpu.memory_space<vmem_shared>>) target(%dma_start3A_55 : memref<320x128xf32, #tpu.memory_space<hbm>>) target_semaphore(%run_scoped3A_51 : memref<!tpu.dma_semaphore, #tpu.memory_space<semaphore_mem>>)
        %dma_wait3A_59 = arith.constant 4680 : i32
        %dma_wait3A_60 = arith.constant 0 : i32
        %dma_wait3A_61 = tpu.memref_slice %arg6[%arg0, %dma_wait3A_59, %dma_wait3A_60] : memref<2x5000x128xf32, #tpu.memory_space<hbm>> -> memref<1x320x128xf32, #tpu.memory_space<hbm>>
        %dma_wait3A_62 = tpu.memref_squeeze %dma_wait3A_61 : memref<1x320x128xf32, #tpu.memory_space<hbm>> -> memref<320x128xf32, #tpu.memory_space<hbm>>
        %dma_wait3A_63 = arith.constant 4680 : i32
        %dma_wait3A_64 = arith.constant 0 : i32
        %dma_wait3A_65 = tpu.memref_slice %arg12[%dma_wait3A_63, %dma_wait3A_64] : memref<5048x128xf32, #tpu.memory_space<vmem_shared>> -> memref<320x128xf32, #tpu.memory_space<vmem_shared>>
        tpu.wait_dma2 semaphore(%run_scoped3A_51 : memref<!tpu.dma_semaphore, #tpu.memory_space<semaphore_mem>>) src(%dma_wait3A_65 : memref<320x128xf32, #tpu.memory_space<vmem_shared>>) dst(%dma_wait3A_62 : memref<320x128xf32, #tpu.memory_space<hbm>>)
        tpu.yield
      }) : () -> ()
    } else {
    }
    return
  }
}

#map = affine_map<(d0, d1) -> (0, 0)>
#map1 = affine_map<(d0, d1) -> (0)>
module attributes {stable_mosaic.version = 14 : i64} {
  func.func @k(%arg0: i32, %arg1: i32, %arg2: memref<6400x50xi32, #tpu.memory_space<hbm>>, %arg3: memref<10240xf32, #tpu.memory_space<hbm>>, %arg4: memref<2x10240xf32, #tpu.memory_space<hbm>>, %arg5: memref<200x50xi32, #tpu.memory_space<vmem>>, %arg6: memref<50xf32, #tpu.memory_space<vmem>>, %arg7: memref<10240xf32, #tpu.memory_space<vmem_shared>>) attributes {dimension_semantics = [#tpu.dimension_semantics<core_parallel>, #tpu.dimension_semantics<subcore_parallel>], iteration_bounds = array<i64: 2, 16>, scalar_prefetch = 0 : i64, scratch_operands = 3 : i64, tpu.core_type = #tpu.core_type<sc_vector_subcore>, window_params = [{transform_indices = #map}, {transform_indices = #map1}, {transform_indices = #map}]} {
    %mul3A = arith.constant 16 : i32
    %mul3A_0 = arith.muli %arg0, %mul3A : i32
    %add3A = arith.addi %mul3A_0, %arg1 : i32
    %mul3A_1 = arith.constant 200 : i32
    %mul3A_2 = arith.muli %add3A, %mul3A_1 : i32
    "tpu.region"() ({
      %run_scoped3A = tpu.sem_alloc : memref<!tpu.dma_semaphore, #tpu.memory_space<semaphore_mem>>
      %dma_start3A = arith.constant 0 : i32
      %dma_start3A_39 = tpu.memref_slice %arg2[%mul3A_2, %dma_start3A] : memref<6400x50xi32, #tpu.memory_space<hbm>> -> memref<200x50xi32, #tpu.memory_space<hbm>>
      %dma_start3A_40 = arith.constant 0 : i32
      %dma_start3A_41 = tpu.memref_slice %arg2[%mul3A_2, %dma_start3A_40] : memref<6400x50xi32, #tpu.memory_space<hbm>> -> memref<200x50xi32, #tpu.memory_space<hbm>>
      tpu.enqueue_dma source(%dma_start3A_41 : memref<200x50xi32, #tpu.memory_space<hbm>>) target(%arg5 : memref<200x50xi32, #tpu.memory_space<vmem>>) target_semaphore(%run_scoped3A : memref<!tpu.dma_semaphore, #tpu.memory_space<semaphore_mem>>)
      %dma_wait3A = arith.constant 0 : i32
      %dma_wait3A_42 = tpu.memref_slice %arg2[%mul3A_2, %dma_wait3A] : memref<6400x50xi32, #tpu.memory_space<hbm>> -> memref<200x50xi32, #tpu.memory_space<hbm>>
      %dma_wait3A_43 = arith.constant 0 : i32
      %dma_wait3A_44 = tpu.memref_slice %arg2[%mul3A_2, %dma_wait3A_43] : memref<6400x50xi32, #tpu.memory_space<hbm>> -> memref<200x50xi32, #tpu.memory_space<hbm>>
      tpu.wait_dma2 semaphore(%run_scoped3A : memref<!tpu.dma_semaphore, #tpu.memory_space<semaphore_mem>>) src(%dma_wait3A_44 : memref<200x50xi32, #tpu.memory_space<hbm>>) dst(%arg5 : memref<200x50xi32, #tpu.memory_space<vmem>>)
      tpu.yield
    }) : () -> ()
    %broadcast_in_dim3A = arith.constant 1.000000e+00 : f32
    %broadcast_in_dim3A_3 = vector.broadcast %broadcast_in_dim3A : f32 to vector<16xf32>
    %swap3A = arith.constant 0 : index
    %swap3A_4 = tpu.vector_load %arg6[%swap3A] {strides = array<i32>} : memref<50xf32, #tpu.memory_space<vmem>>, vector<16xf32>,
    %swap3A_5 = vector.shape_cast %swap3A_4 : vector<16xf32> to vector<16xf32>
    %swap3A_6 = vector.shape_cast %broadcast_in_dim3A_3 : vector<16xf32> to vector<16xf32>
    tpu.vector_store %arg6[%swap3A], %swap3A_6 {strides = array<i32>} : memref<50xf32, #tpu.memory_space<vmem>>, vector<16xf32>,
    %broadcast_in_dim3A_7 = arith.constant 1.000000e+00 : f32
    %broadcast_in_dim3A_8 = vector.broadcast %broadcast_in_dim3A_7 : f32 to vector<16xf32>
    %swap3A_9 = arith.constant 16 : index
    %swap3A_10 = tpu.vector_load %arg6[%swap3A_9] {strides = array<i32>} : memref<50xf32, #tpu.memory_space<vmem>>, vector<16xf32>,
    %swap3A_11 = vector.shape_cast %swap3A_10 : vector<16xf32> to vector<16xf32>
    %swap3A_12 = vector.shape_cast %broadcast_in_dim3A_8 : vector<16xf32> to vector<16xf32>
    tpu.vector_store %arg6[%swap3A_9], %swap3A_12 {strides = array<i32>} : memref<50xf32, #tpu.memory_space<vmem>>, vector<16xf32>,
    %broadcast_in_dim3A_13 = arith.constant 1.000000e+00 : f32
    %broadcast_in_dim3A_14 = vector.broadcast %broadcast_in_dim3A_13 : f32 to vector<16xf32>
    %swap3A_15 = arith.constant 32 : index
    %swap3A_16 = tpu.vector_load %arg6[%swap3A_15] {strides = array<i32>} : memref<50xf32, #tpu.memory_space<vmem>>, vector<16xf32>,
    %swap3A_17 = vector.shape_cast %swap3A_16 : vector<16xf32> to vector<16xf32>
    %swap3A_18 = vector.shape_cast %broadcast_in_dim3A_14 : vector<16xf32> to vector<16xf32>
    tpu.vector_store %arg6[%swap3A_15], %swap3A_18 {strides = array<i32>} : memref<50xf32, #tpu.memory_space<vmem>>, vector<16xf32>,
    %broadcast_in_dim3A_19 = arith.constant 1.000000e+00 : f32
    %broadcast_in_dim3A_20 = vector.broadcast %broadcast_in_dim3A_19 : f32 to vector<16xf32>
    %swap3A_21 = arith.constant 34 : index
    %swap3A_22 = tpu.vector_load %arg6[%swap3A_21] {strides = array<i32>} : memref<50xf32, #tpu.memory_space<vmem>>, vector<16xf32>,
    %swap3A_23 = vector.shape_cast %swap3A_22 : vector<16xf32> to vector<16xf32>
    %swap3A_24 = vector.shape_cast %broadcast_in_dim3A_20 : vector<16xf32> to vector<16xf32>
    tpu.vector_store %arg6[%swap3A_21], %swap3A_24 {strides = array<i32>} : memref<50xf32, #tpu.memory_space<vmem>>, vector<16xf32>,
    %mul3A_25 = arith.constant 640 : i32
    %mul3A_26 = arith.muli %arg1, %mul3A_25 : i32
    %mul3A_27 = arith.constant 640 : i32
    %mul3A_28 = arith.muli %arg1, %mul3A_27 : i32
    "tpu.region"() ({
      %run_scoped3A = tpu.sem_alloc : memref<!tpu.dma_semaphore, #tpu.memory_space<semaphore_mem>>
      %dma_start3A = tpu.memref_slice %arg7[%mul3A_28] : memref<10240xf32, #tpu.memory_space<vmem_shared>> -> memref<640xf32, #tpu.memory_space<vmem_shared>>
      %dma_start3A_39 = tpu.memref_slice %arg3[%mul3A_26] : memref<10240xf32, #tpu.memory_space<hbm>> -> memref<640xf32, #tpu.memory_space<hbm>>
      tpu.enqueue_dma source(%dma_start3A_39 : memref<640xf32, #tpu.memory_space<hbm>>) target(%dma_start3A : memref<640xf32, #tpu.memory_space<vmem_shared>>) target_semaphore(%run_scoped3A : memref<!tpu.dma_semaphore, #tpu.memory_space<semaphore_mem>>)
      %dma_wait3A = tpu.memref_slice %arg7[%mul3A_28] : memref<10240xf32, #tpu.memory_space<vmem_shared>> -> memref<640xf32, #tpu.memory_space<vmem_shared>>
      %dma_wait3A_40 = tpu.memref_slice %arg3[%mul3A_26] : memref<10240xf32, #tpu.memory_space<hbm>> -> memref<640xf32, #tpu.memory_space<hbm>>
      tpu.wait_dma2 semaphore(%run_scoped3A : memref<!tpu.dma_semaphore, #tpu.memory_space<semaphore_mem>>) src(%dma_wait3A_40 : memref<640xf32, #tpu.memory_space<hbm>>) dst(%dma_wait3A : memref<640xf32, #tpu.memory_space<vmem_shared>>)
      tpu.yield
    }) : () -> ()
    %barrier3A = arith.constant 0 : index
    tpu.barrier barrier_id(%barrier3A)
    %scan3A = arith.constant 0 : i32
    %scan3A_29 = arith.constant 0 : i32
    %scan3A_30 = arith.constant 200 : i32
    %scan3A_31 = arith.addi %scan3A_29, %scan3A_30 : i32
    %scan3A_32 = arith.constant 1 : i32
    scf.for %scan3A_39 = %scan3A_29 to %scan3A_31 step %scan3A_32  : i32 {
      "tpu.region"() ({
        %run_scoped3A = tpu.sem_alloc : memref<!tpu.dma_semaphore, #tpu.memory_space<semaphore_mem>>
        %dma_start3A = arith.constant 0 : i32
        %dma_start3A_40 = tpu.memref_slice %arg5[%scan3A_39, %dma_start3A] : memref<200x50xi32, #tpu.memory_space<vmem>> -> memref<1x50xi32, #tpu.memory_space<vmem>>
        %dma_start3A_41 = tpu.memref_squeeze %dma_start3A_40 : memref<1x50xi32, #tpu.memory_space<vmem>> -> memref<50xi32, #tpu.memory_space<vmem>>
        %dma_start3A_42 = arith.constant 0 : i32
        %dma_start3A_43 = tpu.memref_slice %arg7[%dma_start3A_42] : memref<10240xf32, #tpu.memory_space<vmem_shared>> -> memref<10240xf32, #tpu.memory_space<vmem_shared>>
        tpu.enqueue_indirect_dma source(%arg6 : memref<50xf32, #tpu.memory_space<vmem>>) target(%dma_start3A_43 : memref<10240xf32, #tpu.memory_space<vmem_shared>>) offsets(%dma_start3A_41 : memref<50xi32, #tpu.memory_space<vmem>>) semaphore(%run_scoped3A : memref<!tpu.dma_semaphore, #tpu.memory_space<semaphore_mem>>) {add = true}
        %dma_wait3A = arith.constant 0 : i32
        %dma_wait3A_44 = tpu.memref_slice %arg5[%scan3A_39, %dma_wait3A] : memref<200x50xi32, #tpu.memory_space<vmem>> -> memref<1x50xi32, #tpu.memory_space<vmem>>
        %dma_wait3A_45 = tpu.memref_squeeze %dma_wait3A_44 : memref<1x50xi32, #tpu.memory_space<vmem>> -> memref<50xi32, #tpu.memory_space<vmem>>
        %dma_wait3A_46 = arith.constant 0 : i32
        %dma_wait3A_47 = tpu.memref_slice %arg7[%dma_wait3A_46] : memref<10240xf32, #tpu.memory_space<vmem_shared>> -> memref<10240xf32, #tpu.memory_space<vmem_shared>>
        tpu.wait_indirect_dma semaphore(%run_scoped3A : memref<!tpu.dma_semaphore, #tpu.memory_space<semaphore_mem>>) src(%arg6 : memref<50xf32, #tpu.memory_space<vmem>>) dst(%dma_wait3A_47 : memref<10240xf32, #tpu.memory_space<vmem_shared>>)
        tpu.yield
      }) : () -> ()
    }
    %scan3A_33 = arith.constant 200 : i32
    %barrier3A_34 = arith.constant 0 : index
    tpu.barrier barrier_id(%barrier3A_34)
    %mul3A_35 = arith.constant 640 : i32
    %mul3A_36 = arith.muli %arg1, %mul3A_35 : i32
    %mul3A_37 = arith.constant 640 : i32
    %mul3A_38 = arith.muli %arg1, %mul3A_37 : i32
    "tpu.region"() ({
      %run_scoped3A = tpu.sem_alloc : memref<!tpu.dma_semaphore, #tpu.memory_space<semaphore_mem>>
      %dma_start3A = tpu.memref_slice %arg4[%arg0, %mul3A_38] : memref<2x10240xf32, #tpu.memory_space<hbm>> -> memref<1x640xf32, #tpu.memory_space<hbm>>
      %dma_start3A_39 = tpu.memref_squeeze %dma_start3A : memref<1x640xf32, #tpu.memory_space<hbm>> -> memref<640xf32, #tpu.memory_space<hbm>>
      %dma_start3A_40 = tpu.memref_slice %arg7[%mul3A_36] : memref<10240xf32, #tpu.memory_space<vmem_shared>> -> memref<640xf32, #tpu.memory_space<vmem_shared>>
      tpu.enqueue_dma source(%dma_start3A_40 : memref<640xf32, #tpu.memory_space<vmem_shared>>) target(%dma_start3A_39 : memref<640xf32, #tpu.memory_space<hbm>>) target_semaphore(%run_scoped3A : memref<!tpu.dma_semaphore, #tpu.memory_space<semaphore_mem>>)
      %dma_wait3A = tpu.memref_slice %arg4[%arg0, %mul3A_38] : memref<2x10240xf32, #tpu.memory_space<hbm>> -> memref<1x640xf32, #tpu.memory_space<hbm>>
      %dma_wait3A_41 = tpu.memref_squeeze %dma_wait3A : memref<1x640xf32, #tpu.memory_space<hbm>> -> memref<640xf32, #tpu.memory_space<hbm>>
      %dma_wait3A_42 = tpu.memref_slice %arg7[%mul3A_36] : memref<10240xf32, #tpu.memory_space<vmem_shared>> -> memref<640xf32, #tpu.memory_space<vmem_shared>>
      tpu.wait_dma2 semaphore(%run_scoped3A : memref<!tpu.dma_semaphore, #tpu.memory_space<semaphore_mem>>) src(%dma_wait3A_42 : memref<640xf32, #tpu.memory_space<vmem_shared>>) dst(%dma_wait3A_41 : memref<640xf32, #tpu.memory_space<hbm>>)
      tpu.yield
    }) : () -> ()
    return
  }
}

#map = affine_map<(d0, d1) -> (0, 0)>
#map1 = affine_map<(d0, d1) -> (0, 0, 0)>
module attributes {stable_mosaic.version = 14 : i64} {
  func.func @k(%arg0: i32, %arg1: i32, %arg2: memref<10000x128xf32, #tpu.memory_space<hbm>>, %arg3: memref<2560x125xi32, #tpu.memory_space<hbm>>, %arg4: memref<2x2560x125xi32, #tpu.memory_space<hbm>>, %arg5: memref<5048x128xf32, #tpu.memory_space<hbm>>, %arg6: memref<2x5000x128xf32, #tpu.memory_space<hbm>>, %arg7: memref<160x125xi32, #tpu.memory_space<vmem>>, %arg8: memref<160x125xi32, #tpu.memory_space<vmem>>, %arg9: memref<125x128xf32, #tpu.memory_space<vmem>>, %arg10: memref<125x128xf32, #tpu.memory_space<vmem>>, %arg11: memref<125x128xf32, #tpu.memory_space<vmem>>, %arg12: memref<5048x128xf32, #tpu.memory_space<vmem_shared>>, %arg13: memref<!tpu.dma_semaphore, #tpu.memory_space<semaphore_mem>>, %arg14: memref<!tpu.dma_semaphore, #tpu.memory_space<semaphore_mem>>, %arg15: memref<!tpu.dma_semaphore, #tpu.memory_space<semaphore_mem>>) attributes {dimension_semantics = [#tpu.dimension_semantics<core_parallel>, #tpu.dimension_semantics<subcore_parallel>], iteration_bounds = array<i64: 2, 16>, scalar_prefetch = 0 : i64, scratch_operands = 9 : i64, tpu.core_type = #tpu.core_type<sc_vector_subcore>, window_params = [{transform_indices = #map}, {transform_indices = #map}, {transform_indices = #map1}, {transform_indices = #map}, {transform_indices = #map1}]} {
    %mul3A = arith.constant 160 : i32
    %mul3A_0 = arith.muli %arg1, %mul3A : i32
    "tpu.region"() ({
      %run_scoped3A_51 = tpu.sem_alloc : memref<!tpu.dma_semaphore, #tpu.memory_space<semaphore_mem>>
      %dma_start3A_52 = arith.constant 0 : i32
      %dma_start3A_53 = tpu.memref_slice %arg3[%mul3A_0, %dma_start3A_52] : memref<2560x125xi32, #tpu.memory_space<hbm>> -> memref<160x125xi32, #tpu.memory_space<hbm>>
      %dma_start3A_54 = arith.constant 0 : i32
      %dma_start3A_55 = tpu.memref_slice %arg3[%mul3A_0, %dma_start3A_54] : memref<2560x125xi32, #tpu.memory_space<hbm>> -> memref<160x125xi32, #tpu.memory_space<hbm>>
      tpu.enqueue_dma source(%dma_start3A_55 : memref<160x125xi32, #tpu.memory_space<hbm>>) target(%arg7 : memref<160x125xi32, #tpu.memory_space<vmem>>) target_semaphore(%run_scoped3A_51 : memref<!tpu.dma_semaphore, #tpu.memory_space<semaphore_mem>>)
      %dma_wait3A_56 = arith.constant 0 : i32
      %dma_wait3A_57 = tpu.memref_slice %arg3[%mul3A_0, %dma_wait3A_56] : memref<2560x125xi32, #tpu.memory_space<hbm>> -> memref<160x125xi32, #tpu.memory_space<hbm>>
      %dma_wait3A_58 = arith.constant 0 : i32
      %dma_wait3A_59 = tpu.memref_slice %arg3[%mul3A_0, %dma_wait3A_58] : memref<2560x125xi32, #tpu.memory_space<hbm>> -> memref<160x125xi32, #tpu.memory_space<hbm>>
      tpu.wait_dma2 semaphore(%run_scoped3A_51 : memref<!tpu.dma_semaphore, #tpu.memory_space<semaphore_mem>>) src(%dma_wait3A_59 : memref<160x125xi32, #tpu.memory_space<hbm>>) dst(%arg7 : memref<160x125xi32, #tpu.memory_space<vmem>>)
      tpu.yield
    }) : () -> ()
    %mul3A_1 = arith.constant 160 : i32
    %mul3A_2 = arith.muli %arg1, %mul3A_1 : i32
    "tpu.region"() ({
      %run_scoped3A_51 = tpu.sem_alloc : memref<!tpu.dma_semaphore, #tpu.memory_space<semaphore_mem>>
      %dma_start3A_52 = arith.constant 0 : i32
      %dma_start3A_53 = tpu.memref_slice %arg4[%arg0, %mul3A_2, %dma_start3A_52] : memref<2x2560x125xi32, #tpu.memory_space<hbm>> -> memref<1x160x125xi32, #tpu.memory_space<hbm>>
      %dma_start3A_54 = tpu.memref_squeeze %dma_start3A_53 : memref<1x160x125xi32, #tpu.memory_space<hbm>> -> memref<160x125xi32, #tpu.memory_space<hbm>>
      %dma_start3A_55 = arith.constant 0 : i32
      %dma_start3A_56 = tpu.memref_slice %arg4[%arg0, %mul3A_2, %dma_start3A_55] : memref<2x2560x125xi32, #tpu.memory_space<hbm>> -> memref<1x160x125xi32, #tpu.memory_space<hbm>>
      %dma_start3A_57 = tpu.memref_squeeze %dma_start3A_56 : memref<1x160x125xi32, #tpu.memory_space<hbm>> -> memref<160x125xi32, #tpu.memory_space<hbm>>
      tpu.enqueue_dma source(%dma_start3A_57 : memref<160x125xi32, #tpu.memory_space<hbm>>) target(%arg8 : memref<160x125xi32, #tpu.memory_space<vmem>>) target_semaphore(%run_scoped3A_51 : memref<!tpu.dma_semaphore, #tpu.memory_space<semaphore_mem>>)
      %dma_wait3A_58 = arith.constant 0 : i32
      %dma_wait3A_59 = tpu.memref_slice %arg4[%arg0, %mul3A_2, %dma_wait3A_58] : memref<2x2560x125xi32, #tpu.memory_space<hbm>> -> memref<1x160x125xi32, #tpu.memory_space<hbm>>
      %dma_wait3A_60 = tpu.memref_squeeze %dma_wait3A_59 : memref<1x160x125xi32, #tpu.memory_space<hbm>> -> memref<160x125xi32, #tpu.memory_space<hbm>>
      %dma_wait3A_61 = arith.constant 0 : i32
      %dma_wait3A_62 = tpu.memref_slice %arg4[%arg0, %mul3A_2, %dma_wait3A_61] : memref<2x2560x125xi32, #tpu.memory_space<hbm>> -> memref<1x160x125xi32, #tpu.memory_space<hbm>>
      %dma_wait3A_63 = tpu.memref_squeeze %dma_wait3A_62 : memref<1x160x125xi32, #tpu.memory_space<hbm>> -> memref<160x125xi32, #tpu.memory_space<hbm>>
      tpu.wait_dma2 semaphore(%run_scoped3A_51 : memref<!tpu.dma_semaphore, #tpu.memory_space<semaphore_mem>>) src(%dma_wait3A_63 : memref<160x125xi32, #tpu.memory_space<hbm>>) dst(%arg8 : memref<160x125xi32, #tpu.memory_space<vmem>>)
      tpu.yield
    }) : () -> ()
    %lt3A = arith.constant 15 : i32
    %lt3A_3 = arith.cmpi slt, %arg1, %lt3A : i32
    %convert_element_type3A = arith.extui %lt3A_3 : i1 to i32
    %cond3A = arith.constant 0 : i32
    %cond3A_4 = arith.cmpi ne, %convert_element_type3A, %cond3A : i32
    scf.if %cond3A_4 {
      %mul3A_51 = arith.constant 312 : i32
      %mul3A_52 = arith.muli %arg1, %mul3A_51 : i32
      %mul3A_53 = arith.constant 312 : i32
      %mul3A_54 = arith.muli %arg1, %mul3A_53 : i32
      "tpu.region"() ({
        %run_scoped3A_55 = tpu.sem_alloc : memref<!tpu.dma_semaphore, #tpu.memory_space<semaphore_mem>>
        %dma_start3A_56 = arith.constant 0 : i32
        %dma_start3A_57 = tpu.memref_slice %arg12[%mul3A_54, %dma_start3A_56] : memref<5048x128xf32, #tpu.memory_space<vmem_shared>> -> memref<312x128xf32, #tpu.memory_space<vmem_shared>>
        %dma_start3A_58 = arith.constant 0 : i32
        %dma_start3A_59 = tpu.memref_slice %arg5[%mul3A_52, %dma_start3A_58] : memref<5048x128xf32, #tpu.memory_space<hbm>> -> memref<312x128xf32, #tpu.memory_space<hbm>>
        tpu.enqueue_dma source(%dma_start3A_59 : memref<312x128xf32, #tpu.memory_space<hbm>>) target(%dma_start3A_57 : memref<312x128xf32, #tpu.memory_space<vmem_shared>>) target_semaphore(%run_scoped3A_55 : memref<!tpu.dma_semaphore, #tpu.memory_space<semaphore_mem>>)
        %dma_wait3A_60 = arith.constant 0 : i32
        %dma_wait3A_61 = tpu.memref_slice %arg12[%mul3A_54, %dma_wait3A_60] : memref<5048x128xf32, #tpu.memory_space<vmem_shared>> -> memref<312x128xf32, #tpu.memory_space<vmem_shared>>
        %dma_wait3A_62 = arith.constant 0 : i32
        %dma_wait3A_63 = tpu.memref_slice %arg5[%mul3A_52, %dma_wait3A_62] : memref<5048x128xf32, #tpu.memory_space<hbm>> -> memref<312x128xf32, #tpu.memory_space<hbm>>
        tpu.wait_dma2 semaphore(%run_scoped3A_55 : memref<!tpu.dma_semaphore, #tpu.memory_space<semaphore_mem>>) src(%dma_wait3A_63 : memref<312x128xf32, #tpu.memory_space<hbm>>) dst(%dma_wait3A_61 : memref<312x128xf32, #tpu.memory_space<vmem_shared>>)
        tpu.yield
      }) : () -> ()
    } else {
    }
    %eq3A = arith.constant 15 : i32
    %eq3A_5 = arith.cmpi eq, %arg1, %eq3A : i32
    %convert_element_type3A_6 = arith.extui %eq3A_5 : i1 to i32
    %cond3A_7 = arith.constant 0 : i32
    %cond3A_8 = arith.cmpi ne, %convert_element_type3A_6, %cond3A_7 : i32
    scf.if %cond3A_8 {
      "tpu.region"() ({
        %run_scoped3A_51 = tpu.sem_alloc : memref<!tpu.dma_semaphore, #tpu.memory_space<semaphore_mem>>
        %dma_start3A_52 = arith.constant 4680 : i32
        %dma_start3A_53 = arith.constant 0 : i32
        %dma_start3A_54 = tpu.memref_slice %arg12[%dma_start3A_52, %dma_start3A_53] : memref<5048x128xf32, #tpu.memory_space<vmem_shared>> -> memref<368x128xf32, #tpu.memory_space<vmem_shared>>
        %dma_start3A_55 = arith.constant 4680 : i32
        %dma_start3A_56 = arith.constant 0 : i32
        %dma_start3A_57 = tpu.memref_slice %arg5[%dma_start3A_55, %dma_start3A_56] : memref<5048x128xf32, #tpu.memory_space<hbm>> -> memref<368x128xf32, #tpu.memory_space<hbm>>
        tpu.enqueue_dma source(%dma_start3A_57 : memref<368x128xf32, #tpu.memory_space<hbm>>) target(%dma_start3A_54 : memref<368x128xf32, #tpu.memory_space<vmem_shared>>) target_semaphore(%run_scoped3A_51 : memref<!tpu.dma_semaphore, #tpu.memory_space<semaphore_mem>>)
        %dma_wait3A_58 = arith.constant 4680 : i32
        %dma_wait3A_59 = arith.constant 0 : i32
        %dma_wait3A_60 = tpu.memref_slice %arg12[%dma_wait3A_58, %dma_wait3A_59] : memref<5048x128xf32, #tpu.memory_space<vmem_shared>> -> memref<368x128xf32, #tpu.memory_space<vmem_shared>>
        %dma_wait3A_61 = arith.constant 4680 : i32
        %dma_wait3A_62 = arith.constant 0 : i32
        %dma_wait3A_63 = tpu.memref_slice %arg5[%dma_wait3A_61, %dma_wait3A_62] : memref<5048x128xf32, #tpu.memory_space<hbm>> -> memref<368x128xf32, #tpu.memory_space<hbm>>
        tpu.wait_dma2 semaphore(%run_scoped3A_51 : memref<!tpu.dma_semaphore, #tpu.memory_space<semaphore_mem>>) src(%dma_wait3A_63 : memref<368x128xf32, #tpu.memory_space<hbm>>) dst(%dma_wait3A_60 : memref<368x128xf32, #tpu.memory_space<vmem_shared>>)
        tpu.yield
      }) : () -> ()
    } else {
    }
    %barrier3A = arith.constant 0 : index
    tpu.barrier barrier_id(%barrier3A)
    %dma_start3A = arith.constant 0 : i32
    %dma_start3A_9 = arith.constant 0 : i32
    %dma_start3A_10 = tpu.memref_slice %arg7[%dma_start3A, %dma_start3A_9] : memref<160x125xi32, #tpu.memory_space<vmem>> -> memref<1x125xi32, #tpu.memory_space<vmem>>
    %dma_start3A_11 = tpu.memref_squeeze %dma_start3A_10 : memref<1x125xi32, #tpu.memory_space<vmem>> -> memref<125xi32, #tpu.memory_space<vmem>>
    %dma_start3A_12 = arith.constant 0 : i32
    %dma_start3A_13 = arith.constant 0 : i32
    %dma_start3A_14 = tpu.memref_slice %arg2[%dma_start3A_12, %dma_start3A_13] : memref<10000x128xf32, #tpu.memory_space<hbm>> -> memref<10000x128xf32, #tpu.memory_space<hbm>>
    tpu.enqueue_indirect_dma source(%dma_start3A_14 : memref<10000x128xf32, #tpu.memory_space<hbm>>) target(%arg9 : memref<125x128xf32, #tpu.memory_space<vmem>>) offsets(%dma_start3A_11 : memref<125xi32, #tpu.memory_space<vmem>>) semaphore(%arg13 : memref<!tpu.dma_semaphore, #tpu.memory_space<semaphore_mem>>)
    %dma_start3A_15 = arith.constant 1 : i32
    %dma_start3A_16 = arith.constant 0 : i32
    %dma_start3A_17 = tpu.memref_slice %arg7[%dma_start3A_15, %dma_start3A_16] : memref<160x125xi32, #tpu.memory_space<vmem>> -> memref<1x125xi32, #tpu.memory_space<vmem>>
    %dma_start3A_18 = tpu.memref_squeeze %dma_start3A_17 : memref<1x125xi32, #tpu.memory_space<vmem>> -> memref<125xi32, #tpu.memory_space<vmem>>
    %dma_start3A_19 = arith.constant 0 : i32
    %dma_start3A_20 = arith.constant 0 : i32
    %dma_start3A_21 = tpu.memref_slice %arg2[%dma_start3A_19, %dma_start3A_20] : memref<10000x128xf32, #tpu.memory_space<hbm>> -> memref<10000x128xf32, #tpu.memory_space<hbm>>
    tpu.enqueue_indirect_dma source(%dma_start3A_21 : memref<10000x128xf32, #tpu.memory_space<hbm>>) target(%arg10 : memref<125x128xf32, #tpu.memory_space<vmem>>) offsets(%dma_start3A_18 : memref<125xi32, #tpu.memory_space<vmem>>) semaphore(%arg14 : memref<!tpu.dma_semaphore, #tpu.memory_space<semaphore_mem>>)
    %dma_start3A_22 = arith.constant 2 : i32
    %dma_start3A_23 = arith.constant 0 : i32
    %dma_start3A_24 = tpu.memref_slice %arg7[%dma_start3A_22, %dma_start3A_23] : memref<160x125xi32, #tpu.memory_space<vmem>> -> memref<1x125xi32, #tpu.memory_space<vmem>>
    %dma_start3A_25 = tpu.memref_squeeze %dma_start3A_24 : memref<1x125xi32, #tpu.memory_space<vmem>> -> memref<125xi32, #tpu.memory_space<vmem>>
    %dma_start3A_26 = arith.constant 0 : i32
    %dma_start3A_27 = arith.constant 0 : i32
    %dma_start3A_28 = tpu.memref_slice %arg2[%dma_start3A_26, %dma_start3A_27] : memref<10000x128xf32, #tpu.memory_space<hbm>> -> memref<10000x128xf32, #tpu.memory_space<hbm>>
    tpu.enqueue_indirect_dma source(%dma_start3A_28 : memref<10000x128xf32, #tpu.memory_space<hbm>>) target(%arg11 : memref<125x128xf32, #tpu.memory_space<vmem>>) offsets(%dma_start3A_25 : memref<125xi32, #tpu.memory_space<vmem>>) semaphore(%arg15 : memref<!tpu.dma_semaphore, #tpu.memory_space<semaphore_mem>>)
    %scan3A = arith.constant 0 : i32
    %scan3A_29 = arith.constant 0 : i32
    %scan3A_30 = arith.constant 53 : i32
    %scan3A_31 = arith.addi %scan3A_29, %scan3A_30 : i32
    %scan3A_32 = arith.constant 1 : i32
    scf.for %scan3A_51 = %scan3A_29 to %scan3A_31 step %scan3A_32  : i32 {
      %mul3A_52 = arith.constant 3 : i32
      %mul3A_53 = arith.muli %mul3A_52, %scan3A_51 : i32
      %add3A = arith.constant 0 : i32
      %add3A_54 = arith.addi %mul3A_53, %add3A : i32
      %dma_wait3A_55 = arith.constant 0 : i32
      %dma_wait3A_56 = tpu.memref_slice %arg7[%add3A_54, %dma_wait3A_55] : memref<160x125xi32, #tpu.memory_space<vmem>> -> memref<1x125xi32, #tpu.memory_space<vmem>>
      %dma_wait3A_57 = tpu.memref_squeeze %dma_wait3A_56 : memref<1x125xi32, #tpu.memory_space<vmem>> -> memref<125xi32, #tpu.memory_space<vmem>>
      %dma_wait3A_58 = arith.constant 0 : i32
      %dma_wait3A_59 = arith.constant 0 : i32
      %dma_wait3A_60 = tpu.memref_slice %arg2[%dma_wait3A_58, %dma_wait3A_59] : memref<10000x128xf32, #tpu.memory_space<hbm>> -> memref<10000x128xf32, #tpu.memory_space<hbm>>
      tpu.wait_indirect_dma semaphore(%arg13 : memref<!tpu.dma_semaphore, #tpu.memory_space<semaphore_mem>>) src(%dma_wait3A_60 : memref<10000x128xf32, #tpu.memory_space<hbm>>) dst(%arg9 : memref<125x128xf32, #tpu.memory_space<vmem>>)
      "tpu.region"() ({
        %run_scoped3A_102 = tpu.sem_alloc : memref<!tpu.dma_semaphore, #tpu.memory_space<semaphore_mem>>
        %dma_start3A_103 = arith.constant 0 : i32
        %dma_start3A_104 = tpu.memref_slice %arg8[%add3A_54, %dma_start3A_103] : memref<160x125xi32, #tpu.memory_space<vmem>> -> memref<1x125xi32, #tpu.memory_space<vmem>>
        %dma_start3A_105 = tpu.memref_squeeze %dma_start3A_104 : memref<1x125xi32, #tpu.memory_space<vmem>> -> memref<125xi32, #tpu.memory_space<vmem>>
        %dma_start3A_106 = arith.constant 0 : i32
        %dma_start3A_107 = arith.constant 0 : i32
        %dma_start3A_108 = tpu.memref_slice %arg12[%dma_start3A_106, %dma_start3A_107] : memref<5048x128xf32, #tpu.memory_space<vmem_shared>> -> memref<5048x128xf32, #tpu.memory_space<vmem_shared>>
        tpu.enqueue_indirect_dma source(%arg9 : memref<125x128xf32, #tpu.memory_space<vmem>>) target(%dma_start3A_108 : memref<5048x128xf32, #tpu.memory_space<vmem_shared>>) offsets(%dma_start3A_105 : memref<125xi32, #tpu.memory_space<vmem>>) semaphore(%run_scoped3A_102 : memref<!tpu.dma_semaphore, #tpu.memory_space<semaphore_mem>>) {add = true}
        %dma_wait3A_109 = arith.constant 0 : i32
        %dma_wait3A_110 = tpu.memref_slice %arg8[%add3A_54, %dma_wait3A_109] : memref<160x125xi32, #tpu.memory_space<vmem>> -> memref<1x125xi32, #tpu.memory_space<vmem>>
        %dma_wait3A_111 = tpu.memref_squeeze %dma_wait3A_110 : memref<1x125xi32, #tpu.memory_space<vmem>> -> memref<125xi32, #tpu.memory_space<vmem>>
        %dma_wait3A_112 = arith.constant 0 : i32
        %dma_wait3A_113 = arith.constant 0 : i32
        %dma_wait3A_114 = tpu.memref_slice %arg12[%dma_wait3A_112, %dma_wait3A_113] : memref<5048x128xf32, #tpu.memory_space<vmem_shared>> -> memref<5048x128xf32, #tpu.memory_space<vmem_shared>>
        tpu.wait_indirect_dma semaphore(%run_scoped3A_102 : memref<!tpu.dma_semaphore, #tpu.memory_space<semaphore_mem>>) src(%arg9 : memref<125x128xf32, #tpu.memory_space<vmem>>) dst(%dma_wait3A_114 : memref<5048x128xf32, #tpu.memory_space<vmem_shared>>)
        tpu.yield
      }) : () -> ()
      %add3A_61 = arith.constant 3 : i32
      %add3A_62 = arith.addi %add3A_54, %add3A_61 : i32
      %lt3A_63 = arith.constant 160 : i32
      %lt3A_64 = arith.cmpi slt, %add3A_62, %lt3A_63 : i32
      %convert_element_type3A_65 = arith.extui %lt3A_64 : i1 to i32
      %cond3A_66 = arith.constant 0 : i32
      %cond3A_67 = arith.cmpi ne, %convert_element_type3A_65, %cond3A_66 : i32
      scf.if %cond3A_67 {
        %add3A_102 = arith.constant 3 : i32
        %add3A_103 = arith.addi %add3A_54, %add3A_102 : i32
        %dma_start3A_104 = arith.constant 0 : i32
        %dma_start3A_105 = tpu.memref_slice %arg7[%add3A_103, %dma_start3A_104] : memref<160x125xi32, #tpu.memory_space<vmem>> -> memref<1x125xi32, #tpu.memory_space<vmem>>
        %dma_start3A_106 = tpu.memref_squeeze %dma_start3A_105 : memref<1x125xi32, #tpu.memory_space<vmem>> -> memref<125xi32, #tpu.memory_space<vmem>>
        %dma_start3A_107 = arith.constant 0 : i32
        %dma_start3A_108 = arith.constant 0 : i32
        %dma_start3A_109 = tpu.memref_slice %arg2[%dma_start3A_107, %dma_start3A_108] : memref<10000x128xf32, #tpu.memory_space<hbm>> -> memref<10000x128xf32, #tpu.memory_space<hbm>>
        tpu.enqueue_indirect_dma source(%dma_start3A_109 : memref<10000x128xf32, #tpu.memory_space<hbm>>) target(%arg9 : memref<125x128xf32, #tpu.memory_space<vmem>>) offsets(%dma_start3A_106 : memref<125xi32, #tpu.memory_space<vmem>>) semaphore(%arg13 : memref<!tpu.dma_semaphore, #tpu.memory_space<semaphore_mem>>)
      } else {
      }
      %mul3A_68 = arith.constant 3 : i32
      %mul3A_69 = arith.muli %mul3A_68, %scan3A_51 : i32
      %add3A_70 = arith.constant 1 : i32
      %add3A_71 = arith.addi %mul3A_69, %add3A_70 : i32
      %dma_wait3A_72 = arith.constant 0 : i32
      %dma_wait3A_73 = tpu.memref_slice %arg7[%add3A_71, %dma_wait3A_72] : memref<160x125xi32, #tpu.memory_space<vmem>> -> memref<1x125xi32, #tpu.memory_space<vmem>>
      %dma_wait3A_74 = tpu.memref_squeeze %dma_wait3A_73 : memref<1x125xi32, #tpu.memory_space<vmem>> -> memref<125xi32, #tpu.memory_space<vmem>>
      %dma_wait3A_75 = arith.constant 0 : i32
      %dma_wait3A_76 = arith.constant 0 : i32
      %dma_wait3A_77 = tpu.memref_slice %arg2[%dma_wait3A_75, %dma_wait3A_76] : memref<10000x128xf32, #tpu.memory_space<hbm>> -> memref<10000x128xf32, #tpu.memory_space<hbm>>
      tpu.wait_indirect_dma semaphore(%arg14 : memref<!tpu.dma_semaphore, #tpu.memory_space<semaphore_mem>>) src(%dma_wait3A_77 : memref<10000x128xf32, #tpu.memory_space<hbm>>) dst(%arg10 : memref<125x128xf32, #tpu.memory_space<vmem>>)
      "tpu.region"() ({
        %run_scoped3A_102 = tpu.sem_alloc : memref<!tpu.dma_semaphore, #tpu.memory_space<semaphore_mem>>
        %dma_start3A_103 = arith.constant 0 : i32
        %dma_start3A_104 = tpu.memref_slice %arg8[%add3A_71, %dma_start3A_103] : memref<160x125xi32, #tpu.memory_space<vmem>> -> memref<1x125xi32, #tpu.memory_space<vmem>>
        %dma_start3A_105 = tpu.memref_squeeze %dma_start3A_104 : memref<1x125xi32, #tpu.memory_space<vmem>> -> memref<125xi32, #tpu.memory_space<vmem>>
        %dma_start3A_106 = arith.constant 0 : i32
        %dma_start3A_107 = arith.constant 0 : i32
        %dma_start3A_108 = tpu.memref_slice %arg12[%dma_start3A_106, %dma_start3A_107] : memref<5048x128xf32, #tpu.memory_space<vmem_shared>> -> memref<5048x128xf32, #tpu.memory_space<vmem_shared>>
        tpu.enqueue_indirect_dma source(%arg10 : memref<125x128xf32, #tpu.memory_space<vmem>>) target(%dma_start3A_108 : memref<5048x128xf32, #tpu.memory_space<vmem_shared>>) offsets(%dma_start3A_105 : memref<125xi32, #tpu.memory_space<vmem>>) semaphore(%run_scoped3A_102 : memref<!tpu.dma_semaphore, #tpu.memory_space<semaphore_mem>>) {add = true}
        %dma_wait3A_109 = arith.constant 0 : i32
        %dma_wait3A_110 = tpu.memref_slice %arg8[%add3A_71, %dma_wait3A_109] : memref<160x125xi32, #tpu.memory_space<vmem>> -> memref<1x125xi32, #tpu.memory_space<vmem>>
        %dma_wait3A_111 = tpu.memref_squeeze %dma_wait3A_110 : memref<1x125xi32, #tpu.memory_space<vmem>> -> memref<125xi32, #tpu.memory_space<vmem>>
        %dma_wait3A_112 = arith.constant 0 : i32
        %dma_wait3A_113 = arith.constant 0 : i32
        %dma_wait3A_114 = tpu.memref_slice %arg12[%dma_wait3A_112, %dma_wait3A_113] : memref<5048x128xf32, #tpu.memory_space<vmem_shared>> -> memref<5048x128xf32, #tpu.memory_space<vmem_shared>>
        tpu.wait_indirect_dma semaphore(%run_scoped3A_102 : memref<!tpu.dma_semaphore, #tpu.memory_space<semaphore_mem>>) src(%arg10 : memref<125x128xf32, #tpu.memory_space<vmem>>) dst(%dma_wait3A_114 : memref<5048x128xf32, #tpu.memory_space<vmem_shared>>)
        tpu.yield
      }) : () -> ()
      %add3A_78 = arith.constant 3 : i32
      %add3A_79 = arith.addi %add3A_71, %add3A_78 : i32
      %lt3A_80 = arith.constant 160 : i32
      %lt3A_81 = arith.cmpi slt, %add3A_79, %lt3A_80 : i32
      %convert_element_type3A_82 = arith.extui %lt3A_81 : i1 to i32
      %cond3A_83 = arith.constant 0 : i32
      %cond3A_84 = arith.cmpi ne, %convert_element_type3A_82, %cond3A_83 : i32
      scf.if %cond3A_84 {
        %add3A_102 = arith.constant 3 : i32
        %add3A_103 = arith.addi %add3A_71, %add3A_102 : i32
        %dma_start3A_104 = arith.constant 0 : i32
        %dma_start3A_105 = tpu.memref_slice %arg7[%add3A_103, %dma_start3A_104] : memref<160x125xi32, #tpu.memory_space<vmem>> -> memref<1x125xi32, #tpu.memory_space<vmem>>
        %dma_start3A_106 = tpu.memref_squeeze %dma_start3A_105 : memref<1x125xi32, #tpu.memory_space<vmem>> -> memref<125xi32, #tpu.memory_space<vmem>>
        %dma_start3A_107 = arith.constant 0 : i32
        %dma_start3A_108 = arith.constant 0 : i32
        %dma_start3A_109 = tpu.memref_slice %arg2[%dma_start3A_107, %dma_start3A_108] : memref<10000x128xf32, #tpu.memory_space<hbm>> -> memref<10000x128xf32, #tpu.memory_space<hbm>>
        tpu.enqueue_indirect_dma source(%dma_start3A_109 : memref<10000x128xf32, #tpu.memory_space<hbm>>) target(%arg10 : memref<125x128xf32, #tpu.memory_space<vmem>>) offsets(%dma_start3A_106 : memref<125xi32, #tpu.memory_space<vmem>>) semaphore(%arg14 : memref<!tpu.dma_semaphore, #tpu.memory_space<semaphore_mem>>)
      } else {
      }
      %mul3A_85 = arith.constant 3 : i32
      %mul3A_86 = arith.muli %mul3A_85, %scan3A_51 : i32
      %add3A_87 = arith.constant 2 : i32
      %add3A_88 = arith.addi %mul3A_86, %add3A_87 : i32
      %dma_wait3A_89 = arith.constant 0 : i32
      %dma_wait3A_90 = tpu.memref_slice %arg7[%add3A_88, %dma_wait3A_89] : memref<160x125xi32, #tpu.memory_space<vmem>> -> memref<1x125xi32, #tpu.memory_space<vmem>>
      %dma_wait3A_91 = tpu.memref_squeeze %dma_wait3A_90 : memref<1x125xi32, #tpu.memory_space<vmem>> -> memref<125xi32, #tpu.memory_space<vmem>>
      %dma_wait3A_92 = arith.constant 0 : i32
      %dma_wait3A_93 = arith.constant 0 : i32
      %dma_wait3A_94 = tpu.memref_slice %arg2[%dma_wait3A_92, %dma_wait3A_93] : memref<10000x128xf32, #tpu.memory_space<hbm>> -> memref<10000x128xf32, #tpu.memory_space<hbm>>
      tpu.wait_indirect_dma semaphore(%arg15 : memref<!tpu.dma_semaphore, #tpu.memory_space<semaphore_mem>>) src(%dma_wait3A_94 : memref<10000x128xf32, #tpu.memory_space<hbm>>) dst(%arg11 : memref<125x128xf32, #tpu.memory_space<vmem>>)
      "tpu.region"() ({
        %run_scoped3A_102 = tpu.sem_alloc : memref<!tpu.dma_semaphore, #tpu.memory_space<semaphore_mem>>
        %dma_start3A_103 = arith.constant 0 : i32
        %dma_start3A_104 = tpu.memref_slice %arg8[%add3A_88, %dma_start3A_103] : memref<160x125xi32, #tpu.memory_space<vmem>> -> memref<1x125xi32, #tpu.memory_space<vmem>>
        %dma_start3A_105 = tpu.memref_squeeze %dma_start3A_104 : memref<1x125xi32, #tpu.memory_space<vmem>> -> memref<125xi32, #tpu.memory_space<vmem>>
        %dma_start3A_106 = arith.constant 0 : i32
        %dma_start3A_107 = arith.constant 0 : i32
        %dma_start3A_108 = tpu.memref_slice %arg12[%dma_start3A_106, %dma_start3A_107] : memref<5048x128xf32, #tpu.memory_space<vmem_shared>> -> memref<5048x128xf32, #tpu.memory_space<vmem_shared>>
        tpu.enqueue_indirect_dma source(%arg11 : memref<125x128xf32, #tpu.memory_space<vmem>>) target(%dma_start3A_108 : memref<5048x128xf32, #tpu.memory_space<vmem_shared>>) offsets(%dma_start3A_105 : memref<125xi32, #tpu.memory_space<vmem>>) semaphore(%run_scoped3A_102 : memref<!tpu.dma_semaphore, #tpu.memory_space<semaphore_mem>>) {add = true}
        %dma_wait3A_109 = arith.constant 0 : i32
        %dma_wait3A_110 = tpu.memref_slice %arg8[%add3A_88, %dma_wait3A_109] : memref<160x125xi32, #tpu.memory_space<vmem>> -> memref<1x125xi32, #tpu.memory_space<vmem>>
        %dma_wait3A_111 = tpu.memref_squeeze %dma_wait3A_110 : memref<1x125xi32, #tpu.memory_space<vmem>> -> memref<125xi32, #tpu.memory_space<vmem>>
        %dma_wait3A_112 = arith.constant 0 : i32
        %dma_wait3A_113 = arith.constant 0 : i32
        %dma_wait3A_114 = tpu.memref_slice %arg12[%dma_wait3A_112, %dma_wait3A_113] : memref<5048x128xf32, #tpu.memory_space<vmem_shared>> -> memref<5048x128xf32, #tpu.memory_space<vmem_shared>>
        tpu.wait_indirect_dma semaphore(%run_scoped3A_102 : memref<!tpu.dma_semaphore, #tpu.memory_space<semaphore_mem>>) src(%arg11 : memref<125x128xf32, #tpu.memory_space<vmem>>) dst(%dma_wait3A_114 : memref<5048x128xf32, #tpu.memory_space<vmem_shared>>)
        tpu.yield
      }) : () -> ()
      %add3A_95 = arith.constant 3 : i32
      %add3A_96 = arith.addi %add3A_88, %add3A_95 : i32
      %lt3A_97 = arith.constant 160 : i32
      %lt3A_98 = arith.cmpi slt, %add3A_96, %lt3A_97 : i32
      %convert_element_type3A_99 = arith.extui %lt3A_98 : i1 to i32
      %cond3A_100 = arith.constant 0 : i32
      %cond3A_101 = arith.cmpi ne, %convert_element_type3A_99, %cond3A_100 : i32
      scf.if %cond3A_101 {
        %add3A_102 = arith.constant 3 : i32
        %add3A_103 = arith.addi %add3A_88, %add3A_102 : i32
        %dma_start3A_104 = arith.constant 0 : i32
        %dma_start3A_105 = tpu.memref_slice %arg7[%add3A_103, %dma_start3A_104] : memref<160x125xi32, #tpu.memory_space<vmem>> -> memref<1x125xi32, #tpu.memory_space<vmem>>
        %dma_start3A_106 = tpu.memref_squeeze %dma_start3A_105 : memref<1x125xi32, #tpu.memory_space<vmem>> -> memref<125xi32, #tpu.memory_space<vmem>>
        %dma_start3A_107 = arith.constant 0 : i32
        %dma_start3A_108 = arith.constant 0 : i32
        %dma_start3A_109 = tpu.memref_slice %arg2[%dma_start3A_107, %dma_start3A_108] : memref<10000x128xf32, #tpu.memory_space<hbm>> -> memref<10000x128xf32, #tpu.memory_space<hbm>>
        tpu.enqueue_indirect_dma source(%dma_start3A_109 : memref<10000x128xf32, #tpu.memory_space<hbm>>) target(%arg11 : memref<125x128xf32, #tpu.memory_space<vmem>>) offsets(%dma_start3A_106 : memref<125xi32, #tpu.memory_space<vmem>>) semaphore(%arg15 : memref<!tpu.dma_semaphore, #tpu.memory_space<semaphore_mem>>)
      } else {
      }
    }
    %scan3A_33 = arith.constant 53 : i32
    %dma_wait3A = arith.constant 159 : i32
    %dma_wait3A_34 = arith.constant 0 : i32
    %dma_wait3A_35 = tpu.memref_slice %arg7[%dma_wait3A, %dma_wait3A_34] : memref<160x125xi32, #tpu.memory_space<vmem>> -> memref<1x125xi32, #tpu.memory_space<vmem>>
    %dma_wait3A_36 = tpu.memref_squeeze %dma_wait3A_35 : memref<1x125xi32, #tpu.memory_space<vmem>> -> memref<125xi32, #tpu.memory_space<vmem>>
    %dma_wait3A_37 = arith.constant 0 : i32
    %dma_wait3A_38 = arith.constant 0 : i32
    %dma_wait3A_39 = tpu.memref_slice %arg2[%dma_wait3A_37, %dma_wait3A_38] : memref<10000x128xf32, #tpu.memory_space<hbm>> -> memref<10000x128xf32, #tpu.memory_space<hbm>>
    tpu.wait_indirect_dma semaphore(%arg13 : memref<!tpu.dma_semaphore, #tpu.memory_space<semaphore_mem>>) src(%dma_wait3A_39 : memref<10000x128xf32, #tpu.memory_space<hbm>>) dst(%arg9 : memref<125x128xf32, #tpu.memory_space<vmem>>)
    %run_scoped3A = arith.constant 159 : i32
    "tpu.region"() ({
      %run_scoped3A_51 = tpu.sem_alloc : memref<!tpu.dma_semaphore, #tpu.memory_space<semaphore_mem>>
      %dma_start3A_52 = arith.constant 0 : i32
      %dma_start3A_53 = tpu.memref_slice %arg8[%run_scoped3A, %dma_start3A_52] : memref<160x125xi32, #tpu.memory_space<vmem>> -> memref<1x125xi32, #tpu.memory_space<vmem>>
      %dma_start3A_54 = tpu.memref_squeeze %dma_start3A_53 : memref<1x125xi32, #tpu.memory_space<vmem>> -> memref<125xi32, #tpu.memory_space<vmem>>
      %dma_start3A_55 = arith.constant 0 : i32
      %dma_start3A_56 = arith.constant 0 : i32
      %dma_start3A_57 = tpu.memref_slice %arg12[%dma_start3A_55, %dma_start3A_56] : memref<5048x128xf32, #tpu.memory_space<vmem_shared>> -> memref<5048x128xf32, #tpu.memory_space<vmem_shared>>
      tpu.enqueue_indirect_dma source(%arg9 : memref<125x128xf32, #tpu.memory_space<vmem>>) target(%dma_start3A_57 : memref<5048x128xf32, #tpu.memory_space<vmem_shared>>) offsets(%dma_start3A_54 : memref<125xi32, #tpu.memory_space<vmem>>) semaphore(%run_scoped3A_51 : memref<!tpu.dma_semaphore, #tpu.memory_space<semaphore_mem>>) {add = true}
      %dma_wait3A_58 = arith.constant 0 : i32
      %dma_wait3A_59 = tpu.memref_slice %arg8[%run_scoped3A, %dma_wait3A_58] : memref<160x125xi32, #tpu.memory_space<vmem>> -> memref<1x125xi32, #tpu.memory_space<vmem>>
      %dma_wait3A_60 = tpu.memref_squeeze %dma_wait3A_59 : memref<1x125xi32, #tpu.memory_space<vmem>> -> memref<125xi32, #tpu.memory_space<vmem>>
      %dma_wait3A_61 = arith.constant 0 : i32
      %dma_wait3A_62 = arith.constant 0 : i32
      %dma_wait3A_63 = tpu.memref_slice %arg12[%dma_wait3A_61, %dma_wait3A_62] : memref<5048x128xf32, #tpu.memory_space<vmem_shared>> -> memref<5048x128xf32, #tpu.memory_space<vmem_shared>>
      tpu.wait_indirect_dma semaphore(%run_scoped3A_51 : memref<!tpu.dma_semaphore, #tpu.memory_space<semaphore_mem>>) src(%arg9 : memref<125x128xf32, #tpu.memory_space<vmem>>) dst(%dma_wait3A_63 : memref<5048x128xf32, #tpu.memory_space<vmem_shared>>)
      tpu.yield
    }) : () -> ()
    %barrier3A_40 = arith.constant 0 : index
    tpu.barrier barrier_id(%barrier3A_40)
    %lt3A_41 = arith.constant 15 : i32
    %lt3A_42 = arith.cmpi slt, %arg1, %lt3A_41 : i32
    %convert_element_type3A_43 = arith.extui %lt3A_42 : i1 to i32
    %cond3A_44 = arith.constant 0 : i32
    %cond3A_45 = arith.cmpi ne, %convert_element_type3A_43, %cond3A_44 : i32
    scf.if %cond3A_45 {
      %mul3A_51 = arith.constant 312 : i32
      %mul3A_52 = arith.muli %arg1, %mul3A_51 : i32
      %mul3A_53 = arith.constant 312 : i32
      %mul3A_54 = arith.muli %arg1, %mul3A_53 : i32
      "tpu.region"() ({
        %run_scoped3A_55 = tpu.sem_alloc : memref<!tpu.dma_semaphore, #tpu.memory_space<semaphore_mem>>
        %dma_start3A_56 = arith.constant 0 : i32
        %dma_start3A_57 = tpu.memref_slice %arg6[%arg0, %mul3A_54, %dma_start3A_56] : memref<2x5000x128xf32, #tpu.memory_space<hbm>> -> memref<1x312x128xf32, #tpu.memory_space<hbm>>
        %dma_start3A_58 = tpu.memref_squeeze %dma_start3A_57 : memref<1x312x128xf32, #tpu.memory_space<hbm>> -> memref<312x128xf32, #tpu.memory_space<hbm>>
        %dma_start3A_59 = arith.constant 0 : i32
        %dma_start3A_60 = tpu.memref_slice %arg12[%mul3A_52, %dma_start3A_59] : memref<5048x128xf32, #tpu.memory_space<vmem_shared>> -> memref<312x128xf32, #tpu.memory_space<vmem_shared>>
        tpu.enqueue_dma source(%dma_start3A_60 : memref<312x128xf32, #tpu.memory_space<vmem_shared>>) target(%dma_start3A_58 : memref<312x128xf32, #tpu.memory_space<hbm>>) target_semaphore(%run_scoped3A_55 : memref<!tpu.dma_semaphore, #tpu.memory_space<semaphore_mem>>)
        %dma_wait3A_61 = arith.constant 0 : i32
        %dma_wait3A_62 = tpu.memref_slice %arg6[%arg0, %mul3A_54, %dma_wait3A_61] : memref<2x5000x128xf32, #tpu.memory_space<hbm>> -> memref<1x312x128xf32, #tpu.memory_space<hbm>>
        %dma_wait3A_63 = tpu.memref_squeeze %dma_wait3A_62 : memref<1x312x128xf32, #tpu.memory_space<hbm>> -> memref<312x128xf32, #tpu.memory_space<hbm>>
        %dma_wait3A_64 = arith.constant 0 : i32
        %dma_wait3A_65 = tpu.memref_slice %arg12[%mul3A_52, %dma_wait3A_64] : memref<5048x128xf32, #tpu.memory_space<vmem_shared>> -> memref<312x128xf32, #tpu.memory_space<vmem_shared>>
        tpu.wait_dma2 semaphore(%run_scoped3A_55 : memref<!tpu.dma_semaphore, #tpu.memory_space<semaphore_mem>>) src(%dma_wait3A_65 : memref<312x128xf32, #tpu.memory_space<vmem_shared>>) dst(%dma_wait3A_63 : memref<312x128xf32, #tpu.memory_space<hbm>>)
        tpu.yield
      }) : () -> ()
    } else {
    }
    %eq3A_46 = arith.constant 15 : i32
    %eq3A_47 = arith.cmpi eq, %arg1, %eq3A_46 : i32
    %convert_element_type3A_48 = arith.extui %eq3A_47 : i1 to i32
    %cond3A_49 = arith.constant 0 : i32
    %cond3A_50 = arith.cmpi ne, %convert_element_type3A_48, %cond3A_49 : i32
    scf.if %cond3A_50 {
      "tpu.region"() ({
        %run_scoped3A_51 = tpu.sem_alloc : memref<!tpu.dma_semaphore, #tpu.memory_space<semaphore_mem>>
        %dma_start3A_52 = arith.constant 4680 : i32
        %dma_start3A_53 = arith.constant 0 : i32
        %dma_start3A_54 = tpu.memref_slice %arg6[%arg0, %dma_start3A_52, %dma_start3A_53] : memref<2x5000x128xf32, #tpu.memory_space<hbm>> -> memref<1x320x128xf32, #tpu.memory_space<hbm>>
        %dma_start3A_55 = tpu.memref_squeeze %dma_start3A_54 : memref<1x320x128xf32, #tpu.memory_space<hbm>> -> memref<320x128xf32, #tpu.memory_space<hbm>>
        %dma_start3A_56 = arith.constant 4680 : i32
        %dma_start3A_57 = arith.constant 0 : i32
        %dma_start3A_58 = tpu.memref_slice %arg12[%dma_start3A_56, %dma_start3A_57] : memref<5048x128xf32, #tpu.memory_space<vmem_shared>> -> memref<320x128xf32, #tpu.memory_space<vmem_shared>>
        tpu.enqueue_dma source(%dma_start3A_58 : memref<320x128xf32, #tpu.memory_space<vmem_shared>>) target(%dma_start3A_55 : memref<320x128xf32, #tpu.memory_space<hbm>>) target_semaphore(%run_scoped3A_51 : memref<!tpu.dma_semaphore, #tpu.memory_space<semaphore_mem>>)
        %dma_wait3A_59 = arith.constant 4680 : i32
        %dma_wait3A_60 = arith.constant 0 : i32
        %dma_wait3A_61 = tpu.memref_slice %arg6[%arg0, %dma_wait3A_59, %dma_wait3A_60] : memref<2x5000x128xf32, #tpu.memory_space<hbm>> -> memref<1x320x128xf32, #tpu.memory_space<hbm>>
        %dma_wait3A_62 = tpu.memref_squeeze %dma_wait3A_61 : memref<1x320x128xf32, #tpu.memory_space<hbm>> -> memref<320x128xf32, #tpu.memory_space<hbm>>
        %dma_wait3A_63 = arith.constant 4680 : i32
        %dma_wait3A_64 = arith.constant 0 : i32
        %dma_wait3A_65 = tpu.memref_slice %arg12[%dma_wait3A_63, %dma_wait3A_64] : memref<5048x128xf32, #tpu.memory_space<vmem_shared>> -> memref<320x128xf32, #tpu.memory_space<vmem_shared>>
        tpu.wait_dma2 semaphore(%run_scoped3A_51 : memref<!tpu.dma_semaphore, #tpu.memory_space<semaphore_mem>>) src(%dma_wait3A_65 : memref<320x128xf32, #tpu.memory_space<vmem_shared>>) dst(%dma_wait3A_62 : memref<320x128xf32, #tpu.memory_space<hbm>>)
        tpu.yield
      }) : () -> ()
    } else {
    }
    return
  }
}

#map = affine_map<(d0, d1) -> (0, 0)>
#map1 = affine_map<(d0, d1) -> (0, 0, 0)>
module attributes {stable_mosaic.version = 14 : i64} {
  func.func @k(%arg0: i32, %arg1: i32, %arg2: memref<10000x128xf32, #tpu.memory_space<hbm>>, %arg3: memref<2560x125xi32, #tpu.memory_space<hbm>>, %arg4: memref<2x2560x125xi32, #tpu.memory_space<hbm>>, %arg5: memref<5048x128xf32, #tpu.memory_space<hbm>>, %arg6: memref<2x5000x128xf32, #tpu.memory_space<hbm>>, %arg7: memref<160x125xi32, #tpu.memory_space<vmem>>, %arg8: memref<160x125xi32, #tpu.memory_space<vmem>>, %arg9: memref<125x128xf32, #tpu.memory_space<vmem>>, %arg10: memref<125x128xf32, #tpu.memory_space<vmem>>, %arg11: memref<125x128xf32, #tpu.memory_space<vmem>>, %arg12: memref<5048x128xf32, #tpu.memory_space<vmem_shared>>, %arg13: memref<!tpu.dma_semaphore, #tpu.memory_space<semaphore_mem>>, %arg14: memref<!tpu.dma_semaphore, #tpu.memory_space<semaphore_mem>>, %arg15: memref<!tpu.dma_semaphore, #tpu.memory_space<semaphore_mem>>) attributes {dimension_semantics = [#tpu.dimension_semantics<core_parallel>, #tpu.dimension_semantics<subcore_parallel>], iteration_bounds = array<i64: 2, 16>, scalar_prefetch = 0 : i64, scratch_operands = 9 : i64, tpu.core_type = #tpu.core_type<sc_vector_subcore>, window_params = [{transform_indices = #map}, {transform_indices = #map}, {transform_indices = #map1}, {transform_indices = #map}, {transform_indices = #map1}]} {
    %mul3A = arith.constant 160 : i32
    %mul3A_0 = arith.muli %arg1, %mul3A : i32
    "tpu.region"() ({
      %run_scoped3A_51 = tpu.sem_alloc : memref<!tpu.dma_semaphore, #tpu.memory_space<semaphore_mem>>
      %dma_start3A_52 = arith.constant 0 : i32
      %dma_start3A_53 = tpu.memref_slice %arg3[%mul3A_0, %dma_start3A_52] : memref<2560x125xi32, #tpu.memory_space<hbm>> -> memref<160x125xi32, #tpu.memory_space<hbm>>
      %dma_start3A_54 = arith.constant 0 : i32
      %dma_start3A_55 = tpu.memref_slice %arg3[%mul3A_0, %dma_start3A_54] : memref<2560x125xi32, #tpu.memory_space<hbm>> -> memref<160x125xi32, #tpu.memory_space<hbm>>
      tpu.enqueue_dma source(%dma_start3A_55 : memref<160x125xi32, #tpu.memory_space<hbm>>) target(%arg7 : memref<160x125xi32, #tpu.memory_space<vmem>>) target_semaphore(%run_scoped3A_51 : memref<!tpu.dma_semaphore, #tpu.memory_space<semaphore_mem>>)
      %dma_wait3A_56 = arith.constant 0 : i32
      %dma_wait3A_57 = tpu.memref_slice %arg3[%mul3A_0, %dma_wait3A_56] : memref<2560x125xi32, #tpu.memory_space<hbm>> -> memref<160x125xi32, #tpu.memory_space<hbm>>
      %dma_wait3A_58 = arith.constant 0 : i32
      %dma_wait3A_59 = tpu.memref_slice %arg3[%mul3A_0, %dma_wait3A_58] : memref<2560x125xi32, #tpu.memory_space<hbm>> -> memref<160x125xi32, #tpu.memory_space<hbm>>
      tpu.wait_dma2 semaphore(%run_scoped3A_51 : memref<!tpu.dma_semaphore, #tpu.memory_space<semaphore_mem>>) src(%dma_wait3A_59 : memref<160x125xi32, #tpu.memory_space<hbm>>) dst(%arg7 : memref<160x125xi32, #tpu.memory_space<vmem>>)
      tpu.yield
    }) : () -> ()
    %mul3A_1 = arith.constant 160 : i32
    %mul3A_2 = arith.muli %arg1, %mul3A_1 : i32
    "tpu.region"() ({
      %run_scoped3A_51 = tpu.sem_alloc : memref<!tpu.dma_semaphore, #tpu.memory_space<semaphore_mem>>
      %dma_start3A_52 = arith.constant 0 : i32
      %dma_start3A_53 = tpu.memref_slice %arg4[%arg0, %mul3A_2, %dma_start3A_52] : memref<2x2560x125xi32, #tpu.memory_space<hbm>> -> memref<1x160x125xi32, #tpu.memory_space<hbm>>
      %dma_start3A_54 = tpu.memref_squeeze %dma_start3A_53 : memref<1x160x125xi32, #tpu.memory_space<hbm>> -> memref<160x125xi32, #tpu.memory_space<hbm>>
      %dma_start3A_55 = arith.constant 0 : i32
      %dma_start3A_56 = tpu.memref_slice %arg4[%arg0, %mul3A_2, %dma_start3A_55] : memref<2x2560x125xi32, #tpu.memory_space<hbm>> -> memref<1x160x125xi32, #tpu.memory_space<hbm>>
      %dma_start3A_57 = tpu.memref_squeeze %dma_start3A_56 : memref<1x160x125xi32, #tpu.memory_space<hbm>> -> memref<160x125xi32, #tpu.memory_space<hbm>>
      tpu.enqueue_dma source(%dma_start3A_57 : memref<160x125xi32, #tpu.memory_space<hbm>>) target(%arg8 : memref<160x125xi32, #tpu.memory_space<vmem>>) target_semaphore(%run_scoped3A_51 : memref<!tpu.dma_semaphore, #tpu.memory_space<semaphore_mem>>)
      %dma_wait3A_58 = arith.constant 0 : i32
      %dma_wait3A_59 = tpu.memref_slice %arg4[%arg0, %mul3A_2, %dma_wait3A_58] : memref<2x2560x125xi32, #tpu.memory_space<hbm>> -> memref<1x160x125xi32, #tpu.memory_space<hbm>>
      %dma_wait3A_60 = tpu.memref_squeeze %dma_wait3A_59 : memref<1x160x125xi32, #tpu.memory_space<hbm>> -> memref<160x125xi32, #tpu.memory_space<hbm>>
      %dma_wait3A_61 = arith.constant 0 : i32
      %dma_wait3A_62 = tpu.memref_slice %arg4[%arg0, %mul3A_2, %dma_wait3A_61] : memref<2x2560x125xi32, #tpu.memory_space<hbm>> -> memref<1x160x125xi32, #tpu.memory_space<hbm>>
      %dma_wait3A_63 = tpu.memref_squeeze %dma_wait3A_62 : memref<1x160x125xi32, #tpu.memory_space<hbm>> -> memref<160x125xi32, #tpu.memory_space<hbm>>
      tpu.wait_dma2 semaphore(%run_scoped3A_51 : memref<!tpu.dma_semaphore, #tpu.memory_space<semaphore_mem>>) src(%dma_wait3A_63 : memref<160x125xi32, #tpu.memory_space<hbm>>) dst(%arg8 : memref<160x125xi32, #tpu.memory_space<vmem>>)
      tpu.yield
    }) : () -> ()
    %lt3A = arith.constant 15 : i32
    %lt3A_3 = arith.cmpi slt, %arg1, %lt3A : i32
    %convert_element_type3A = arith.extui %lt3A_3 : i1 to i32
    %cond3A = arith.constant 0 : i32
    %cond3A_4 = arith.cmpi ne, %convert_element_type3A, %cond3A : i32
    scf.if %cond3A_4 {
      %mul3A_51 = arith.constant 312 : i32
      %mul3A_52 = arith.muli %arg1, %mul3A_51 : i32
      %mul3A_53 = arith.constant 312 : i32
      %mul3A_54 = arith.muli %arg1, %mul3A_53 : i32
      "tpu.region"() ({
        %run_scoped3A_55 = tpu.sem_alloc : memref<!tpu.dma_semaphore, #tpu.memory_space<semaphore_mem>>
        %dma_start3A_56 = arith.constant 0 : i32
        %dma_start3A_57 = tpu.memref_slice %arg12[%mul3A_54, %dma_start3A_56] : memref<5048x128xf32, #tpu.memory_space<vmem_shared>> -> memref<312x128xf32, #tpu.memory_space<vmem_shared>>
        %dma_start3A_58 = arith.constant 0 : i32
        %dma_start3A_59 = tpu.memref_slice %arg5[%mul3A_52, %dma_start3A_58] : memref<5048x128xf32, #tpu.memory_space<hbm>> -> memref<312x128xf32, #tpu.memory_space<hbm>>
        tpu.enqueue_dma source(%dma_start3A_59 : memref<312x128xf32, #tpu.memory_space<hbm>>) target(%dma_start3A_57 : memref<312x128xf32, #tpu.memory_space<vmem_shared>>) target_semaphore(%run_scoped3A_55 : memref<!tpu.dma_semaphore, #tpu.memory_space<semaphore_mem>>)
        %dma_wait3A_60 = arith.constant 0 : i32
        %dma_wait3A_61 = tpu.memref_slice %arg12[%mul3A_54, %dma_wait3A_60] : memref<5048x128xf32, #tpu.memory_space<vmem_shared>> -> memref<312x128xf32, #tpu.memory_space<vmem_shared>>
        %dma_wait3A_62 = arith.constant 0 : i32
        %dma_wait3A_63 = tpu.memref_slice %arg5[%mul3A_52, %dma_wait3A_62] : memref<5048x128xf32, #tpu.memory_space<hbm>> -> memref<312x128xf32, #tpu.memory_space<hbm>>
        tpu.wait_dma2 semaphore(%run_scoped3A_55 : memref<!tpu.dma_semaphore, #tpu.memory_space<semaphore_mem>>) src(%dma_wait3A_63 : memref<312x128xf32, #tpu.memory_space<hbm>>) dst(%dma_wait3A_61 : memref<312x128xf32, #tpu.memory_space<vmem_shared>>)
        tpu.yield
      }) : () -> ()
    } else {
    }
    %eq3A = arith.constant 15 : i32
    %eq3A_5 = arith.cmpi eq, %arg1, %eq3A : i32
    %convert_element_type3A_6 = arith.extui %eq3A_5 : i1 to i32
    %cond3A_7 = arith.constant 0 : i32
    %cond3A_8 = arith.cmpi ne, %convert_element_type3A_6, %cond3A_7 : i32
    scf.if %cond3A_8 {
      "tpu.region"() ({
        %run_scoped3A_51 = tpu.sem_alloc : memref<!tpu.dma_semaphore, #tpu.memory_space<semaphore_mem>>
        %dma_start3A_52 = arith.constant 4680 : i32
        %dma_start3A_53 = arith.constant 0 : i32
        %dma_start3A_54 = tpu.memref_slice %arg12[%dma_start3A_52, %dma_start3A_53] : memref<5048x128xf32, #tpu.memory_space<vmem_shared>> -> memref<368x128xf32, #tpu.memory_space<vmem_shared>>
        %dma_start3A_55 = arith.constant 4680 : i32
        %dma_start3A_56 = arith.constant 0 : i32
        %dma_start3A_57 = tpu.memref_slice %arg5[%dma_start3A_55, %dma_start3A_56] : memref<5048x128xf32, #tpu.memory_space<hbm>> -> memref<368x128xf32, #tpu.memory_space<hbm>>
        tpu.enqueue_dma source(%dma_start3A_57 : memref<368x128xf32, #tpu.memory_space<hbm>>) target(%dma_start3A_54 : memref<368x128xf32, #tpu.memory_space<vmem_shared>>) target_semaphore(%run_scoped3A_51 : memref<!tpu.dma_semaphore, #tpu.memory_space<semaphore_mem>>)
        %dma_wait3A_58 = arith.constant 4680 : i32
        %dma_wait3A_59 = arith.constant 0 : i32
        %dma_wait3A_60 = tpu.memref_slice %arg12[%dma_wait3A_58, %dma_wait3A_59] : memref<5048x128xf32, #tpu.memory_space<vmem_shared>> -> memref<368x128xf32, #tpu.memory_space<vmem_shared>>
        %dma_wait3A_61 = arith.constant 4680 : i32
        %dma_wait3A_62 = arith.constant 0 : i32
        %dma_wait3A_63 = tpu.memref_slice %arg5[%dma_wait3A_61, %dma_wait3A_62] : memref<5048x128xf32, #tpu.memory_space<hbm>> -> memref<368x128xf32, #tpu.memory_space<hbm>>
        tpu.wait_dma2 semaphore(%run_scoped3A_51 : memref<!tpu.dma_semaphore, #tpu.memory_space<semaphore_mem>>) src(%dma_wait3A_63 : memref<368x128xf32, #tpu.memory_space<hbm>>) dst(%dma_wait3A_60 : memref<368x128xf32, #tpu.memory_space<vmem_shared>>)
        tpu.yield
      }) : () -> ()
    } else {
    }
    %barrier3A = arith.constant 0 : index
    tpu.barrier barrier_id(%barrier3A)
    %dma_start3A = arith.constant 0 : i32
    %dma_start3A_9 = arith.constant 0 : i32
    %dma_start3A_10 = tpu.memref_slice %arg7[%dma_start3A, %dma_start3A_9] : memref<160x125xi32, #tpu.memory_space<vmem>> -> memref<1x125xi32, #tpu.memory_space<vmem>>
    %dma_start3A_11 = tpu.memref_squeeze %dma_start3A_10 : memref<1x125xi32, #tpu.memory_space<vmem>> -> memref<125xi32, #tpu.memory_space<vmem>>
    %dma_start3A_12 = arith.constant 0 : i32
    %dma_start3A_13 = arith.constant 0 : i32
    %dma_start3A_14 = tpu.memref_slice %arg2[%dma_start3A_12, %dma_start3A_13] : memref<10000x128xf32, #tpu.memory_space<hbm>> -> memref<10000x128xf32, #tpu.memory_space<hbm>>
    tpu.enqueue_indirect_dma source(%dma_start3A_14 : memref<10000x128xf32, #tpu.memory_space<hbm>>) target(%arg9 : memref<125x128xf32, #tpu.memory_space<vmem>>) offsets(%dma_start3A_11 : memref<125xi32, #tpu.memory_space<vmem>>) semaphore(%arg13 : memref<!tpu.dma_semaphore, #tpu.memory_space<semaphore_mem>>)
    %dma_start3A_15 = arith.constant 1 : i32
    %dma_start3A_16 = arith.constant 0 : i32
    %dma_start3A_17 = tpu.memref_slice %arg7[%dma_start3A_15, %dma_start3A_16] : memref<160x125xi32, #tpu.memory_space<vmem>> -> memref<1x125xi32, #tpu.memory_space<vmem>>
    %dma_start3A_18 = tpu.memref_squeeze %dma_start3A_17 : memref<1x125xi32, #tpu.memory_space<vmem>> -> memref<125xi32, #tpu.memory_space<vmem>>
    %dma_start3A_19 = arith.constant 0 : i32
    %dma_start3A_20 = arith.constant 0 : i32
    %dma_start3A_21 = tpu.memref_slice %arg2[%dma_start3A_19, %dma_start3A_20] : memref<10000x128xf32, #tpu.memory_space<hbm>> -> memref<10000x128xf32, #tpu.memory_space<hbm>>
    tpu.enqueue_indirect_dma source(%dma_start3A_21 : memref<10000x128xf32, #tpu.memory_space<hbm>>) target(%arg10 : memref<125x128xf32, #tpu.memory_space<vmem>>) offsets(%dma_start3A_18 : memref<125xi32, #tpu.memory_space<vmem>>) semaphore(%arg14 : memref<!tpu.dma_semaphore, #tpu.memory_space<semaphore_mem>>)
    %dma_start3A_22 = arith.constant 2 : i32
    %dma_start3A_23 = arith.constant 0 : i32
    %dma_start3A_24 = tpu.memref_slice %arg7[%dma_start3A_22, %dma_start3A_23] : memref<160x125xi32, #tpu.memory_space<vmem>> -> memref<1x125xi32, #tpu.memory_space<vmem>>
    %dma_start3A_25 = tpu.memref_squeeze %dma_start3A_24 : memref<1x125xi32, #tpu.memory_space<vmem>> -> memref<125xi32, #tpu.memory_space<vmem>>
    %dma_start3A_26 = arith.constant 0 : i32
    %dma_start3A_27 = arith.constant 0 : i32
    %dma_start3A_28 = tpu.memref_slice %arg2[%dma_start3A_26, %dma_start3A_27] : memref<10000x128xf32, #tpu.memory_space<hbm>> -> memref<10000x128xf32, #tpu.memory_space<hbm>>
    tpu.enqueue_indirect_dma source(%dma_start3A_28 : memref<10000x128xf32, #tpu.memory_space<hbm>>) target(%arg11 : memref<125x128xf32, #tpu.memory_space<vmem>>) offsets(%dma_start3A_25 : memref<125xi32, #tpu.memory_space<vmem>>) semaphore(%arg15 : memref<!tpu.dma_semaphore, #tpu.memory_space<semaphore_mem>>)
    %scan3A = arith.constant 0 : i32
    %scan3A_29 = arith.constant 0 : i32
    %scan3A_30 = arith.constant 53 : i32
    %scan3A_31 = arith.addi %scan3A_29, %scan3A_30 : i32
    %scan3A_32 = arith.constant 1 : i32
    scf.for %scan3A_51 = %scan3A_29 to %scan3A_31 step %scan3A_32  : i32 {
      %mul3A_52 = arith.constant 3 : i32
      %mul3A_53 = arith.muli %mul3A_52, %scan3A_51 : i32
      %add3A = arith.constant 0 : i32
      %add3A_54 = arith.addi %mul3A_53, %add3A : i32
      %dma_wait3A_55 = arith.constant 0 : i32
      %dma_wait3A_56 = tpu.memref_slice %arg7[%add3A_54, %dma_wait3A_55] : memref<160x125xi32, #tpu.memory_space<vmem>> -> memref<1x125xi32, #tpu.memory_space<vmem>>
      %dma_wait3A_57 = tpu.memref_squeeze %dma_wait3A_56 : memref<1x125xi32, #tpu.memory_space<vmem>> -> memref<125xi32, #tpu.memory_space<vmem>>
      %dma_wait3A_58 = arith.constant 0 : i32
      %dma_wait3A_59 = arith.constant 0 : i32
      %dma_wait3A_60 = tpu.memref_slice %arg2[%dma_wait3A_58, %dma_wait3A_59] : memref<10000x128xf32, #tpu.memory_space<hbm>> -> memref<10000x128xf32, #tpu.memory_space<hbm>>
      tpu.wait_indirect_dma semaphore(%arg13 : memref<!tpu.dma_semaphore, #tpu.memory_space<semaphore_mem>>) src(%dma_wait3A_60 : memref<10000x128xf32, #tpu.memory_space<hbm>>) dst(%arg9 : memref<125x128xf32, #tpu.memory_space<vmem>>)
      "tpu.region"() ({
        %run_scoped3A_102 = tpu.sem_alloc : memref<!tpu.dma_semaphore, #tpu.memory_space<semaphore_mem>>
        %dma_start3A_103 = arith.constant 0 : i32
        %dma_start3A_104 = tpu.memref_slice %arg8[%add3A_54, %dma_start3A_103] : memref<160x125xi32, #tpu.memory_space<vmem>> -> memref<1x125xi32, #tpu.memory_space<vmem>>
        %dma_start3A_105 = tpu.memref_squeeze %dma_start3A_104 : memref<1x125xi32, #tpu.memory_space<vmem>> -> memref<125xi32, #tpu.memory_space<vmem>>
        %dma_start3A_106 = arith.constant 0 : i32
        %dma_start3A_107 = arith.constant 0 : i32
        %dma_start3A_108 = tpu.memref_slice %arg12[%dma_start3A_106, %dma_start3A_107] : memref<5048x128xf32, #tpu.memory_space<vmem_shared>> -> memref<5048x128xf32, #tpu.memory_space<vmem_shared>>
        tpu.enqueue_indirect_dma source(%arg9 : memref<125x128xf32, #tpu.memory_space<vmem>>) target(%dma_start3A_108 : memref<5048x128xf32, #tpu.memory_space<vmem_shared>>) offsets(%dma_start3A_105 : memref<125xi32, #tpu.memory_space<vmem>>) semaphore(%run_scoped3A_102 : memref<!tpu.dma_semaphore, #tpu.memory_space<semaphore_mem>>) {add = true}
        %dma_wait3A_109 = arith.constant 0 : i32
        %dma_wait3A_110 = tpu.memref_slice %arg8[%add3A_54, %dma_wait3A_109] : memref<160x125xi32, #tpu.memory_space<vmem>> -> memref<1x125xi32, #tpu.memory_space<vmem>>
        %dma_wait3A_111 = tpu.memref_squeeze %dma_wait3A_110 : memref<1x125xi32, #tpu.memory_space<vmem>> -> memref<125xi32, #tpu.memory_space<vmem>>
        %dma_wait3A_112 = arith.constant 0 : i32
        %dma_wait3A_113 = arith.constant 0 : i32
        %dma_wait3A_114 = tpu.memref_slice %arg12[%dma_wait3A_112, %dma_wait3A_113] : memref<5048x128xf32, #tpu.memory_space<vmem_shared>> -> memref<5048x128xf32, #tpu.memory_space<vmem_shared>>
        tpu.wait_indirect_dma semaphore(%run_scoped3A_102 : memref<!tpu.dma_semaphore, #tpu.memory_space<semaphore_mem>>) src(%arg9 : memref<125x128xf32, #tpu.memory_space<vmem>>) dst(%dma_wait3A_114 : memref<5048x128xf32, #tpu.memory_space<vmem_shared>>)
        tpu.yield
      }) : () -> ()
      %add3A_61 = arith.constant 3 : i32
      %add3A_62 = arith.addi %add3A_54, %add3A_61 : i32
      %lt3A_63 = arith.constant 160 : i32
      %lt3A_64 = arith.cmpi slt, %add3A_62, %lt3A_63 : i32
      %convert_element_type3A_65 = arith.extui %lt3A_64 : i1 to i32
      %cond3A_66 = arith.constant 0 : i32
      %cond3A_67 = arith.cmpi ne, %convert_element_type3A_65, %cond3A_66 : i32
      scf.if %cond3A_67 {
        %add3A_102 = arith.constant 3 : i32
        %add3A_103 = arith.addi %add3A_54, %add3A_102 : i32
        %dma_start3A_104 = arith.constant 0 : i32
        %dma_start3A_105 = tpu.memref_slice %arg7[%add3A_103, %dma_start3A_104] : memref<160x125xi32, #tpu.memory_space<vmem>> -> memref<1x125xi32, #tpu.memory_space<vmem>>
        %dma_start3A_106 = tpu.memref_squeeze %dma_start3A_105 : memref<1x125xi32, #tpu.memory_space<vmem>> -> memref<125xi32, #tpu.memory_space<vmem>>
        %dma_start3A_107 = arith.constant 0 : i32
        %dma_start3A_108 = arith.constant 0 : i32
        %dma_start3A_109 = tpu.memref_slice %arg2[%dma_start3A_107, %dma_start3A_108] : memref<10000x128xf32, #tpu.memory_space<hbm>> -> memref<10000x128xf32, #tpu.memory_space<hbm>>
        tpu.enqueue_indirect_dma source(%dma_start3A_109 : memref<10000x128xf32, #tpu.memory_space<hbm>>) target(%arg9 : memref<125x128xf32, #tpu.memory_space<vmem>>) offsets(%dma_start3A_106 : memref<125xi32, #tpu.memory_space<vmem>>) semaphore(%arg13 : memref<!tpu.dma_semaphore, #tpu.memory_space<semaphore_mem>>)
      } else {
      }
      %mul3A_68 = arith.constant 3 : i32
      %mul3A_69 = arith.muli %mul3A_68, %scan3A_51 : i32
      %add3A_70 = arith.constant 1 : i32
      %add3A_71 = arith.addi %mul3A_69, %add3A_70 : i32
      %dma_wait3A_72 = arith.constant 0 : i32
      %dma_wait3A_73 = tpu.memref_slice %arg7[%add3A_71, %dma_wait3A_72] : memref<160x125xi32, #tpu.memory_space<vmem>> -> memref<1x125xi32, #tpu.memory_space<vmem>>
      %dma_wait3A_74 = tpu.memref_squeeze %dma_wait3A_73 : memref<1x125xi32, #tpu.memory_space<vmem>> -> memref<125xi32, #tpu.memory_space<vmem>>
      %dma_wait3A_75 = arith.constant 0 : i32
      %dma_wait3A_76 = arith.constant 0 : i32
      %dma_wait3A_77 = tpu.memref_slice %arg2[%dma_wait3A_75, %dma_wait3A_76] : memref<10000x128xf32, #tpu.memory_space<hbm>> -> memref<10000x128xf32, #tpu.memory_space<hbm>>
      tpu.wait_indirect_dma semaphore(%arg14 : memref<!tpu.dma_semaphore, #tpu.memory_space<semaphore_mem>>) src(%dma_wait3A_77 : memref<10000x128xf32, #tpu.memory_space<hbm>>) dst(%arg10 : memref<125x128xf32, #tpu.memory_space<vmem>>)
      "tpu.region"() ({
        %run_scoped3A_102 = tpu.sem_alloc : memref<!tpu.dma_semaphore, #tpu.memory_space<semaphore_mem>>
        %dma_start3A_103 = arith.constant 0 : i32
        %dma_start3A_104 = tpu.memref_slice %arg8[%add3A_71, %dma_start3A_103] : memref<160x125xi32, #tpu.memory_space<vmem>> -> memref<1x125xi32, #tpu.memory_space<vmem>>
        %dma_start3A_105 = tpu.memref_squeeze %dma_start3A_104 : memref<1x125xi32, #tpu.memory_space<vmem>> -> memref<125xi32, #tpu.memory_space<vmem>>
        %dma_start3A_106 = arith.constant 0 : i32
        %dma_start3A_107 = arith.constant 0 : i32
        %dma_start3A_108 = tpu.memref_slice %arg12[%dma_start3A_106, %dma_start3A_107] : memref<5048x128xf32, #tpu.memory_space<vmem_shared>> -> memref<5048x128xf32, #tpu.memory_space<vmem_shared>>
        tpu.enqueue_indirect_dma source(%arg10 : memref<125x128xf32, #tpu.memory_space<vmem>>) target(%dma_start3A_108 : memref<5048x128xf32, #tpu.memory_space<vmem_shared>>) offsets(%dma_start3A_105 : memref<125xi32, #tpu.memory_space<vmem>>) semaphore(%run_scoped3A_102 : memref<!tpu.dma_semaphore, #tpu.memory_space<semaphore_mem>>) {add = true}
        %dma_wait3A_109 = arith.constant 0 : i32
        %dma_wait3A_110 = tpu.memref_slice %arg8[%add3A_71, %dma_wait3A_109] : memref<160x125xi32, #tpu.memory_space<vmem>> -> memref<1x125xi32, #tpu.memory_space<vmem>>
        %dma_wait3A_111 = tpu.memref_squeeze %dma_wait3A_110 : memref<1x125xi32, #tpu.memory_space<vmem>> -> memref<125xi32, #tpu.memory_space<vmem>>
        %dma_wait3A_112 = arith.constant 0 : i32
        %dma_wait3A_113 = arith.constant 0 : i32
        %dma_wait3A_114 = tpu.memref_slice %arg12[%dma_wait3A_112, %dma_wait3A_113] : memref<5048x128xf32, #tpu.memory_space<vmem_shared>> -> memref<5048x128xf32, #tpu.memory_space<vmem_shared>>
        tpu.wait_indirect_dma semaphore(%run_scoped3A_102 : memref<!tpu.dma_semaphore, #tpu.memory_space<semaphore_mem>>) src(%arg10 : memref<125x128xf32, #tpu.memory_space<vmem>>) dst(%dma_wait3A_114 : memref<5048x128xf32, #tpu.memory_space<vmem_shared>>)
        tpu.yield
      }) : () -> ()
      %add3A_78 = arith.constant 3 : i32
      %add3A_79 = arith.addi %add3A_71, %add3A_78 : i32
      %lt3A_80 = arith.constant 160 : i32
      %lt3A_81 = arith.cmpi slt, %add3A_79, %lt3A_80 : i32
      %convert_element_type3A_82 = arith.extui %lt3A_81 : i1 to i32
      %cond3A_83 = arith.constant 0 : i32
      %cond3A_84 = arith.cmpi ne, %convert_element_type3A_82, %cond3A_83 : i32
      scf.if %cond3A_84 {
        %add3A_102 = arith.constant 3 : i32
        %add3A_103 = arith.addi %add3A_71, %add3A_102 : i32
        %dma_start3A_104 = arith.constant 0 : i32
        %dma_start3A_105 = tpu.memref_slice %arg7[%add3A_103, %dma_start3A_104] : memref<160x125xi32, #tpu.memory_space<vmem>> -> memref<1x125xi32, #tpu.memory_space<vmem>>
        %dma_start3A_106 = tpu.memref_squeeze %dma_start3A_105 : memref<1x125xi32, #tpu.memory_space<vmem>> -> memref<125xi32, #tpu.memory_space<vmem>>
        %dma_start3A_107 = arith.constant 0 : i32
        %dma_start3A_108 = arith.constant 0 : i32
        %dma_start3A_109 = tpu.memref_slice %arg2[%dma_start3A_107, %dma_start3A_108] : memref<10000x128xf32, #tpu.memory_space<hbm>> -> memref<10000x128xf32, #tpu.memory_space<hbm>>
        tpu.enqueue_indirect_dma source(%dma_start3A_109 : memref<10000x128xf32, #tpu.memory_space<hbm>>) target(%arg10 : memref<125x128xf32, #tpu.memory_space<vmem>>) offsets(%dma_start3A_106 : memref<125xi32, #tpu.memory_space<vmem>>) semaphore(%arg14 : memref<!tpu.dma_semaphore, #tpu.memory_space<semaphore_mem>>)
      } else {
      }
      %mul3A_85 = arith.constant 3 : i32
      %mul3A_86 = arith.muli %mul3A_85, %scan3A_51 : i32
      %add3A_87 = arith.constant 2 : i32
      %add3A_88 = arith.addi %mul3A_86, %add3A_87 : i32
      %dma_wait3A_89 = arith.constant 0 : i32
      %dma_wait3A_90 = tpu.memref_slice %arg7[%add3A_88, %dma_wait3A_89] : memref<160x125xi32, #tpu.memory_space<vmem>> -> memref<1x125xi32, #tpu.memory_space<vmem>>
      %dma_wait3A_91 = tpu.memref_squeeze %dma_wait3A_90 : memref<1x125xi32, #tpu.memory_space<vmem>> -> memref<125xi32, #tpu.memory_space<vmem>>
      %dma_wait3A_92 = arith.constant 0 : i32
      %dma_wait3A_93 = arith.constant 0 : i32
      %dma_wait3A_94 = tpu.memref_slice %arg2[%dma_wait3A_92, %dma_wait3A_93] : memref<10000x128xf32, #tpu.memory_space<hbm>> -> memref<10000x128xf32, #tpu.memory_space<hbm>>
      tpu.wait_indirect_dma semaphore(%arg15 : memref<!tpu.dma_semaphore, #tpu.memory_space<semaphore_mem>>) src(%dma_wait3A_94 : memref<10000x128xf32, #tpu.memory_space<hbm>>) dst(%arg11 : memref<125x128xf32, #tpu.memory_space<vmem>>)
      "tpu.region"() ({
        %run_scoped3A_102 = tpu.sem_alloc : memref<!tpu.dma_semaphore, #tpu.memory_space<semaphore_mem>>
        %dma_start3A_103 = arith.constant 0 : i32
        %dma_start3A_104 = tpu.memref_slice %arg8[%add3A_88, %dma_start3A_103] : memref<160x125xi32, #tpu.memory_space<vmem>> -> memref<1x125xi32, #tpu.memory_space<vmem>>
        %dma_start3A_105 = tpu.memref_squeeze %dma_start3A_104 : memref<1x125xi32, #tpu.memory_space<vmem>> -> memref<125xi32, #tpu.memory_space<vmem>>
        %dma_start3A_106 = arith.constant 0 : i32
        %dma_start3A_107 = arith.constant 0 : i32
        %dma_start3A_108 = tpu.memref_slice %arg12[%dma_start3A_106, %dma_start3A_107] : memref<5048x128xf32, #tpu.memory_space<vmem_shared>> -> memref<5048x128xf32, #tpu.memory_space<vmem_shared>>
        tpu.enqueue_indirect_dma source(%arg11 : memref<125x128xf32, #tpu.memory_space<vmem>>) target(%dma_start3A_108 : memref<5048x128xf32, #tpu.memory_space<vmem_shared>>) offsets(%dma_start3A_105 : memref<125xi32, #tpu.memory_space<vmem>>) semaphore(%run_scoped3A_102 : memref<!tpu.dma_semaphore, #tpu.memory_space<semaphore_mem>>) {add = true}
        %dma_wait3A_109 = arith.constant 0 : i32
        %dma_wait3A_110 = tpu.memref_slice %arg8[%add3A_88, %dma_wait3A_109] : memref<160x125xi32, #tpu.memory_space<vmem>> -> memref<1x125xi32, #tpu.memory_space<vmem>>
        %dma_wait3A_111 = tpu.memref_squeeze %dma_wait3A_110 : memref<1x125xi32, #tpu.memory_space<vmem>> -> memref<125xi32, #tpu.memory_space<vmem>>
        %dma_wait3A_112 = arith.constant 0 : i32
        %dma_wait3A_113 = arith.constant 0 : i32
        %dma_wait3A_114 = tpu.memref_slice %arg12[%dma_wait3A_112, %dma_wait3A_113] : memref<5048x128xf32, #tpu.memory_space<vmem_shared>> -> memref<5048x128xf32, #tpu.memory_space<vmem_shared>>
        tpu.wait_indirect_dma semaphore(%run_scoped3A_102 : memref<!tpu.dma_semaphore, #tpu.memory_space<semaphore_mem>>) src(%arg11 : memref<125x128xf32, #tpu.memory_space<vmem>>) dst(%dma_wait3A_114 : memref<5048x128xf32, #tpu.memory_space<vmem_shared>>)
        tpu.yield
      }) : () -> ()
      %add3A_95 = arith.constant 3 : i32
      %add3A_96 = arith.addi %add3A_88, %add3A_95 : i32
      %lt3A_97 = arith.constant 160 : i32
      %lt3A_98 = arith.cmpi slt, %add3A_96, %lt3A_97 : i32
      %convert_element_type3A_99 = arith.extui %lt3A_98 : i1 to i32
      %cond3A_100 = arith.constant 0 : i32
      %cond3A_101 = arith.cmpi ne, %convert_element_type3A_99, %cond3A_100 : i32
      scf.if %cond3A_101 {
        %add3A_102 = arith.constant 3 : i32
        %add3A_103 = arith.addi %add3A_88, %add3A_102 : i32
        %dma_start3A_104 = arith.constant 0 : i32
        %dma_start3A_105 = tpu.memref_slice %arg7[%add3A_103, %dma_start3A_104] : memref<160x125xi32, #tpu.memory_space<vmem>> -> memref<1x125xi32, #tpu.memory_space<vmem>>
        %dma_start3A_106 = tpu.memref_squeeze %dma_start3A_105 : memref<1x125xi32, #tpu.memory_space<vmem>> -> memref<125xi32, #tpu.memory_space<vmem>>
        %dma_start3A_107 = arith.constant 0 : i32
        %dma_start3A_108 = arith.constant 0 : i32
        %dma_start3A_109 = tpu.memref_slice %arg2[%dma_start3A_107, %dma_start3A_108] : memref<10000x128xf32, #tpu.memory_space<hbm>> -> memref<10000x128xf32, #tpu.memory_space<hbm>>
        tpu.enqueue_indirect_dma source(%dma_start3A_109 : memref<10000x128xf32, #tpu.memory_space<hbm>>) target(%arg11 : memref<125x128xf32, #tpu.memory_space<vmem>>) offsets(%dma_start3A_106 : memref<125xi32, #tpu.memory_space<vmem>>) semaphore(%arg15 : memref<!tpu.dma_semaphore, #tpu.memory_space<semaphore_mem>>)
      } else {
      }
    }
    %scan3A_33 = arith.constant 53 : i32
    %dma_wait3A = arith.constant 159 : i32
    %dma_wait3A_34 = arith.constant 0 : i32
    %dma_wait3A_35 = tpu.memref_slice %arg7[%dma_wait3A, %dma_wait3A_34] : memref<160x125xi32, #tpu.memory_space<vmem>> -> memref<1x125xi32, #tpu.memory_space<vmem>>
    %dma_wait3A_36 = tpu.memref_squeeze %dma_wait3A_35 : memref<1x125xi32, #tpu.memory_space<vmem>> -> memref<125xi32, #tpu.memory_space<vmem>>
    %dma_wait3A_37 = arith.constant 0 : i32
    %dma_wait3A_38 = arith.constant 0 : i32
    %dma_wait3A_39 = tpu.memref_slice %arg2[%dma_wait3A_37, %dma_wait3A_38] : memref<10000x128xf32, #tpu.memory_space<hbm>> -> memref<10000x128xf32, #tpu.memory_space<hbm>>
    tpu.wait_indirect_dma semaphore(%arg13 : memref<!tpu.dma_semaphore, #tpu.memory_space<semaphore_mem>>) src(%dma_wait3A_39 : memref<10000x128xf32, #tpu.memory_space<hbm>>) dst(%arg9 : memref<125x128xf32, #tpu.memory_space<vmem>>)
    %run_scoped3A = arith.constant 159 : i32
    "tpu.region"() ({
      %run_scoped3A_51 = tpu.sem_alloc : memref<!tpu.dma_semaphore, #tpu.memory_space<semaphore_mem>>
      %dma_start3A_52 = arith.constant 0 : i32
      %dma_start3A_53 = tpu.memref_slice %arg8[%run_scoped3A, %dma_start3A_52] : memref<160x125xi32, #tpu.memory_space<vmem>> -> memref<1x125xi32, #tpu.memory_space<vmem>>
      %dma_start3A_54 = tpu.memref_squeeze %dma_start3A_53 : memref<1x125xi32, #tpu.memory_space<vmem>> -> memref<125xi32, #tpu.memory_space<vmem>>
      %dma_start3A_55 = arith.constant 0 : i32
      %dma_start3A_56 = arith.constant 0 : i32
      %dma_start3A_57 = tpu.memref_slice %arg12[%dma_start3A_55, %dma_start3A_56] : memref<5048x128xf32, #tpu.memory_space<vmem_shared>> -> memref<5048x128xf32, #tpu.memory_space<vmem_shared>>
      tpu.enqueue_indirect_dma source(%arg9 : memref<125x128xf32, #tpu.memory_space<vmem>>) target(%dma_start3A_57 : memref<5048x128xf32, #tpu.memory_space<vmem_shared>>) offsets(%dma_start3A_54 : memref<125xi32, #tpu.memory_space<vmem>>) semaphore(%run_scoped3A_51 : memref<!tpu.dma_semaphore, #tpu.memory_space<semaphore_mem>>) {add = true}
      %dma_wait3A_58 = arith.constant 0 : i32
      %dma_wait3A_59 = tpu.memref_slice %arg8[%run_scoped3A, %dma_wait3A_58] : memref<160x125xi32, #tpu.memory_space<vmem>> -> memref<1x125xi32, #tpu.memory_space<vmem>>
      %dma_wait3A_60 = tpu.memref_squeeze %dma_wait3A_59 : memref<1x125xi32, #tpu.memory_space<vmem>> -> memref<125xi32, #tpu.memory_space<vmem>>
      %dma_wait3A_61 = arith.constant 0 : i32
      %dma_wait3A_62 = arith.constant 0 : i32
      %dma_wait3A_63 = tpu.memref_slice %arg12[%dma_wait3A_61, %dma_wait3A_62] : memref<5048x128xf32, #tpu.memory_space<vmem_shared>> -> memref<5048x128xf32, #tpu.memory_space<vmem_shared>>
      tpu.wait_indirect_dma semaphore(%run_scoped3A_51 : memref<!tpu.dma_semaphore, #tpu.memory_space<semaphore_mem>>) src(%arg9 : memref<125x128xf32, #tpu.memory_space<vmem>>) dst(%dma_wait3A_63 : memref<5048x128xf32, #tpu.memory_space<vmem_shared>>)
      tpu.yield
    }) : () -> ()
    %barrier3A_40 = arith.constant 0 : index
    tpu.barrier barrier_id(%barrier3A_40)
    %lt3A_41 = arith.constant 15 : i32
    %lt3A_42 = arith.cmpi slt, %arg1, %lt3A_41 : i32
    %convert_element_type3A_43 = arith.extui %lt3A_42 : i1 to i32
    %cond3A_44 = arith.constant 0 : i32
    %cond3A_45 = arith.cmpi ne, %convert_element_type3A_43, %cond3A_44 : i32
    scf.if %cond3A_45 {
      %mul3A_51 = arith.constant 312 : i32
      %mul3A_52 = arith.muli %arg1, %mul3A_51 : i32
      %mul3A_53 = arith.constant 312 : i32
      %mul3A_54 = arith.muli %arg1, %mul3A_53 : i32
      "tpu.region"() ({
        %run_scoped3A_55 = tpu.sem_alloc : memref<!tpu.dma_semaphore, #tpu.memory_space<semaphore_mem>>
        %dma_start3A_56 = arith.constant 0 : i32
        %dma_start3A_57 = tpu.memref_slice %arg6[%arg0, %mul3A_54, %dma_start3A_56] : memref<2x5000x128xf32, #tpu.memory_space<hbm>> -> memref<1x312x128xf32, #tpu.memory_space<hbm>>
        %dma_start3A_58 = tpu.memref_squeeze %dma_start3A_57 : memref<1x312x128xf32, #tpu.memory_space<hbm>> -> memref<312x128xf32, #tpu.memory_space<hbm>>
        %dma_start3A_59 = arith.constant 0 : i32
        %dma_start3A_60 = tpu.memref_slice %arg12[%mul3A_52, %dma_start3A_59] : memref<5048x128xf32, #tpu.memory_space<vmem_shared>> -> memref<312x128xf32, #tpu.memory_space<vmem_shared>>
        tpu.enqueue_dma source(%dma_start3A_60 : memref<312x128xf32, #tpu.memory_space<vmem_shared>>) target(%dma_start3A_58 : memref<312x128xf32, #tpu.memory_space<hbm>>) target_semaphore(%run_scoped3A_55 : memref<!tpu.dma_semaphore, #tpu.memory_space<semaphore_mem>>)
        %dma_wait3A_61 = arith.constant 0 : i32
        %dma_wait3A_62 = tpu.memref_slice %arg6[%arg0, %mul3A_54, %dma_wait3A_61] : memref<2x5000x128xf32, #tpu.memory_space<hbm>> -> memref<1x312x128xf32, #tpu.memory_space<hbm>>
        %dma_wait3A_63 = tpu.memref_squeeze %dma_wait3A_62 : memref<1x312x128xf32, #tpu.memory_space<hbm>> -> memref<312x128xf32, #tpu.memory_space<hbm>>
        %dma_wait3A_64 = arith.constant 0 : i32
        %dma_wait3A_65 = tpu.memref_slice %arg12[%mul3A_52, %dma_wait3A_64] : memref<5048x128xf32, #tpu.memory_space<vmem_shared>> -> memref<312x128xf32, #tpu.memory_space<vmem_shared>>
        tpu.wait_dma2 semaphore(%run_scoped3A_55 : memref<!tpu.dma_semaphore, #tpu.memory_space<semaphore_mem>>) src(%dma_wait3A_65 : memref<312x128xf32, #tpu.memory_space<vmem_shared>>) dst(%dma_wait3A_63 : memref<312x128xf32, #tpu.memory_space<hbm>>)
        tpu.yield
      }) : () -> ()
    } else {
    }
    %eq3A_46 = arith.constant 15 : i32
    %eq3A_47 = arith.cmpi eq, %arg1, %eq3A_46 : i32
    %convert_element_type3A_48 = arith.extui %eq3A_47 : i1 to i32
    %cond3A_49 = arith.constant 0 : i32
    %cond3A_50 = arith.cmpi ne, %convert_element_type3A_48, %cond3A_49 : i32
    scf.if %cond3A_50 {
      "tpu.region"() ({
        %run_scoped3A_51 = tpu.sem_alloc : memref<!tpu.dma_semaphore, #tpu.memory_space<semaphore_mem>>
        %dma_start3A_52 = arith.constant 4680 : i32
        %dma_start3A_53 = arith.constant 0 : i32
        %dma_start3A_54 = tpu.memref_slice %arg6[%arg0, %dma_start3A_52, %dma_start3A_53] : memref<2x5000x128xf32, #tpu.memory_space<hbm>> -> memref<1x320x128xf32, #tpu.memory_space<hbm>>
        %dma_start3A_55 = tpu.memref_squeeze %dma_start3A_54 : memref<1x320x128xf32, #tpu.memory_space<hbm>> -> memref<320x128xf32, #tpu.memory_space<hbm>>
        %dma_start3A_56 = arith.constant 4680 : i32
        %dma_start3A_57 = arith.constant 0 : i32
        %dma_start3A_58 = tpu.memref_slice %arg12[%dma_start3A_56, %dma_start3A_57] : memref<5048x128xf32, #tpu.memory_space<vmem_shared>> -> memref<320x128xf32, #tpu.memory_space<vmem_shared>>
        tpu.enqueue_dma source(%dma_start3A_58 : memref<320x128xf32, #tpu.memory_space<vmem_shared>>) target(%dma_start3A_55 : memref<320x128xf32, #tpu.memory_space<hbm>>) target_semaphore(%run_scoped3A_51 : memref<!tpu.dma_semaphore, #tpu.memory_space<semaphore_mem>>)
        %dma_wait3A_59 = arith.constant 4680 : i32
        %dma_wait3A_60 = arith.constant 0 : i32
        %dma_wait3A_61 = tpu.memref_slice %arg6[%arg0, %dma_wait3A_59, %dma_wait3A_60] : memref<2x5000x128xf32, #tpu.memory_space<hbm>> -> memref<1x320x128xf32, #tpu.memory_space<hbm>>
        %dma_wait3A_62 = tpu.memref_squeeze %dma_wait3A_61 : memref<1x320x128xf32, #tpu.memory_space<hbm>> -> memref<320x128xf32, #tpu.memory_space<hbm>>
        %dma_wait3A_63 = arith.constant 4680 : i32
        %dma_wait3A_64 = arith.constant 0 : i32
        %dma_wait3A_65 = tpu.memref_slice %arg12[%dma_wait3A_63, %dma_wait3A_64] : memref<5048x128xf32, #tpu.memory_space<vmem_shared>> -> memref<320x128xf32, #tpu.memory_space<vmem_shared>>
        tpu.wait_dma2 semaphore(%run_scoped3A_51 : memref<!tpu.dma_semaphore, #tpu.memory_space<semaphore_mem>>) src(%dma_wait3A_65 : memref<320x128xf32, #tpu.memory_space<vmem_shared>>) dst(%dma_wait3A_62 : memref<320x128xf32, #tpu.memory_space<hbm>>)
        tpu.yield
      }) : () -> ()
    } else {
    }
    return
  }
}

module attributes {stable_mosaic.version = 14 : i64} {
  func.func @body(%arg0: i32, %arg1: memref<1000x128xf32, #tpu.memory_space<vmem>>, %arg2: memref<128x128xf32, #tpu.memory_space<vmem>>, %arg3: memref<1x128xf32, #tpu.memory_space<vmem>>, %arg4: memref<128x128xf32, #tpu.memory_space<vmem>>, %arg5: memref<1000x2xf32, #tpu.memory_space<vmem>>, %arg6: memref<1000x128xf32, #tpu.memory_space<vmem>>, %arg7: memref<1000x128xf32, #tpu.memory_space<vmem>>, %arg8: memref<1000x128xf32, #tpu.memory_space<vmem>>) attributes {dimension_semantics = [#tpu.dimension_semantics<arbitrary>], iteration_bounds = array<i64: 10>, scalar_prefetch = 0 : i64, scratch_operands = 0 : i64, tpu.core_type = #tpu.core_type<tc>, window_params = [{transform_indices = @transform_0, window_bounds = array<i64: 1000, 128>}, {pipeline_mode = #tpu.pipeline_mode<synchronous>, transform_indices = @transform_1, window_bounds = array<i64: 128, 128>}, {pipeline_mode = #tpu.pipeline_mode<synchronous>, transform_indices = @transform_2, window_bounds = array<i64: 1, 128>}, {pipeline_mode = #tpu.pipeline_mode<synchronous>, transform_indices = @transform_3, window_bounds = array<i64: 128, 128>}, {transform_indices = @transform_4, window_bounds = array<i64: 1000, 2>}, {transform_indices = @transform_5, window_bounds = array<i64: 1000, 128>}, {transform_indices = @transform_6, window_bounds = array<i64: 1000, 128>}, {transform_indices = @transform_7, window_bounds = array<i64: 1000, 128>}]} {
    %get3A = arith.constant 0 : index
    %get3A_0 = arith.constant 0 : index
    %get3A_1 = vector.load %arg1[%get3A, %get3A_0] : memref<1000x128xf32, #tpu.memory_space<vmem>>, vector<1000x128xf32>
    %get3A_2 = arith.constant 0 : index
    %get3A_3 = arith.constant 0 : index
    %get3A_4 = vector.load %arg2[%get3A_2, %get3A_3] : memref<128x128xf32, #tpu.memory_space<vmem>>, vector<128x128xf32>
    %dot_general3A = arith.constant dense<0.000000e+00> : vector<1000x128xf32>
    %dot_general3A_5 = tpu.matmul %get3A_1, %get3A_4, %dot_general3A {dimension_numbers = #tpu.dot_dimension_numbers<[1], [0], [0], [1], [0, 0, 1, 1], [], []>, transpose_lhs_hint = false} : vector<1000x128xf32>, vector<128x128xf32>, vector<1000x128xf32> -> vector<1000x128xf32>
    %get3A_6 = arith.constant 0 : index
    %get3A_7 = arith.constant 0 : index
    %get3A_8 = vector.load %arg3[%get3A_6, %get3A_7] : memref<1x128xf32, #tpu.memory_space<vmem>>, vector<1x128xf32>
    %add3A = vector.broadcast %get3A_8 : vector<1x128xf32> to vector<1000x128xf32>
    %add3A_9 = arith.addf %dot_general3A_5, %add3A : vector<1000x128xf32>
    %max3A = arith.constant 0.000000e+00 : f32
    %max3A_10 = vector.broadcast %max3A : f32 to vector<1000x128xf32>
    %max3A_11 = arith.maximumf %add3A_9, %max3A_10 : vector<1000x128xf32>
    %swap3A = arith.constant 0 : index
    %swap3A_12 = arith.constant 0 : index
    %swap3A_13 = vector.load %arg6[%swap3A, %swap3A_12] : memref<1000x128xf32, #tpu.memory_space<vmem>>, vector<1000x128xf32>
    tpu.vector_store %arg6[%swap3A, %swap3A_12], %max3A_11 {strides = array<i32>} : memref<1000x128xf32, #tpu.memory_space<vmem>>, vector<1000x128xf32>,
    %get3A_14 = arith.constant 0 : index
    %get3A_15 = arith.constant 0 : index
    %get3A_16 = vector.load %arg4[%get3A_14, %get3A_15] : memref<128x128xf32, #tpu.memory_space<vmem>>, vector<128x128xf32>
    %dot_general3A_17 = arith.constant dense<0.000000e+00> : vector<1000x128xf32>
    %dot_general3A_18 = tpu.matmul %max3A_11, %get3A_16, %dot_general3A_17 {dimension_numbers = #tpu.dot_dimension_numbers<[1], [0], [0], [1], [0, 0, 1, 1], [], []>, transpose_lhs_hint = false} : vector<1000x128xf32>, vector<128x128xf32>, vector<1000x128xf32> -> vector<1000x128xf32>
    %swap3A_19 = arith.constant 0 : index
    %swap3A_20 = arith.constant 0 : index
    %swap3A_21 = vector.load %arg7[%swap3A_19, %swap3A_20] : memref<1000x128xf32, #tpu.memory_space<vmem>>, vector<1000x128xf32>
    tpu.vector_store %arg7[%swap3A_19, %swap3A_20], %dot_general3A_18 {strides = array<i32>} : memref<1000x128xf32, #tpu.memory_space<vmem>>, vector<1000x128xf32>,
    %get3A_22 = arith.constant 0 : index
    %get3A_23 = arith.constant 0 : index
    %get3A_24 = vector.load %arg5[%get3A_22, %get3A_23] : memref<1000x2xf32, #tpu.memory_space<vmem>>, vector<1000x2xf32>
    %slice3A = vector.extract_strided_slice %get3A_24 {offsets = [0, 0], sizes = [1000, 1], strides = [1, 1]} : vector<1000x2xf32> to vector<1000x1xf32>
    %slice3A_25 = vector.extract_strided_slice %get3A_24 {offsets = [0, 1], sizes = [1000, 1], strides = [1, 1]} : vector<1000x2xf32> to vector<1000x1xf32>
    %add3A_26 = arith.addf %slice3A, %slice3A_25 : vector<1000x1xf32>
    %add3A_27 = arith.constant 1.000000e+00 : f32
    %add3A_28 = vector.broadcast %add3A_27 : f32 to vector<1000x1xf32>
    %add3A_29 = arith.addf %add3A_26, %add3A_28 : vector<1000x1xf32>
    %rsqrt3A = math.rsqrt %add3A_29 : vector<1000x1xf32>
    %mul3A = vector.broadcast %rsqrt3A : vector<1000x1xf32> to vector<1000x128xf32>
    %mul3A_30 = arith.mulf %dot_general3A_18, %mul3A : vector<1000x128xf32>
    %swap3A_31 = arith.constant 0 : index
    %swap3A_32 = arith.constant 0 : index
    %swap3A_33 = vector.load %arg8[%swap3A_31, %swap3A_32] : memref<1000x128xf32, #tpu.memory_space<vmem>>, vector<1000x128xf32>
    tpu.vector_store %arg8[%swap3A_31, %swap3A_32], %mul3A_30 {strides = array<i32>} : memref<1000x128xf32, #tpu.memory_space<vmem>>, vector<1000x128xf32>,
    return
  }
  func.func @transform_0(%arg0: i32) -> (i32, i32) {
    %c0_i32 = arith.constant 0 : i32
    %c0_i32_0 = arith.constant 0 : i32
    return %arg0, %c0_i32 : i32, i32
  }
  func.func @transform_1(%arg0: i32) -> (i32, i32) {
    %c0_i32 = arith.constant 0 : i32
    %c0_i32_0 = arith.constant 0 : i32
    %c0_i32_1 = arith.constant 0 : i32
    return %c0_i32, %c0_i32_0 : i32, i32
  }
  func.func @transform_2(%arg0: i32) -> (i32, i32) {
    %c0_i32 = arith.constant 0 : i32
    %c0_i32_0 = arith.constant 0 : i32
    %c0_i32_1 = arith.constant 0 : i32
    return %c0_i32, %c0_i32_0 : i32, i32
  }
  func.func @transform_3(%arg0: i32) -> (i32, i32) {
    %c0_i32 = arith.constant 0 : i32
    %c0_i32_0 = arith.constant 0 : i32
    %c0_i32_1 = arith.constant 0 : i32
    return %c0_i32, %c0_i32_0 : i32, i32
  }
  func.func @transform_4(%arg0: i32) -> (i32, i32) {
    %c0_i32 = arith.constant 0 : i32
    %c0_i32_0 = arith.constant 0 : i32
    return %arg0, %c0_i32 : i32, i32
  }
  func.func @transform_5(%arg0: i32) -> (i32, i32) {
    %c0_i32 = arith.constant 0 : i32
    %c0_i32_0 = arith.constant 0 : i32
    return %arg0, %c0_i32 : i32, i32
  }
  func.func @transform_6(%arg0: i32) -> (i32, i32) {
    %c0_i32 = arith.constant 0 : i32
    %c0_i32_0 = arith.constant 0 : i32
    return %arg0, %c0_i32 : i32, i32
  }
  func.func @transform_7(%arg0: i32) -> (i32, i32) {
    %c0_i32 = arith.constant 0 : i32
    %c0_i32_0 = arith.constant 0 : i32
    return %arg0, %c0_i32 : i32, i32
  }
}

module attributes {stable_mosaic.version = 14 : i64} {
  func.func @body(%arg0: i32, %arg1: memref<1x1000x128xf32, #tpu.memory_space<vmem>>, %arg2: memref<1000x128xf32, #tpu.memory_space<vmem>>, %arg3: memref<1000x128xf32, #tpu.memory_space<vmem>>, %arg4: memref<1000x2xf32, #tpu.memory_space<vmem>>, %arg5: memref<1x128xf32, #tpu.memory_space<vmem>>, %arg6: memref<1x128xf32, #tpu.memory_space<vmem>>, %arg7: memref<1x128xf32, #tpu.memory_space<vmem>>, %arg8: memref<128x128xf32, #tpu.memory_space<vmem>>, %arg9: memref<1000x128xf32, #tpu.memory_space<vmem>>, %arg10: memref<1000x128xf32, #tpu.memory_space<vmem>>, %arg11: memref<1000x128xf32, #tpu.memory_space<vmem>>) attributes {dimension_semantics = [#tpu.dimension_semantics<arbitrary>], iteration_bounds = array<i64: 10>, scalar_prefetch = 0 : i64, scratch_operands = 0 : i64, tpu.core_type = #tpu.core_type<tc>, window_params = [{transform_indices = @transform_0, window_bounds = array<i64: 1, 1000, 128>}, {transform_indices = @transform_1, window_bounds = array<i64: 1000, 128>}, {transform_indices = @transform_2, window_bounds = array<i64: 1000, 128>}, {transform_indices = @transform_3, window_bounds = array<i64: 1000, 2>}, {pipeline_mode = #tpu.pipeline_mode<synchronous>, transform_indices = @transform_4, window_bounds = array<i64: 1, 128>}, {pipeline_mode = #tpu.pipeline_mode<synchronous>, transform_indices = @transform_5, window_bounds = array<i64: 1, 128>}, {pipeline_mode = #tpu.pipeline_mode<synchronous>, transform_indices = @transform_6, window_bounds = array<i64: 1, 128>}, {pipeline_mode = #tpu.pipeline_mode<synchronous>, transform_indices = @transform_7, window_bounds = array<i64: 128, 128>}, {transform_indices = @transform_8, window_bounds = array<i64: 1000, 128>}, {transform_indices = @transform_9, window_bounds = array<i64: 1000, 128>}, {transform_indices = @transform_10, window_bounds = array<i64: 1000, 128>}]} {
    %get3A = arith.constant 0 : index
    %get3A_0 = arith.constant 0 : index
    %get3A_1 = vector.load %arg4[%get3A, %get3A_0] : memref<1000x2xf32, #tpu.memory_space<vmem>>, vector<1000x2xf32>
    %slice3A = vector.extract_strided_slice %get3A_1 {offsets = [0, 0], sizes = [1000, 1], strides = [1, 1]} : vector<1000x2xf32> to vector<1000x1xf32>
    %slice3A_2 = vector.extract_strided_slice %get3A_1 {offsets = [0, 1], sizes = [1000, 1], strides = [1, 1]} : vector<1000x2xf32> to vector<1000x1xf32>
    %add3A = arith.addf %slice3A, %slice3A_2 : vector<1000x1xf32>
    %add3A_3 = arith.constant 1.000000e+00 : f32
    %add3A_4 = vector.broadcast %add3A_3 : f32 to vector<1000x1xf32>
    %add3A_5 = arith.addf %add3A, %add3A_4 : vector<1000x1xf32>
    %rsqrt3A = math.rsqrt %add3A_5 : vector<1000x1xf32>
    %get3A_6 = arith.constant 0 : index
    %get3A_7 = arith.constant 0 : index
    %get3A_8 = arith.constant 0 : index
    %get3A_9 = vector.load %arg1[%get3A_6, %get3A_7, %get3A_8] : memref<1x1000x128xf32, #tpu.memory_space<vmem>>, vector<1x1000x128xf32>
    %get3A_10 = vector.shape_cast %get3A_9 : vector<1x1000x128xf32> to vector<1000x128xf32>
    %mul3A = vector.broadcast %rsqrt3A : vector<1000x1xf32> to vector<1000x128xf32>
    %mul3A_11 = arith.mulf %get3A_10, %mul3A : vector<1000x128xf32>
    %get3A_12 = arith.constant 0 : index
    %get3A_13 = arith.constant 0 : index
    %get3A_14 = vector.load %arg2[%get3A_12, %get3A_13] : memref<1000x128xf32, #tpu.memory_space<vmem>>, vector<1000x128xf32>
    %mul3A_15 = arith.mulf %rsqrt3A, %rsqrt3A : vector<1000x1xf32>
    %mul3A_16 = vector.broadcast %mul3A_15 : vector<1000x1xf32> to vector<1000x128xf32>
    %mul3A_17 = arith.mulf %get3A_14, %mul3A_16 : vector<1000x128xf32>
    %add3A_18 = arith.addf %mul3A_11, %mul3A_17 : vector<1000x128xf32>
    %get3A_19 = arith.constant 0 : index
    %get3A_20 = arith.constant 0 : index
    %get3A_21 = vector.load %arg5[%get3A_19, %get3A_20] : memref<1x128xf32, #tpu.memory_space<vmem>>, vector<1x128xf32>
    %add3A_22 = vector.broadcast %get3A_21 : vector<1x128xf32> to vector<1000x128xf32>
    %add3A_23 = arith.addf %add3A_18, %add3A_22 : vector<1000x128xf32>
    %reduce_sum3A = arith.constant dense<0.000000e+00> : vector<1000xf32>
    %reduce_sum3A_24 = vector.multi_reduction <add>, %add3A_23, %reduce_sum3A [1] : vector<1000x128xf32> to vector<1000xf32>
    %broadcast_in_dim3A = vector.shape_cast %reduce_sum3A_24 : vector<1000xf32> to vector<1000x1xf32>
    %div3A = arith.constant 1.280000e+02 : f32
    %div3A_25 = vector.broadcast %div3A : f32 to vector<1000x1xf32>
    %div3A_26 = arith.divf %broadcast_in_dim3A, %div3A_25 : vector<1000x1xf32>
    %sub3A = vector.broadcast %div3A_26 : vector<1000x1xf32> to vector<1000x128xf32>
    %sub3A_27 = arith.subf %add3A_23, %sub3A : vector<1000x128xf32>
    %mul3A_28 = arith.mulf %sub3A_27, %sub3A_27 : vector<1000x128xf32>
    %reduce_sum3A_29 = arith.constant dense<0.000000e+00> : vector<1000xf32>
    %reduce_sum3A_30 = vector.multi_reduction <add>, %mul3A_28, %reduce_sum3A_29 [1] : vector<1000x128xf32> to vector<1000xf32>
    %broadcast_in_dim3A_31 = vector.shape_cast %reduce_sum3A_30 : vector<1000xf32> to vector<1000x1xf32>
    %div3A_32 = arith.constant 1.280000e+02 : f32
    %div3A_33 = vector.broadcast %div3A_32 : f32 to vector<1000x1xf32>
    %div3A_34 = arith.divf %broadcast_in_dim3A_31, %div3A_33 : vector<1000x1xf32>
    %add3A_35 = arith.constant 9.99999974E-6 : f32
    %add3A_36 = vector.broadcast %add3A_35 : f32 to vector<1000x1xf32>
    %add3A_37 = arith.addf %div3A_34, %add3A_36 : vector<1000x1xf32>
    %rsqrt3A_38 = math.rsqrt %add3A_37 : vector<1000x1xf32>
    %mul3A_39 = vector.broadcast %rsqrt3A_38 : vector<1000x1xf32> to vector<1000x128xf32>
    %mul3A_40 = arith.mulf %sub3A_27, %mul3A_39 : vector<1000x128xf32>
    %get3A_41 = arith.constant 0 : index
    %get3A_42 = arith.constant 0 : index
    %get3A_43 = vector.load %arg6[%get3A_41, %get3A_42] : memref<1x128xf32, #tpu.memory_space<vmem>>, vector<1x128xf32>
    %mul3A_44 = vector.broadcast %get3A_43 : vector<1x128xf32> to vector<1000x128xf32>
    %mul3A_45 = arith.mulf %mul3A_40, %mul3A_44 : vector<1000x128xf32>
    %get3A_46 = arith.constant 0 : index
    %get3A_47 = arith.constant 0 : index
    %get3A_48 = vector.load %arg7[%get3A_46, %get3A_47] : memref<1x128xf32, #tpu.memory_space<vmem>>, vector<1x128xf32>
    %add3A_49 = vector.broadcast %get3A_48 : vector<1x128xf32> to vector<1000x128xf32>
    %add3A_50 = arith.addf %mul3A_45, %add3A_49 : vector<1000x128xf32>
    %max3A = arith.constant 0.000000e+00 : f32
    %max3A_51 = vector.broadcast %max3A : f32 to vector<1000x128xf32>
    %max3A_52 = arith.maximumf %add3A_50, %max3A_51 : vector<1000x128xf32>
    %get3A_53 = arith.constant 0 : index
    %get3A_54 = arith.constant 0 : index
    %get3A_55 = vector.load %arg3[%get3A_53, %get3A_54] : memref<1000x128xf32, #tpu.memory_space<vmem>>, vector<1000x128xf32>
    %add3A_56 = arith.addf %max3A_52, %get3A_55 : vector<1000x128xf32>
    %swap3A = arith.constant 0 : index
    %swap3A_57 = arith.constant 0 : index
    %swap3A_58 = vector.load %arg9[%swap3A, %swap3A_57] : memref<1000x128xf32, #tpu.memory_space<vmem>>, vector<1000x128xf32>
    tpu.vector_store %arg9[%swap3A, %swap3A_57], %add3A_56 {strides = array<i32>} : memref<1000x128xf32, #tpu.memory_space<vmem>>, vector<1000x128xf32>,
    %get3A_59 = arith.constant 0 : index
    %get3A_60 = arith.constant 0 : index
    %get3A_61 = vector.load %arg8[%get3A_59, %get3A_60] : memref<128x128xf32, #tpu.memory_space<vmem>>, vector<128x128xf32>
    %dot_general3A = arith.constant dense<0.000000e+00> : vector<1000x128xf32>
    %dot_general3A_62 = tpu.matmul %add3A_56, %get3A_61, %dot_general3A {dimension_numbers = #tpu.dot_dimension_numbers<[1], [0], [0], [1], [0, 0, 1, 1], [], []>, transpose_lhs_hint = false} : vector<1000x128xf32>, vector<128x128xf32>, vector<1000x128xf32> -> vector<1000x128xf32>
    %swap3A_63 = arith.constant 0 : index
    %swap3A_64 = arith.constant 0 : index
    %swap3A_65 = vector.load %arg10[%swap3A_63, %swap3A_64] : memref<1000x128xf32, #tpu.memory_space<vmem>>, vector<1000x128xf32>
    tpu.vector_store %arg10[%swap3A_63, %swap3A_64], %dot_general3A_62 {strides = array<i32>} : memref<1000x128xf32, #tpu.memory_space<vmem>>, vector<1000x128xf32>,
    %mul3A_66 = vector.broadcast %rsqrt3A : vector<1000x1xf32> to vector<1000x128xf32>
    %mul3A_67 = arith.mulf %dot_general3A_62, %mul3A_66 : vector<1000x128xf32>
    %swap3A_68 = arith.constant 0 : index
    %swap3A_69 = arith.constant 0 : index
    %swap3A_70 = vector.load %arg11[%swap3A_68, %swap3A_69] : memref<1000x128xf32, #tpu.memory_space<vmem>>, vector<1000x128xf32>
    tpu.vector_store %arg11[%swap3A_68, %swap3A_69], %mul3A_67 {strides = array<i32>} : memref<1000x128xf32, #tpu.memory_space<vmem>>, vector<1000x128xf32>,
    return
  }
  func.func @transform_0(%arg0: i32) -> (i32, i32, i32) {
    %jit3A = arith.constant 5 : i32
    %div3A = arith.divsi %arg0, %jit3A : i32
    %sign3A = arith.constant 0 : i32
    %sign3A_0 = arith.cmpi sgt, %arg0, %sign3A : i32
    %sign3A_1 = arith.extui %sign3A_0 : i1 to i32
    %sign3A_2 = arith.constant 0 : i32
    %sign3A_3 = arith.cmpi slt, %arg0, %sign3A_2 : i32
    %sign3A_4 = arith.extui %sign3A_3 : i1 to i32
    %sign3A_5 = arith.subi %sign3A_1, %sign3A_4 : i32
    %sign3A_6 = arith.constant 0 : i32
    %sign3A_7 = arith.cmpi sgt, %jit3A, %sign3A_6 : i32
    %sign3A_8 = arith.extui %sign3A_7 : i1 to i32
    %sign3A_9 = arith.constant 0 : i32
    %sign3A_10 = arith.cmpi slt, %jit3A, %sign3A_9 : i32
    %sign3A_11 = arith.extui %sign3A_10 : i1 to i32
    %sign3A_12 = arith.subi %sign3A_8, %sign3A_11 : i32
    %ne3A = arith.cmpi ne, %sign3A_5, %sign3A_12 : i32
    %rem3A = arith.remsi %arg0, %jit3A : i32
    %ne3A_13 = arith.constant 0 : i32
    %ne3A_14 = arith.cmpi ne, %rem3A, %ne3A_13 : i32
    %and3A = arith.andi %ne3A, %ne3A_14 : i1
    %sub3A = arith.constant 1 : i32
    %sub3A_15 = arith.subi %div3A, %sub3A : i32
    %select_n3A = arith.select %and3A, %sub3A_15, %div3A : i32
    %jit3A_16 = arith.constant 5 : i32
    %eq3A = arith.constant 0 : i32
    %eq3A_17 = arith.cmpi eq, %jit3A_16, %eq3A : i32
    %jit3A_18 = arith.constant 1 : i32
    %select_n3A_19 = arith.select %eq3A_17, %jit3A_18, %jit3A_16 : i32
    %rem3A_20 = arith.remsi %arg0, %select_n3A_19 : i32
    %ne3A_21 = arith.constant 0 : i32
    %ne3A_22 = arith.cmpi ne, %rem3A_20, %ne3A_21 : i32
    %lt3A = arith.constant 0 : i32
    %lt3A_23 = arith.cmpi slt, %rem3A_20, %lt3A : i32
    %lt3A_24 = arith.constant 0 : i32
    %lt3A_25 = arith.cmpi slt, %select_n3A_19, %lt3A_24 : i32
    %ne3A_26 = arith.xori %lt3A_23, %lt3A_25 : i1
    %and3A_27 = arith.andi %ne3A_26, %ne3A_22 : i1
    %add3A = arith.addi %rem3A_20, %select_n3A_19 : i32
    %select_n3A_28 = arith.select %and3A_27, %add3A, %rem3A_20 : i32
    %c0_i32 = arith.constant 0 : i32
    %c0_i32_29 = arith.constant 0 : i32
    return %select_n3A, %select_n3A_28, %c0_i32 : i32, i32, i32
  }
  func.func @transform_1(%arg0: i32) -> (i32, i32) {
    %c0_i32 = arith.constant 0 : i32
    %c0_i32_0 = arith.constant 0 : i32
    return %arg0, %c0_i32 : i32, i32
  }
  func.func @transform_2(%arg0: i32) -> (i32, i32) {
    %c0_i32 = arith.constant 0 : i32
    %c0_i32_0 = arith.constant 0 : i32
    return %arg0, %c0_i32 : i32, i32
  }
  func.func @transform_3(%arg0: i32) -> (i32, i32) {
    %c0_i32 = arith.constant 0 : i32
    %c0_i32_0 = arith.constant 0 : i32
    return %arg0, %c0_i32 : i32, i32
  }
  func.func @transform_4(%arg0: i32) -> (i32, i32) {
    %c0_i32 = arith.constant 0 : i32
    %c0_i32_0 = arith.constant 0 : i32
    %c0_i32_1 = arith.constant 0 : i32
    return %c0_i32, %c0_i32_0 : i32, i32
  }
  func.func @transform_5(%arg0: i32) -> (i32, i32) {
    %c0_i32 = arith.constant 0 : i32
    %c0_i32_0 = arith.constant 0 : i32
    %c0_i32_1 = arith.constant 0 : i32
    return %c0_i32, %c0_i32_0 : i32, i32
  }
  func.func @transform_6(%arg0: i32) -> (i32, i32) {
    %c0_i32 = arith.constant 0 : i32
    %c0_i32_0 = arith.constant 0 : i32
    %c0_i32_1 = arith.constant 0 : i32
    return %c0_i32, %c0_i32_0 : i32, i32
  }
  func.func @transform_7(%arg0: i32) -> (i32, i32) {
    %c0_i32 = arith.constant 0 : i32
    %c0_i32_0 = arith.constant 0 : i32
    %c0_i32_1 = arith.constant 0 : i32
    return %c0_i32, %c0_i32_0 : i32, i32
  }
  func.func @transform_8(%arg0: i32) -> (i32, i32) {
    %c0_i32 = arith.constant 0 : i32
    %c0_i32_0 = arith.constant 0 : i32
    return %arg0, %c0_i32 : i32, i32
  }
  func.func @transform_9(%arg0: i32) -> (i32, i32) {
    %c0_i32 = arith.constant 0 : i32
    %c0_i32_0 = arith.constant 0 : i32
    return %arg0, %c0_i32 : i32, i32
  }
  func.func @transform_10(%arg0: i32) -> (i32, i32) {
    %c0_i32 = arith.constant 0 : i32
    %c0_i32_0 = arith.constant 0 : i32
    return %arg0, %c0_i32 : i32, i32
  }
}

module attributes {stable_mosaic.version = 14 : i64} {
  func.func @body(%arg0: memref<1x64xf32, #tpu.memory_space<vmem>>, %arg1: memref<64x128xf32, #tpu.memory_space<vmem>>, %arg2: memref<1x128xf32, #tpu.memory_space<vmem>>, %arg3: memref<128x1280xf32, #tpu.memory_space<vmem>>, %arg4: memref<1x1280xf32, #tpu.memory_space<vmem>>, %arg5: memref<128x640xf32, #tpu.memory_space<vmem>>, %arg6: memref<1x640xf32, #tpu.memory_space<vmem>>, %arg7: memref<640x100xf32, #tpu.memory_space<vmem>>, %arg8: memref<1x100xf32, #tpu.memory_space<vmem>>, %arg9: memref<1x128xf32, #tpu.memory_space<vmem>>, %arg10: memref<1x100xf32, #tpu.memory_space<vmem>>, %arg11: memref<1x1280xf32, #tpu.memory_space<vmem>>) attributes {dimension_semantics = [], scalar_prefetch = 0 : i64, scratch_operands = 0 : i64, tpu.core_type = #tpu.core_type<tc>} {
    %get3A = arith.constant 0 : index
    %get3A_0 = arith.constant 0 : index
    %get3A_1 = vector.load %arg0[%get3A, %get3A_0] : memref<1x64xf32, #tpu.memory_space<vmem>>, vector<1x64xf32>
    %get3A_2 = arith.constant 0 : index
    %get3A_3 = arith.constant 0 : index
    %get3A_4 = vector.load %arg1[%get3A_2, %get3A_3] : memref<64x128xf32, #tpu.memory_space<vmem>>, vector<64x128xf32>
    %dot_general3A = arith.constant dense<0.000000e+00> : vector<1x128xf32>
    %dot_general3A_5 = tpu.matmul %get3A_1, %get3A_4, %dot_general3A {dimension_numbers = #tpu.dot_dimension_numbers<[1], [0], [0], [1], [0, 0, 1, 1], [], []>, transpose_lhs_hint = false} : vector<1x64xf32>, vector<64x128xf32>, vector<1x128xf32> -> vector<1x128xf32>
    %get3A_6 = arith.constant 0 : index
    %get3A_7 = arith.constant 0 : index
    %get3A_8 = vector.load %arg2[%get3A_6, %get3A_7] : memref<1x128xf32, #tpu.memory_space<vmem>>, vector<1x128xf32>
    %add3A = arith.addf %dot_general3A_5, %get3A_8 : vector<1x128xf32>
    %max3A = arith.constant 0.000000e+00 : f32
    %max3A_9 = vector.broadcast %max3A : f32 to vector<1x128xf32>
    %max3A_10 = arith.maximumf %add3A, %max3A_9 : vector<1x128xf32>
    %swap3A = arith.constant 0 : index
    %swap3A_11 = arith.constant 0 : index
    %swap3A_12 = vector.load %arg9[%swap3A, %swap3A_11] : memref<1x128xf32, #tpu.memory_space<vmem>>, vector<1x128xf32>
    tpu.vector_store %arg9[%swap3A, %swap3A_11], %max3A_10 {strides = array<i32>} : memref<1x128xf32, #tpu.memory_space<vmem>>, vector<1x128xf32>,
    %get3A_13 = arith.constant 0 : index
    %get3A_14 = arith.constant 0 : index
    %get3A_15 = vector.load %arg5[%get3A_13, %get3A_14] : memref<128x640xf32, #tpu.memory_space<vmem>>, vector<128x640xf32>
    %dot_general3A_16 = arith.constant dense<0.000000e+00> : vector<1x640xf32>
    %dot_general3A_17 = tpu.matmul %max3A_10, %get3A_15, %dot_general3A_16 {dimension_numbers = #tpu.dot_dimension_numbers<[1], [0], [0], [1], [0, 0, 1, 1], [], []>, transpose_lhs_hint = false} : vector<1x128xf32>, vector<128x640xf32>, vector<1x640xf32> -> vector<1x640xf32>
    %get3A_18 = arith.constant 0 : index
    %get3A_19 = arith.constant 0 : index
    %get3A_20 = vector.load %arg6[%get3A_18, %get3A_19] : memref<1x640xf32, #tpu.memory_space<vmem>>, vector<1x640xf32>
    %add3A_21 = arith.addf %dot_general3A_17, %get3A_20 : vector<1x640xf32>
    %max3A_22 = arith.constant 0.000000e+00 : f32
    %max3A_23 = vector.broadcast %max3A_22 : f32 to vector<1x640xf32>
    %max3A_24 = arith.maximumf %add3A_21, %max3A_23 : vector<1x640xf32>
    %get3A_25 = arith.constant 0 : index
    %get3A_26 = arith.constant 0 : index
    %get3A_27 = vector.load %arg7[%get3A_25, %get3A_26] : memref<640x100xf32, #tpu.memory_space<vmem>>, vector<640x100xf32>
    %dot_general3A_28 = arith.constant dense<0.000000e+00> : vector<1x100xf32>
    %dot_general3A_29 = tpu.matmul %max3A_24, %get3A_27, %dot_general3A_28 {dimension_numbers = #tpu.dot_dimension_numbers<[1], [0], [0], [1], [0, 0, 1, 1], [], []>, transpose_lhs_hint = false} : vector<1x640xf32>, vector<640x100xf32>, vector<1x100xf32> -> vector<1x100xf32>
    %get3A_30 = arith.constant 0 : index
    %get3A_31 = arith.constant 0 : index
    %get3A_32 = vector.load %arg8[%get3A_30, %get3A_31] : memref<1x100xf32, #tpu.memory_space<vmem>>, vector<1x100xf32>
    %add3A_33 = arith.addf %dot_general3A_29, %get3A_32 : vector<1x100xf32>
    %swap3A_34 = arith.constant 0 : index
    %swap3A_35 = arith.constant 0 : index
    %swap3A_36 = vector.load %arg10[%swap3A_34, %swap3A_35] : memref<1x100xf32, #tpu.memory_space<vmem>>, vector<1x100xf32>
    tpu.vector_store %arg10[%swap3A_34, %swap3A_35], %add3A_33 {strides = array<i32>} : memref<1x100xf32, #tpu.memory_space<vmem>>, vector<1x100xf32>,
    %get3A_37 = arith.constant 0 : index
    %get3A_38 = arith.constant 0 : index
    %get3A_39 = vector.load %arg3[%get3A_37, %get3A_38] : memref<128x1280xf32, #tpu.memory_space<vmem>>, vector<128x1280xf32>
    %dot_general3A_40 = arith.constant dense<0.000000e+00> : vector<1x1280xf32>
    %dot_general3A_41 = tpu.matmul %max3A_10, %get3A_39, %dot_general3A_40 {dimension_numbers = #tpu.dot_dimension_numbers<[1], [0], [0], [1], [0, 0, 1, 1], [], []>, transpose_lhs_hint = false} : vector<1x128xf32>, vector<128x1280xf32>, vector<1x1280xf32> -> vector<1x1280xf32>
    %get3A_42 = arith.constant 0 : index
    %get3A_43 = arith.constant 0 : index
    %get3A_44 = vector.load %arg4[%get3A_42, %get3A_43] : memref<1x1280xf32, #tpu.memory_space<vmem>>, vector<1x1280xf32>
    %add3A_45 = arith.addf %dot_general3A_41, %get3A_44 : vector<1x1280xf32>
    %swap3A_46 = arith.constant 0 : index
    %swap3A_47 = arith.constant 0 : index
    %swap3A_48 = vector.load %arg11[%swap3A_46, %swap3A_47] : memref<1x1280xf32, #tpu.memory_space<vmem>>, vector<1x1280xf32>
    tpu.vector_store %arg11[%swap3A_46, %swap3A_47], %add3A_45 {strides = array<i32>} : memref<1x1280xf32, #tpu.memory_space<vmem>>, vector<1x1280xf32>,
    return
  }
}

module attributes {stable_mosaic.version = 14 : i64} {
  func.func @body(%arg0: i32, %arg1: memref<1x1000x128xf32, #tpu.memory_space<vmem>>, %arg2: memref<1000x128xf32, #tpu.memory_space<vmem>>, %arg3: memref<1000x128xf32, #tpu.memory_space<vmem>>, %arg4: memref<1000x2xf32, #tpu.memory_space<vmem>>, %arg5: memref<1x128xf32, #tpu.memory_space<vmem>>, %arg6: memref<1x128xf32, #tpu.memory_space<vmem>>, %arg7: memref<1x128xf32, #tpu.memory_space<vmem>>, %arg8: memref<128x1280xf32, #tpu.memory_space<vmem>>, %arg9: memref<1x1280xf32, #tpu.memory_space<vmem>>, %arg10: memref<1x1280xf32, #tpu.memory_space<vmem>>, %arg11: memref<1x10xf32, #tpu.memory_space<vmem>>, %arg12: memref<1000x10xf32, #tpu.memory_space<vmem>>, %arg13: memref<1x128xf32, #tpu.memory_space<vmem>>) attributes {dimension_semantics = [#tpu.dimension_semantics<arbitrary>], iteration_bounds = array<i64: 10>, scalar_prefetch = 0 : i64, scratch_operands = 0 : i64, tpu.core_type = #tpu.core_type<tc>, window_params = [{transform_indices = @transform_0, window_bounds = array<i64: 1, 1000, 128>}, {transform_indices = @transform_1, window_bounds = array<i64: 1000, 128>}, {transform_indices = @transform_2, window_bounds = array<i64: 1000, 128>}, {transform_indices = @transform_3, window_bounds = array<i64: 1000, 2>}, {pipeline_mode = #tpu.pipeline_mode<synchronous>, transform_indices = @transform_4, window_bounds = array<i64: 1, 128>}, {pipeline_mode = #tpu.pipeline_mode<synchronous>, transform_indices = @transform_5, window_bounds = array<i64: 1, 128>}, {pipeline_mode = #tpu.pipeline_mode<synchronous>, transform_indices = @transform_6, window_bounds = array<i64: 1, 128>}, {pipeline_mode = #tpu.pipeline_mode<synchronous>, transform_indices = @transform_7, window_bounds = array<i64: 128, 1280>}, {pipeline_mode = #tpu.pipeline_mode<synchronous>, transform_indices = @transform_8, window_bounds = array<i64: 1, 1280>}, {pipeline_mode = #tpu.pipeline_mode<synchronous>, transform_indices = @transform_9, window_bounds = array<i64: 1, 1280>}, {pipeline_mode = #tpu.pipeline_mode<synchronous>, transform_indices = @transform_10, window_bounds = array<i64: 1, 10>}, {transform_indices = @transform_11, window_bounds = array<i64: 1000, 10>}, {pipeline_mode = #tpu.pipeline_mode<synchronous>, transform_indices = @transform_12, window_bounds = array<i64: 1, 128>}]} {
    %get3A = arith.constant 0 : index
    %get3A_0 = arith.constant 0 : index
    %get3A_1 = vector.load %arg4[%get3A, %get3A_0] : memref<1000x2xf32, #tpu.memory_space<vmem>>, vector<1000x2xf32>
    %slice3A = vector.extract_strided_slice %get3A_1 {offsets = [0, 0], sizes = [1000, 1], strides = [1, 1]} : vector<1000x2xf32> to vector<1000x1xf32>
    %slice3A_2 = vector.extract_strided_slice %get3A_1 {offsets = [0, 1], sizes = [1000, 1], strides = [1, 1]} : vector<1000x2xf32> to vector<1000x1xf32>
    %add3A = arith.addf %slice3A, %slice3A_2 : vector<1000x1xf32>
    %add3A_3 = arith.constant 1.000000e+00 : f32
    %add3A_4 = vector.broadcast %add3A_3 : f32 to vector<1000x1xf32>
    %add3A_5 = arith.addf %add3A, %add3A_4 : vector<1000x1xf32>
    %rsqrt3A = math.rsqrt %add3A_5 : vector<1000x1xf32>
    %get3A_6 = arith.constant 0 : index
    %get3A_7 = arith.constant 0 : index
    %get3A_8 = arith.constant 0 : index
    %get3A_9 = vector.load %arg1[%get3A_6, %get3A_7, %get3A_8] : memref<1x1000x128xf32, #tpu.memory_space<vmem>>, vector<1x1000x128xf32>
    %get3A_10 = vector.shape_cast %get3A_9 : vector<1x1000x128xf32> to vector<1000x128xf32>
    %mul3A = vector.broadcast %rsqrt3A : vector<1000x1xf32> to vector<1000x128xf32>
    %mul3A_11 = arith.mulf %get3A_10, %mul3A : vector<1000x128xf32>
    %get3A_12 = arith.constant 0 : index
    %get3A_13 = arith.constant 0 : index
    %get3A_14 = vector.load %arg2[%get3A_12, %get3A_13] : memref<1000x128xf32, #tpu.memory_space<vmem>>, vector<1000x128xf32>
    %mul3A_15 = arith.mulf %rsqrt3A, %rsqrt3A : vector<1000x1xf32>
    %mul3A_16 = vector.broadcast %mul3A_15 : vector<1000x1xf32> to vector<1000x128xf32>
    %mul3A_17 = arith.mulf %get3A_14, %mul3A_16 : vector<1000x128xf32>
    %add3A_18 = arith.addf %mul3A_11, %mul3A_17 : vector<1000x128xf32>
    %get3A_19 = arith.constant 0 : index
    %get3A_20 = arith.constant 0 : index
    %get3A_21 = vector.load %arg5[%get3A_19, %get3A_20] : memref<1x128xf32, #tpu.memory_space<vmem>>, vector<1x128xf32>
    %add3A_22 = vector.broadcast %get3A_21 : vector<1x128xf32> to vector<1000x128xf32>
    %add3A_23 = arith.addf %add3A_18, %add3A_22 : vector<1000x128xf32>
    %reduce_sum3A = arith.constant dense<0.000000e+00> : vector<1000xf32>
    %reduce_sum3A_24 = vector.multi_reduction <add>, %add3A_23, %reduce_sum3A [1] : vector<1000x128xf32> to vector<1000xf32>
    %broadcast_in_dim3A = vector.shape_cast %reduce_sum3A_24 : vector<1000xf32> to vector<1000x1xf32>
    %div3A = arith.constant 1.280000e+02 : f32
    %div3A_25 = vector.broadcast %div3A : f32 to vector<1000x1xf32>
    %div3A_26 = arith.divf %broadcast_in_dim3A, %div3A_25 : vector<1000x1xf32>
    %sub3A = vector.broadcast %div3A_26 : vector<1000x1xf32> to vector<1000x128xf32>
    %sub3A_27 = arith.subf %add3A_23, %sub3A : vector<1000x128xf32>
    %mul3A_28 = arith.mulf %sub3A_27, %sub3A_27 : vector<1000x128xf32>
    %reduce_sum3A_29 = arith.constant dense<0.000000e+00> : vector<1000xf32>
    %reduce_sum3A_30 = vector.multi_reduction <add>, %mul3A_28, %reduce_sum3A_29 [1] : vector<1000x128xf32> to vector<1000xf32>
    %broadcast_in_dim3A_31 = vector.shape_cast %reduce_sum3A_30 : vector<1000xf32> to vector<1000x1xf32>
    %div3A_32 = arith.constant 1.280000e+02 : f32
    %div3A_33 = vector.broadcast %div3A_32 : f32 to vector<1000x1xf32>
    %div3A_34 = arith.divf %broadcast_in_dim3A_31, %div3A_33 : vector<1000x1xf32>
    %add3A_35 = arith.constant 9.99999974E-6 : f32
    %add3A_36 = vector.broadcast %add3A_35 : f32 to vector<1000x1xf32>
    %add3A_37 = arith.addf %div3A_34, %add3A_36 : vector<1000x1xf32>
    %rsqrt3A_38 = math.rsqrt %add3A_37 : vector<1000x1xf32>
    %mul3A_39 = vector.broadcast %rsqrt3A_38 : vector<1000x1xf32> to vector<1000x128xf32>
    %mul3A_40 = arith.mulf %sub3A_27, %mul3A_39 : vector<1000x128xf32>
    %get3A_41 = arith.constant 0 : index
    %get3A_42 = arith.constant 0 : index
    %get3A_43 = vector.load %arg6[%get3A_41, %get3A_42] : memref<1x128xf32, #tpu.memory_space<vmem>>, vector<1x128xf32>
    %mul3A_44 = vector.broadcast %get3A_43 : vector<1x128xf32> to vector<1000x128xf32>
    %mul3A_45 = arith.mulf %mul3A_40, %mul3A_44 : vector<1000x128xf32>
    %get3A_46 = arith.constant 0 : index
    %get3A_47 = arith.constant 0 : index
    %get3A_48 = vector.load %arg7[%get3A_46, %get3A_47] : memref<1x128xf32, #tpu.memory_space<vmem>>, vector<1x128xf32>
    %add3A_49 = vector.broadcast %get3A_48 : vector<1x128xf32> to vector<1000x128xf32>
    %add3A_50 = arith.addf %mul3A_45, %add3A_49 : vector<1000x128xf32>
    %max3A = arith.constant 0.000000e+00 : f32
    %max3A_51 = vector.broadcast %max3A : f32 to vector<1000x128xf32>
    %max3A_52 = arith.maximumf %add3A_50, %max3A_51 : vector<1000x128xf32>
    %get3A_53 = arith.constant 0 : index
    %get3A_54 = arith.constant 0 : index
    %get3A_55 = vector.load %arg3[%get3A_53, %get3A_54] : memref<1000x128xf32, #tpu.memory_space<vmem>>, vector<1000x128xf32>
    %add3A_56 = arith.addf %max3A_52, %get3A_55 : vector<1000x128xf32>
    %eq3A = arith.constant 0 : i32
    %eq3A_57 = arith.cmpi eq, %arg0, %eq3A : i32
    %convert_element_type3A = arith.extui %eq3A_57 : i1 to i32
    %cond3A = arith.constant 0 : i32
    %cond3A_58 = arith.cmpi ne, %convert_element_type3A, %cond3A : i32
    scf.if %cond3A_58 {
      %broadcast_in_dim3A_133 = arith.constant 0.000000e+00 : f32
      %broadcast_in_dim3A_134 = vector.broadcast %broadcast_in_dim3A_133 : f32 to vector<1x128xf32>
      %swap3A_135 = arith.constant 0 : index
      %swap3A_136 = arith.constant 0 : index
      %swap3A_137 = vector.load %arg13[%swap3A_135, %swap3A_136] : memref<1x128xf32, #tpu.memory_space<vmem>>, vector<1x128xf32>
      tpu.vector_store %arg13[%swap3A_135, %swap3A_136], %broadcast_in_dim3A_134 {strides = array<i32>} : memref<1x128xf32, #tpu.memory_space<vmem>>, vector<1x128xf32>,
    } else {
    }
    %get3A_59 = arith.constant 0 : index
    %get3A_60 = arith.constant 0 : index
    %get3A_61 = vector.load %arg13[%get3A_59, %get3A_60] : memref<1x128xf32, #tpu.memory_space<vmem>>, vector<1x128xf32>
    %reduce_sum3A_62 = arith.constant dense<0.000000e+00> : vector<128xf32>
    %reduce_sum3A_63 = vector.multi_reduction <add>, %add3A_56, %reduce_sum3A_62 [0] : vector<1000x128xf32> to vector<128xf32>
    %broadcast_in_dim3A_64 = vector.shape_cast %reduce_sum3A_63 : vector<128xf32> to vector<1x128xf32>
    %add3A_65 = arith.addf %get3A_61, %broadcast_in_dim3A_64 : vector<1x128xf32>
    %swap3A = arith.constant 0 : index
    %swap3A_66 = arith.constant 0 : index
    %swap3A_67 = vector.load %arg13[%swap3A, %swap3A_66] : memref<1x128xf32, #tpu.memory_space<vmem>>, vector<1x128xf32>
    tpu.vector_store %arg13[%swap3A, %swap3A_66], %add3A_65 {strides = array<i32>} : memref<1x128xf32, #tpu.memory_space<vmem>>, vector<1x128xf32>,
    %get3A_68 = arith.constant 0 : index
    %get3A_69 = arith.constant 0 : index
    %get3A_70 = vector.load %arg8[%get3A_68, %get3A_69] : memref<128x1280xf32, #tpu.memory_space<vmem>>, vector<128x1280xf32>
    %dot_general3A = arith.constant dense<0.000000e+00> : vector<1000x1280xf32>
    %dot_general3A_71 = tpu.matmul %add3A_56, %get3A_70, %dot_general3A {dimension_numbers = #tpu.dot_dimension_numbers<[1], [0], [0], [1], [0, 0, 1, 1], [], []>, transpose_lhs_hint = false} : vector<1000x128xf32>, vector<128x1280xf32>, vector<1000x1280xf32> -> vector<1000x1280xf32>
    %get3A_72 = arith.constant 0 : index
    %get3A_73 = arith.constant 0 : index
    %get3A_74 = vector.load %arg9[%get3A_72, %get3A_73] : memref<1x1280xf32, #tpu.memory_space<vmem>>, vector<1x1280xf32>
    %add3A_75 = vector.broadcast %get3A_74 : vector<1x1280xf32> to vector<1000x1280xf32>
    %add3A_76 = arith.addf %dot_general3A_71, %add3A_75 : vector<1000x1280xf32>
    %max3A_77 = arith.constant 0.000000e+00 : f32
    %max3A_78 = vector.broadcast %max3A_77 : f32 to vector<1000x1280xf32>
    %max3A_79 = arith.maximumf %add3A_76, %max3A_78 : vector<1000x1280xf32>
    %get3A_80 = arith.constant 0 : index
    %get3A_81 = arith.constant 0 : index
    %get3A_82 = vector.load %arg10[%get3A_80, %get3A_81] : memref<1x1280xf32, #tpu.memory_space<vmem>>, vector<1x1280xf32>
    %mul3A_83 = vector.broadcast %get3A_82 : vector<1x1280xf32> to vector<1000x1280xf32>
    %mul3A_84 = arith.mulf %max3A_79, %mul3A_83 : vector<1000x1280xf32>
    %slice3A_85 = vector.extract_strided_slice %mul3A_84 {offsets = [0, 0], sizes = [1000, 128], strides = [1, 1]} : vector<1000x1280xf32> to vector<1000x128xf32>
    %reduce_sum3A_86 = arith.constant dense<0.000000e+00> : vector<1000xf32>
    %reduce_sum3A_87 = vector.multi_reduction <add>, %slice3A_85, %reduce_sum3A_86 [1] : vector<1000x128xf32> to vector<1000xf32>
    %broadcast_in_dim3A_88 = vector.shape_cast %reduce_sum3A_87 : vector<1000xf32> to vector<1000x1xf32>
    %slice3A_89 = vector.extract_strided_slice %mul3A_84 {offsets = [0, 128], sizes = [1000, 128], strides = [1, 1]} : vector<1000x1280xf32> to vector<1000x128xf32>
    %reduce_sum3A_90 = arith.constant dense<0.000000e+00> : vector<1000xf32>
    %reduce_sum3A_91 = vector.multi_reduction <add>, %slice3A_89, %reduce_sum3A_90 [1] : vector<1000x128xf32> to vector<1000xf32>
    %broadcast_in_dim3A_92 = vector.shape_cast %reduce_sum3A_91 : vector<1000xf32> to vector<1000x1xf32>
    %slice3A_93 = vector.extract_strided_slice %mul3A_84 {offsets = [0, 256], sizes = [1000, 128], strides = [1, 1]} : vector<1000x1280xf32> to vector<1000x128xf32>
    %reduce_sum3A_94 = arith.constant dense<0.000000e+00> : vector<1000xf32>
    %reduce_sum3A_95 = vector.multi_reduction <add>, %slice3A_93, %reduce_sum3A_94 [1] : vector<1000x128xf32> to vector<1000xf32>
    %broadcast_in_dim3A_96 = vector.shape_cast %reduce_sum3A_95 : vector<1000xf32> to vector<1000x1xf32>
    %slice3A_97 = vector.extract_strided_slice %mul3A_84 {offsets = [0, 384], sizes = [1000, 128], strides = [1, 1]} : vector<1000x1280xf32> to vector<1000x128xf32>
    %reduce_sum3A_98 = arith.constant dense<0.000000e+00> : vector<1000xf32>
    %reduce_sum3A_99 = vector.multi_reduction <add>, %slice3A_97, %reduce_sum3A_98 [1] : vector<1000x128xf32> to vector<1000xf32>
    %broadcast_in_dim3A_100 = vector.shape_cast %reduce_sum3A_99 : vector<1000xf32> to vector<1000x1xf32>
    %slice3A_101 = vector.extract_strided_slice %mul3A_84 {offsets = [0, 512], sizes = [1000, 128], strides = [1, 1]} : vector<1000x1280xf32> to vector<1000x128xf32>
    %reduce_sum3A_102 = arith.constant dense<0.000000e+00> : vector<1000xf32>
    %reduce_sum3A_103 = vector.multi_reduction <add>, %slice3A_101, %reduce_sum3A_102 [1] : vector<1000x128xf32> to vector<1000xf32>
    %broadcast_in_dim3A_104 = vector.shape_cast %reduce_sum3A_103 : vector<1000xf32> to vector<1000x1xf32>
    %slice3A_105 = vector.extract_strided_slice %mul3A_84 {offsets = [0, 640], sizes = [1000, 128], strides = [1, 1]} : vector<1000x1280xf32> to vector<1000x128xf32>
    %reduce_sum3A_106 = arith.constant dense<0.000000e+00> : vector<1000xf32>
    %reduce_sum3A_107 = vector.multi_reduction <add>, %slice3A_105, %reduce_sum3A_106 [1] : vector<1000x128xf32> to vector<1000xf32>
    %broadcast_in_dim3A_108 = vector.shape_cast %reduce_sum3A_107 : vector<1000xf32> to vector<1000x1xf32>
    %slice3A_109 = vector.extract_strided_slice %mul3A_84 {offsets = [0, 768], sizes = [1000, 128], strides = [1, 1]} : vector<1000x1280xf32> to vector<1000x128xf32>
    %reduce_sum3A_110 = arith.constant dense<0.000000e+00> : vector<1000xf32>
    %reduce_sum3A_111 = vector.multi_reduction <add>, %slice3A_109, %reduce_sum3A_110 [1] : vector<1000x128xf32> to vector<1000xf32>
    %broadcast_in_dim3A_112 = vector.shape_cast %reduce_sum3A_111 : vector<1000xf32> to vector<1000x1xf32>
    %slice3A_113 = vector.extract_strided_slice %mul3A_84 {offsets = [0, 896], sizes = [1000, 128], strides = [1, 1]} : vector<1000x1280xf32> to vector<1000x128xf32>
    %reduce_sum3A_114 = arith.constant dense<0.000000e+00> : vector<1000xf32>
    %reduce_sum3A_115 = vector.multi_reduction <add>, %slice3A_113, %reduce_sum3A_114 [1] : vector<1000x128xf32> to vector<1000xf32>
    %broadcast_in_dim3A_116 = vector.shape_cast %reduce_sum3A_115 : vector<1000xf32> to vector<1000x1xf32>
    %slice3A_117 = vector.extract_strided_slice %mul3A_84 {offsets = [0, 1024], sizes = [1000, 128], strides = [1, 1]} : vector<1000x1280xf32> to vector<1000x128xf32>
    %reduce_sum3A_118 = arith.constant dense<0.000000e+00> : vector<1000xf32>
    %reduce_sum3A_119 = vector.multi_reduction <add>, %slice3A_117, %reduce_sum3A_118 [1] : vector<1000x128xf32> to vector<1000xf32>
    %broadcast_in_dim3A_120 = vector.shape_cast %reduce_sum3A_119 : vector<1000xf32> to vector<1000x1xf32>
    %slice3A_121 = vector.extract_strided_slice %mul3A_84 {offsets = [0, 1152], sizes = [1000, 128], strides = [1, 1]} : vector<1000x1280xf32> to vector<1000x128xf32>
    %reduce_sum3A_122 = arith.constant dense<0.000000e+00> : vector<1000xf32>
    %reduce_sum3A_123 = vector.multi_reduction <add>, %slice3A_121, %reduce_sum3A_122 [1] : vector<1000x128xf32> to vector<1000xf32>
    %broadcast_in_dim3A_124 = vector.shape_cast %reduce_sum3A_123 : vector<1000xf32> to vector<1000x1xf32>
    %concatenate3A = tpu.concatenate %broadcast_in_dim3A_88, %broadcast_in_dim3A_92, %broadcast_in_dim3A_96, %broadcast_in_dim3A_100, %broadcast_in_dim3A_104, %broadcast_in_dim3A_108, %broadcast_in_dim3A_112, %broadcast_in_dim3A_116, %broadcast_in_dim3A_120, %broadcast_in_dim3A_124 in 1 : vector<1000x1xf32>, vector<1000x1xf32>, vector<1000x1xf32>, vector<1000x1xf32>, vector<1000x1xf32>, vector<1000x1xf32>, vector<1000x1xf32>, vector<1000x1xf32>, vector<1000x1xf32>, vector<1000x1xf32> -> vector<1000x10xf32>
    %get3A_125 = arith.constant 0 : index
    %get3A_126 = arith.constant 0 : index
    %get3A_127 = vector.load %arg11[%get3A_125, %get3A_126] : memref<1x10xf32, #tpu.memory_space<vmem>>, vector<1x10xf32>
    %add3A_128 = vector.broadcast %get3A_127 : vector<1x10xf32> to vector<1000x10xf32>
    %add3A_129 = arith.addf %concatenate3A, %add3A_128 : vector<1000x10xf32>
    %swap3A_130 = arith.constant 0 : index
    %swap3A_131 = arith.constant 0 : index
    %swap3A_132 = vector.load %arg12[%swap3A_130, %swap3A_131] : memref<1000x10xf32, #tpu.memory_space<vmem>>, vector<1000x10xf32>
    tpu.vector_store %arg12[%swap3A_130, %swap3A_131], %add3A_129 {strides = array<i32>} : memref<1000x10xf32, #tpu.memory_space<vmem>>, vector<1000x10xf32>,
    return
  }
  func.func @transform_0(%arg0: i32) -> (i32, i32, i32) {
    %jit3A = arith.constant 5 : i32
    %div3A = arith.divsi %arg0, %jit3A : i32
    %sign3A = arith.constant 0 : i32
    %sign3A_0 = arith.cmpi sgt, %arg0, %sign3A : i32
    %sign3A_1 = arith.extui %sign3A_0 : i1 to i32
    %sign3A_2 = arith.constant 0 : i32
    %sign3A_3 = arith.cmpi slt, %arg0, %sign3A_2 : i32
    %sign3A_4 = arith.extui %sign3A_3 : i1 to i32
    %sign3A_5 = arith.subi %sign3A_1, %sign3A_4 : i32
    %sign3A_6 = arith.constant 0 : i32
    %sign3A_7 = arith.cmpi sgt, %jit3A, %sign3A_6 : i32
    %sign3A_8 = arith.extui %sign3A_7 : i1 to i32
    %sign3A_9 = arith.constant 0 : i32
    %sign3A_10 = arith.cmpi slt, %jit3A, %sign3A_9 : i32
    %sign3A_11 = arith.extui %sign3A_10 : i1 to i32
    %sign3A_12 = arith.subi %sign3A_8, %sign3A_11 : i32
    %ne3A = arith.cmpi ne, %sign3A_5, %sign3A_12 : i32
    %rem3A = arith.remsi %arg0, %jit3A : i32
    %ne3A_13 = arith.constant 0 : i32
    %ne3A_14 = arith.cmpi ne, %rem3A, %ne3A_13 : i32
    %and3A = arith.andi %ne3A, %ne3A_14 : i1
    %sub3A = arith.constant 1 : i32
    %sub3A_15 = arith.subi %div3A, %sub3A : i32
    %select_n3A = arith.select %and3A, %sub3A_15, %div3A : i32
    %jit3A_16 = arith.constant 5 : i32
    %eq3A = arith.constant 0 : i32
    %eq3A_17 = arith.cmpi eq, %jit3A_16, %eq3A : i32
    %jit3A_18 = arith.constant 1 : i32
    %select_n3A_19 = arith.select %eq3A_17, %jit3A_18, %jit3A_16 : i32
    %rem3A_20 = arith.remsi %arg0, %select_n3A_19 : i32
    %ne3A_21 = arith.constant 0 : i32
    %ne3A_22 = arith.cmpi ne, %rem3A_20, %ne3A_21 : i32
    %lt3A = arith.constant 0 : i32
    %lt3A_23 = arith.cmpi slt, %rem3A_20, %lt3A : i32
    %lt3A_24 = arith.constant 0 : i32
    %lt3A_25 = arith.cmpi slt, %select_n3A_19, %lt3A_24 : i32
    %ne3A_26 = arith.xori %lt3A_23, %lt3A_25 : i1
    %and3A_27 = arith.andi %ne3A_26, %ne3A_22 : i1
    %add3A = arith.addi %rem3A_20, %select_n3A_19 : i32
    %select_n3A_28 = arith.select %and3A_27, %add3A, %rem3A_20 : i32
    %c0_i32 = arith.constant 0 : i32
    %c0_i32_29 = arith.constant 0 : i32
    return %select_n3A, %select_n3A_28, %c0_i32 : i32, i32, i32
  }
  func.func @transform_1(%arg0: i32) -> (i32, i32) {
    %c0_i32 = arith.constant 0 : i32
    %c0_i32_0 = arith.constant 0 : i32
    return %arg0, %c0_i32 : i32, i32
  }
  func.func @transform_2(%arg0: i32) -> (i32, i32) {
    %c0_i32 = arith.constant 0 : i32
    %c0_i32_0 = arith.constant 0 : i32
    return %arg0, %c0_i32 : i32, i32
  }
  func.func @transform_3(%arg0: i32) -> (i32, i32) {
    %c0_i32 = arith.constant 0 : i32
    %c0_i32_0 = arith.constant 0 : i32
    return %arg0, %c0_i32 : i32, i32
  }
  func.func @transform_4(%arg0: i32) -> (i32, i32) {
    %c0_i32 = arith.constant 0 : i32
    %c0_i32_0 = arith.constant 0 : i32
    %c0_i32_1 = arith.constant 0 : i32
    return %c0_i32, %c0_i32_0 : i32, i32
  }
  func.func @transform_5(%arg0: i32) -> (i32, i32) {
    %c0_i32 = arith.constant 0 : i32
    %c0_i32_0 = arith.constant 0 : i32
    %c0_i32_1 = arith.constant 0 : i32
    return %c0_i32, %c0_i32_0 : i32, i32
  }
  func.func @transform_6(%arg0: i32) -> (i32, i32) {
    %c0_i32 = arith.constant 0 : i32
    %c0_i32_0 = arith.constant 0 : i32
    %c0_i32_1 = arith.constant 0 : i32
    return %c0_i32, %c0_i32_0 : i32, i32
  }
  func.func @transform_7(%arg0: i32) -> (i32, i32) {
    %c0_i32 = arith.constant 0 : i32
    %c0_i32_0 = arith.constant 0 : i32
    %c0_i32_1 = arith.constant 0 : i32
    return %c0_i32, %c0_i32_0 : i32, i32
  }
  func.func @transform_8(%arg0: i32) -> (i32, i32) {
    %c0_i32 = arith.constant 0 : i32
    %c0_i32_0 = arith.constant 0 : i32
    %c0_i32_1 = arith.constant 0 : i32
    return %c0_i32, %c0_i32_0 : i32, i32
  }
  func.func @transform_9(%arg0: i32) -> (i32, i32) {
    %c0_i32 = arith.constant 0 : i32
    %c0_i32_0 = arith.constant 0 : i32
    %c0_i32_1 = arith.constant 0 : i32
    return %c0_i32, %c0_i32_0 : i32, i32
  }
  func.func @transform_10(%arg0: i32) -> (i32, i32) {
    %c0_i32 = arith.constant 0 : i32
    %c0_i32_0 = arith.constant 0 : i32
    %c0_i32_1 = arith.constant 0 : i32
    return %c0_i32, %c0_i32_0 : i32, i32
  }
  func.func @transform_11(%arg0: i32) -> (i32, i32) {
    %c0_i32 = arith.constant 0 : i32
    %c0_i32_0 = arith.constant 0 : i32
    return %arg0, %c0_i32 : i32, i32
  }
  func.func @transform_12(%arg0: i32) -> (i32, i32) {
    %c0_i32 = arith.constant 0 : i32
    %c0_i32_0 = arith.constant 0 : i32
    %c0_i32_1 = arith.constant 0 : i32
    return %c0_i32, %c0_i32_0 : i32, i32
  }
}

module attributes {stable_mosaic.version = 14 : i64} {
  func.func @body(%arg0: memref<1x128xf32, #tpu.memory_space<vmem>>, %arg1: memref<1x128xf32, #tpu.memory_space<vmem>>, %arg2: memref<1x256xf32, #tpu.memory_space<vmem>>, %arg3: memref<1x256xf32, #tpu.memory_space<vmem>>, %arg4: memref<256x128xf32, #tpu.memory_space<vmem>>, %arg5: memref<1x128xf32, #tpu.memory_space<vmem>>, %arg6: memref<128x64xf32, #tpu.memory_space<vmem>>, %arg7: memref<1x64xf32, #tpu.memory_space<vmem>>, %arg8: memref<64x1xf32, #tpu.memory_space<vmem>>, %arg9: memref<1x1xf32, #tpu.memory_space<vmem>>, %arg10: memref<1x1xf32, #tpu.memory_space<vmem>>) attributes {dimension_semantics = [], scalar_prefetch = 0 : i64, scratch_operands = 0 : i64, tpu.core_type = #tpu.core_type<tc>} {
    %get3A = arith.constant 0 : index
    %get3A_0 = arith.constant 0 : index
    %get3A_1 = vector.load %arg0[%get3A, %get3A_0] : memref<1x128xf32, #tpu.memory_space<vmem>>, vector<1x128xf32>
    %mul3A = arith.constant 9.99999974E-5 : f32
    %mul3A_2 = vector.broadcast %mul3A : f32 to vector<1x128xf32>
    %mul3A_3 = arith.mulf %get3A_1, %mul3A_2 : vector<1x128xf32>
    %get3A_4 = arith.constant 0 : index
    %get3A_5 = arith.constant 0 : index
    %get3A_6 = vector.load %arg1[%get3A_4, %get3A_5] : memref<1x128xf32, #tpu.memory_space<vmem>>, vector<1x128xf32>
    %concatenate3A = tpu.concatenate %mul3A_3, %get3A_6 in 1 : vector<1x128xf32>, vector<1x128xf32> -> vector<1x256xf32>
    %reduce_sum3A = arith.constant dense<0.000000e+00> : vector<1xf32>
    %reduce_sum3A_7 = vector.multi_reduction <add>, %concatenate3A, %reduce_sum3A [1] : vector<1x256xf32> to vector<1xf32>
    %broadcast_in_dim3A = vector.shape_cast %reduce_sum3A_7 : vector<1xf32> to vector<1x1xf32>
    %div3A = arith.constant 2.560000e+02 : f32
    %div3A_8 = vector.broadcast %div3A : f32 to vector<1x1xf32>
    %div3A_9 = arith.divf %broadcast_in_dim3A, %div3A_8 : vector<1x1xf32>
    %sub3A = vector.broadcast %div3A_9 : vector<1x1xf32> to vector<1x256xf32>
    %sub3A_10 = arith.subf %concatenate3A, %sub3A : vector<1x256xf32>
    %mul3A_11 = arith.mulf %sub3A_10, %sub3A_10 : vector<1x256xf32>
    %reduce_sum3A_12 = arith.constant dense<0.000000e+00> : vector<1xf32>
    %reduce_sum3A_13 = vector.multi_reduction <add>, %mul3A_11, %reduce_sum3A_12 [1] : vector<1x256xf32> to vector<1xf32>
    %broadcast_in_dim3A_14 = vector.shape_cast %reduce_sum3A_13 : vector<1xf32> to vector<1x1xf32>
    %div3A_15 = arith.constant 2.560000e+02 : f32
    %div3A_16 = vector.broadcast %div3A_15 : f32 to vector<1x1xf32>
    %div3A_17 = arith.divf %broadcast_in_dim3A_14, %div3A_16 : vector<1x1xf32>
    %add3A = arith.constant 9.99999974E-6 : f32
    %add3A_18 = vector.broadcast %add3A : f32 to vector<1x1xf32>
    %add3A_19 = arith.addf %div3A_17, %add3A_18 : vector<1x1xf32>
    %rsqrt3A = math.rsqrt %add3A_19 : vector<1x1xf32>
    %mul3A_20 = vector.broadcast %rsqrt3A : vector<1x1xf32> to vector<1x256xf32>
    %mul3A_21 = arith.mulf %sub3A_10, %mul3A_20 : vector<1x256xf32>
    %get3A_22 = arith.constant 0 : index
    %get3A_23 = arith.constant 0 : index
    %get3A_24 = vector.load %arg2[%get3A_22, %get3A_23] : memref<1x256xf32, #tpu.memory_space<vmem>>, vector<1x256xf32>
    %mul3A_25 = arith.mulf %mul3A_21, %get3A_24 : vector<1x256xf32>
    %get3A_26 = arith.constant 0 : index
    %get3A_27 = arith.constant 0 : index
    %get3A_28 = vector.load %arg3[%get3A_26, %get3A_27] : memref<1x256xf32, #tpu.memory_space<vmem>>, vector<1x256xf32>
    %add3A_29 = arith.addf %mul3A_25, %get3A_28 : vector<1x256xf32>
    %get3A_30 = arith.constant 0 : index
    %get3A_31 = arith.constant 0 : index
    %get3A_32 = vector.load %arg4[%get3A_30, %get3A_31] : memref<256x128xf32, #tpu.memory_space<vmem>>, vector<256x128xf32>
    %dot_general3A = arith.constant dense<0.000000e+00> : vector<1x128xf32>
    %dot_general3A_33 = tpu.matmul %add3A_29, %get3A_32, %dot_general3A {dimension_numbers = #tpu.dot_dimension_numbers<[1], [0], [0], [1], [0, 0, 1, 1], [], []>, transpose_lhs_hint = false} : vector<1x256xf32>, vector<256x128xf32>, vector<1x128xf32> -> vector<1x128xf32>
    %get3A_34 = arith.constant 0 : index
    %get3A_35 = arith.constant 0 : index
    %get3A_36 = vector.load %arg5[%get3A_34, %get3A_35] : memref<1x128xf32, #tpu.memory_space<vmem>>, vector<1x128xf32>
    %add3A_37 = arith.addf %dot_general3A_33, %get3A_36 : vector<1x128xf32>
    %max3A = arith.constant 0.000000e+00 : f32
    %max3A_38 = vector.broadcast %max3A : f32 to vector<1x128xf32>
    %max3A_39 = arith.maximumf %add3A_37, %max3A_38 : vector<1x128xf32>
    %get3A_40 = arith.constant 0 : index
    %get3A_41 = arith.constant 0 : index
    %get3A_42 = vector.load %arg6[%get3A_40, %get3A_41] : memref<128x64xf32, #tpu.memory_space<vmem>>, vector<128x64xf32>
    %dot_general3A_43 = arith.constant dense<0.000000e+00> : vector<1x64xf32>
    %dot_general3A_44 = tpu.matmul %max3A_39, %get3A_42, %dot_general3A_43 {dimension_numbers = #tpu.dot_dimension_numbers<[1], [0], [0], [1], [0, 0, 1, 1], [], []>, transpose_lhs_hint = false} : vector<1x128xf32>, vector<128x64xf32>, vector<1x64xf32> -> vector<1x64xf32>
    %get3A_45 = arith.constant 0 : index
    %get3A_46 = arith.constant 0 : index
    %get3A_47 = vector.load %arg7[%get3A_45, %get3A_46] : memref<1x64xf32, #tpu.memory_space<vmem>>, vector<1x64xf32>
    %add3A_48 = arith.addf %dot_general3A_44, %get3A_47 : vector<1x64xf32>
    %max3A_49 = arith.constant 0.000000e+00 : f32
    %max3A_50 = vector.broadcast %max3A_49 : f32 to vector<1x64xf32>
    %max3A_51 = arith.maximumf %add3A_48, %max3A_50 : vector<1x64xf32>
    %get3A_52 = arith.constant 0 : index
    %get3A_53 = arith.constant 0 : index
    %get3A_54 = vector.load %arg8[%get3A_52, %get3A_53] : memref<64x1xf32, #tpu.memory_space<vmem>>, vector<64x1xf32>
    %dot_general3A_55 = arith.constant dense<0.000000e+00> : vector<1x1xf32>
    %dot_general3A_56 = tpu.matmul %max3A_51, %get3A_54, %dot_general3A_55 {dimension_numbers = #tpu.dot_dimension_numbers<[1], [0], [0], [1], [0, 0, 1, 1], [], []>, transpose_lhs_hint = false} : vector<1x64xf32>, vector<64x1xf32>, vector<1x1xf32> -> vector<1x1xf32>
    %get3A_57 = arith.constant 0 : index
    %get3A_58 = arith.constant 0 : index
    %get3A_59 = vector.load %arg9[%get3A_57, %get3A_58] : memref<1x1xf32, #tpu.memory_space<vmem>>, vector<1x1xf32>
    %add3A_60 = arith.addf %dot_general3A_56, %get3A_59 : vector<1x1xf32>
    %swap3A = arith.constant 0 : index
    %swap3A_61 = arith.constant 0 : index
    %swap3A_62 = vector.load %arg10[%swap3A, %swap3A_61] : memref<1x1xf32, #tpu.memory_space<vmem>>, vector<1x1xf32>
    tpu.vector_store %arg10[%swap3A, %swap3A_61], %add3A_60 {strides = array<i32>} : memref<1x1xf32, #tpu.memory_space<vmem>>, vector<1x1xf32>,
    return
  }
}

</mosaic_0001>

<sc_bundles>
// kernel: kernel.12.cloned.1.call-start
scs
__scs_entry_jumppad:
0x0: {  	(pc) =	sbr.rel $0x88, $3  }
0x1: {  	(tag) =	ssettag $0x0;
	lr =	simm.s32 $0x1  }
0x2: {  	[smem:$0x3F4A] =	sst lr;
	_ =	strace $0xD0000000  }
0x3: {  	_ = 	snop  }
0x4: {  	_ = 	snop  }
0x5: {  	_ = 	snop  }
0x6: {  	_ = 	snop  }
0x7: {  	_ = 	snop  }
__scs_overlays_trampoline_lowered:
0x8: {  	[smem:$0x3F59] =	sst s0  }
0x9: {  	[smem:$0x3F5A] =	sst s1  }
0xa: {  	[smem:$0x3F5B] =	sst s2  }
0xb: {  	[smem:$0x3F5C] =	sst s3  }
0xc: {  	[smem:$0x3F5D] =	sst s4  }
0xd: {  	[smem:$0x3F5E] =	sst s5  }
0xe: {  	[smem:$0x3F5F] =	sst s6  }
0xf: {  	[smem:$0x3F60] =	sst s7  }
0x10: {  	[smem:$0x3F61] =	sst s8  }
0x11: {  	[smem:$0x3F62] =	sst s9;
	s0 =	simm.s32 @!p0 $0x0  }
0x12: {  	s1 =	sld [smem:$0x3F48];
	s0 =	simm.s32 @p0 $0x1  }
0x13: {  	[smem:$0x3F63] =	sst s0;
	s0 =	simm.s32 @!p1 $0x0  }
0x14: {  	s2 =	sld [smem:$0x3F47];
	s0 =	simm.s32 @p1 $0x1  }
0x15: {  	[smem:$0x3F64] =	sst s0;
	s0 =	simm.s32 @!p2 $0x0  }
0x16: {  	s3 =	sld [smem:$0x3FDB];
	s0 =	simm.s32 @p2 $0x1  }
0x17: {  	s4 =	simm.s32 $0x1BF5;
	[smem:$0x3F66] =	sst s0  }
0x18: {  	s0 =	sld [smem:$0x3F49];
	_ =	swait.ge [sflag:s4], $0x0  }
0x19: {  	s7 =	sld [smem:$0x3F4A]  }
0x1a: {  	s8 =	sadd.s32 $0xFFFFE003, lr  }
0x1b: {  	s9 =	sadd.s32 $0xFFFFFEF7, lr;
	s5 =	simm.s32 $0xFFFFFFFF;
	p2 =	slt.u32 s8, $0xFFFFF086  }
0x1c: {  	p1 =	slt.u32 s9, $0xF7A;
	s5 =	simm.s32 @!p2 $0x0  }
0x1d: {  	s5 =	simm.s32 @p1 $0x1;
	p0 =	seq.s32 s7, s2  }
0x1e: {  	s7 =	smul.u32 @!p0 $0xF7A, s2;
	p2 =	seq.s32 @!p0 s5, $0x0  }
0x1f: {  	s9 =	smul.u32 $0xF7A, s1;
	s8 =	simm.s32 @!p0 $0x1BF5;
	p2 =	por !p2, p0  }
0x20: {  	[sflag:s8] =	ssyncset.s32 @!p0 $0xFFFFF086;
	s6 =	sadd.s32 @!p0 s3, s7;
	s7 =	simm.s32 @!p0 $0x108  }
0x21: {  	s3 =	sadd.s32 s3, s9;
	s6 =	sadd.s32 @!p0 $0x88, s6;
	s7 =	simm.s32 @p2 $0x1082  }
0x22: {  	[simem:s7], [sflag:s8] =	dma.local @!p0 [hbm:s6], $0xF7A  }
0x23: {  	s9 =	sor.u32 $0xD0000000, s2;
	s6 =	simm.s32 $0x108;
	_ =	swait.ge @!p0 [sflag:s8], $0x0  }
0x24: {  	s3 =	sadd.s32 $0x88, s3;
	s6 =	simm.s32 @!p1 $0x1082;
	[sflag:s4] =	ssyncset.s32 $0xFFFFF086  }
0x25: {  	[simem:s6], [sflag:s4] =	dma.local [hbm:s3], $0xF7A  }
0x26: {  	[smem:$0x3F4A] =	sst s1;
	(tag) =	ssettag s2;
	_ =	strace s9  }
0x27: {  	s1 =	sld [smem:$0x3F5A]  }
0x28: {  	s2 =	sld [smem:$0x3F5B]  }
0x29: {  	s4 =	sld [smem:$0x3F5D]  }
0x2a: {  	p0 =	seq.s32 s5, $0x0;
	s5 =	sld [smem:$0x3F5E]  }
0x2b: {  	s6 =	sld [smem:$0x3F5F]  }
0x2c: {  	s7 =	sld [smem:$0x3F60]  }
0x2d: {  	s3 =	simm.s32 $0x108;
	s8 =	sld [smem:$0x3F61]  }
0x2e: {  	s3 =	simm.s32 @!p0 $0x1082;
	s9 =	sld [smem:$0x3F62]  }
0x2f: {  	lr =	sadd.s32 s0, s3;
	s0 =	sld [smem:$0x3F59]  }
0x30: {  	s3 =	sld [smem:$0x3F5C]  }
0x31: {  	[smem:$0x3F65] =	sst s10  }
0x32: {  	s10 =	sld [smem:$0x3F63];
	_ =	sdelay $0x3  }
0x33: {  	p0 =	seq.s32 s10, $0x1;
	s10 =	sld [smem:$0x3F65];
	_ =	sdelay $0x3  }
0x34: {  	[smem:$0x3F65] =	sst s10  }
0x35: {  	s10 =	sld [smem:$0x3F64];
	_ =	sdelay $0x3  }
0x36: {  	p1 =	seq.s32 s10, $0x1;
	s10 =	sld [smem:$0x3F65];
	_ =	sdelay $0x3  }
0x37: {  	[smem:$0x3F65] =	sst s10  }
0x38: {  	s10 =	sld [smem:$0x3F66]  }
0x39: {  	_ = 	snop;
	(pc) =	sbr.ind lr, $3  }
0x3a: {  	_ = 	snop  }
0x3b: {  	_ = 	snop  }
0x3c: {  	p2 =	seq.s32 s10, $0x1;
	s10 =	sld [smem:$0x3F65]  }
0x3d: {  	_ =	shalt  }
0x3e: {  	_ =	shalt  }
0x3f: {  	_ =	shalt  }
0x40: {  	_ =	shalt  }
0x41: {  	_ =	shalt  }
0x42: {  	_ =	shalt  }
0x43: {  	_ =	shalt  }
0x44: {  	_ =	shalt  }
0x45: {  	_ =	shalt  }
0x46: {  	_ =	shalt  }
0x47: {  	_ =	shalt  }
0x48: {  	_ =	shalt  }
0x49: {  	_ =	shalt  }
0x4a: {  	_ =	shalt  }
0x4b: {  	_ =	shalt  }
0x4c: {  	_ =	shalt  }
0x4d: {  	_ =	shalt  }
0x4e: {  	_ =	shalt  }
0x4f: {  	_ =	shalt  }
0x50: {  	_ =	shalt  }
0x51: {  	_ =	shalt  }
0x52: {  	_ =	shalt  }
0x53: {  	_ =	shalt  }
0x54: {  	_ =	shalt  }
0x55: {  	_ =	shalt  }
0x56: {  	_ =	shalt  }
0x57: {  	_ =	shalt  }
0x58: {  	_ =	shalt  }
0x59: {  	_ =	shalt  }
0x5a: {  	_ =	shalt  }
0x5b: {  	_ =	shalt  }
0x5c: {  	_ =	shalt  }
0x5d: {  	_ =	shalt  }
0x5e: {  	_ =	shalt  }
0x5f: {  	_ =	shalt  }
0x60: {  	_ =	shalt  }
0x61: {  	_ =	shalt  }
0x62: {  	_ =	shalt  }
0x63: {  	_ =	shalt  }
0x64: {  	_ =	shalt  }
0x65: {  	_ =	shalt  }
0x66: {  	_ =	shalt  }
0x67: {  	_ =	shalt  }
0x68: {  	_ =	shalt  }
0x69: {  	_ =	shalt  }
0x6a: {  	_ =	shalt  }
0x6b: {  	_ =	shalt  }
0x6c: {  	_ =	shalt  }
0x6d: {  	_ =	shalt  }
0x6e: {  	_ =	shalt  }
0x6f: {  	_ =	shalt  }
0x70: {  	_ =	shalt  }
0x71: {  	_ =	shalt  }
0x72: {  	_ =	shalt  }
0x73: {  	_ =	shalt  }
0x74: {  	_ =	shalt  }
0x75: {  	_ =	shalt  }
0x76: {  	_ =	shalt  }
0x77: {  	_ =	shalt  }
0x78: {  	_ =	shalt  }
0x79: {  	_ =	shalt  }
0x7a: {  	_ =	shalt  }
0x7b: {  	_ =	shalt  }
0x7c: {  	_ =	shalt  }
0x7d: {  	_ =	shalt  }
0x7e: {  	_ =	shalt  }
0x7f: {  	_ =	shalt  }
0x80: {  	_ =	shalt  }
0x81: {  	_ =	shalt  }
0x82: {  	_ =	shalt  }
0x83: {  	_ =	shalt  }
0x84: {  	_ =	shalt  }
0x85: {  	_ =	shalt  }
0x86: {  	_ =	shalt  }
0x87: {  	_ =	shalt  }
.Lfunc_end0:
.L_simem_size_0:
called_computation_lowered:
.L_overlay_start_0:
0x88: {  	s2 =	sld [smem:$0x3FD9]  }
0x89: {  	s3 =	sld [smem:$0x3FFE];
	_ =	sdelay $0x1  }
0x8a: {  	s1 =	srdreg.scid  }
0x8b: {  	s0 =	sand.u32 $0x1, s1  }
0x8c: {  	s17 =	sshll.u32 s0, $0xA;
	s2 =	sadd.s32 s3, s2  }
0x8d: {  	s2 =	sadd.s32 s2, s17  }
0x8e: {  	[smem:$0x3F71] =	sst s2  }
0x8f: {  	_ = 	snop  }
0x90: {  	s2 =	sld [smem:$0x3FD0];
	(tm) =	ssettm $0x1  }
0x91: {  	s18 =	sld [smem:$0x3FFB];
	_ =	sdelay $0x3  }
0x92: {  	_ =	strace s18  }
0x93: {  	s3 =	sld [smem:$0x3FFC];
	_ =	sdelay $0x3  }
0x94: {  	_ =	strace s3  }
0x95: {  	s3 =	sld [smem:$0x3FFD];
	_ =	sdelay $0x3  }
0x96: {  	_ =	strace s3  }
0x97: {  	_ =	strace $0x8FFFFFFF  }
0x98: {  	s19 =	sld [smem:$0x3FDB];
	_ =	sdelay $0x1  }
0x99: {  	s4 =	simm.s32 $_scs_section_size  }
0x9a: {  	s5 =	simm.s32 $_size__tile_overlayer_lowered;
	s6 =	simm.s32 $_tile_overlayer_lowered  }
0x9b: {  	s22 =	simm.s32 $0x1BFF;
	s21 =	sshll.u32 s6, $0x1;
	s3 =	sadd.s32 s4, s19  }
0x9c: {  	s7 =	simm.s32 $0x0;
	s20 =	sshll.u32 s5, $0x1;
	s5 =	sadd.s32 s21, s3  }
0x9d: {  	[timem:s7], [sflag:s22] =	dma.local [hbm:s5], s20  }
0x9e: {  	_ =	swait.ge [sflag:s22], s20  }
0x9f: {  	s4 =	ssub.s32 $0x0, s20;
	[sflag:s22] =	ssyncset.done $0x0  }
0xa0: {  	[sflag:s22] =	ssyncadd.s32 s4;
	_ =	sdelay $0x1  }
0xa1: {  	s23 =	simm.s32 $0x1B8B  }
0xa2: {  	_ =	swait.ge [sflag:s23], $0x1  }
0xa3: {  	[sflag:s23] =	ssyncset.done $0x0  }
0xa4: {  	s25 =	simm.s32 $0x1B8E;
	s24 =	sld [smem:$0x3FFE];
	[sflag:s23] =	ssyncadd.s32 $0xFFFFFFFF  }
0xa5: {  	s26 =	simm.s32 $execute0_lowered;
	[smem:$0x3FD2] =	sst s25  }
0xa6: {  	s5 =	sshll.u32 s26, $0x1;
	_ =	strace $0x80000046;
	[dreg:$0x1] =	wrdreg $0xFFFFFFFF  }
0xa7: {  	s28 =	simm.s32 $_size_execute0_lowered;
	s3 =	sadd.s32 s3, s5;
	[dreg:$0x0] =	wrdreg $0x0  }
0xa8: {  	s5 =	sshll.u32 s28, $0x1;
	[dreg:$0x2] =	wrdreg s3  }
0xa9: {  	[dreg:$0x3] =	wrdreg s5  }
0xaa: {  	[dreg:$0x4] =	wrdreg $0xC0  }
0xab: {  	_ =	task [dreg:s7], $0x5FFFF  }
0xac: {  	[dreg:$0x1] =	wrdreg $0xFFFFFFFF  }
0xad: {  	[dreg:$0x0] =	wrdreg $0x60  }
0xae: {  	[dreg:$0x2] =	wrdreg s24  }
0xaf: {  	[dreg:$0x3] =	wrdreg s2  }
0xb0: {  	[dreg:$0x4] =	wrdreg $0x64800  }
0xb1: {  	[dreg:$0x5] =	wrdreg $0x9  }
0xb2: {  	_ =	task.clear_ibuf [dreg:s7], $0x6FFFF;
	_ =	strace $0x90000046  }
0xb3: {  	s29 =	simm.s32 $0x9;
	_ =	strace $0x80000048  }
0xb4: {  	_ =	swait.ge [sflag:s29], $0x1  }
0xb5: {  	[sflag:s29] =	ssyncadd.s32 $0xFFFFFFFF  }
0xb6: {  	_ =	strace $0x90000048  }
0xb7: {  	_ =	sfence  }
0xb8: {  	s30 =	sld [smem:$0x0];
	_ =	sdelay $0x2  }
0xb9: {  	s31 =	sshll.u32 s1, $0xD;
	s1 =	sshrl.u32 s1, $0x2  }
0xba: {  	s3 =	sand.u32 $0x4000, s31;
	s1 =	sadd.s32 s1, s30  }
0xbb: {  	s0 =	sor.u32 s3, s0;
	s1 =	sshll.u32 s1, $0x11  }
0xbc: {  	s0 =	sor.u32 s1, s0  }
0xbd: {  	s0 =	sadd.s32 $0x8F2B, s0  }
0xbe: {  	[sflag:s0] =	ssyncadd.remote.s32 $0x1  }
0xbf: {  	_ =	sfence.sel $0xFFFF  }
0xc0: {  	[dreg:$0x0] =	wrdreg $0xFFFFFFFF;
	(pc) =	sbr.abs _section_cstart, $3  }
0xc1: {  	[dreg:$0x1] =	wrdreg $0xFFFFFFFF  }
0xc2: {  	_ =	task.clear_ibuf [dreg:s7], $0x2FFFF;
	_ =	strace $0x9FFFFFFF  }
0xc3: {  	(tm) =	ssettm $0x7FFFFFFF  }
tec
execute0_lowered:
.L_overlay_start_1:
0x0: {  	(tag) =	ssettag $0x1  }
0x1: {  	s4 =	rddreg [dreg:$0x0]  }
0x2: {  	s0 =	srdreg.scid;
	s6 =	rddreg [dreg:$0x1]  }
0x3: {  	s2 =	rddreg [dreg:$0x2];
	s1 =	stileid.u32  }
0x4: {  	s3 =	simm.s32 $0x0;
	s13 =	simm.s32 $0x20;
	s14 =	simm.s32 $0x10  }
0x5: {  	s5 =	sand.u32 $0x1, s0;
	s0 =	rddreg [dreg:$0x3];
	s8 =	smul.u32 $0x280, s1  }
0x6: {  	s15 =	simm.s32 $0x0;
	[smem:$0x7FF] =	sst s3;
	s10 =	smul.u32 $0x500, s1  }
0x7: {  	s31 =	sshll.u32 s1, $0x6;
	s7 =	sshll.u32 s5, $0x4;
	_ =	strace $0x80000047  }
0x8: {  	s9 =	ssub.s32 $0x2, s5;
	s5 =	sshll.u32 s5, $0x7;
	s7 =	sor.u32 s1, s7  }
0x9: {  	s11 =	sshrl.u32 s8, $0x3;
	s12 =	sshrl.u32 s9, $0x1;
	s5 =	sor.u32 s5, s10  }
0xa: {  	s29 =	sadd.s32 s8, s2;
	s8 =	simm.s32 $0x1;
	s7 =	smul.u32 $0xC80, s7  }
0xb: {  	s11 =	sadd.s32 s11, s4;
	s9 =	ssub.s32 s9, s12;
	s30 =	sshrl.u32 s5, $0x3  }
0xc: {  	s10 =	sshrl.u32 s29, $0x3;
	s12 =	simm.s32 $0x6400;
	s5 =	sadd.s32 $0x21800, s11  }
0xd: {  	s6 =	sadd.s32 s6, s30;
	s11 =	simm.s32 $0x32;
	s7 =	sadd.s32 s7, s4  }
0xe: {  	v0 =	vimm.f32 $1.000000000e+00;
	s4 =	sadd.s32 $0x8800, s7;
	s7 =	smax.u32 s9, $0x1;
	s9 =	sor.u32 $0x1C01, s31  }
.LBB2_1:
0xf: {  	[tilespmem:s3], [sflag:$0x1] =	stream.linear.gather [hbm4b:s4+s3], $0x6400, $0x38;
	[tilespmem:$0x6700] =	vst v63  }
0x10: {  	_ =	swait.ge [sflag:s8], $0x6400  }
0x11: {  	[sflag:s8] =	ssyncset.done $0x0  }
0x12: {  	[sflag:s8] =	ssyncadd.s32 $0xFFFF9C00  }
0x13: {  	[tilespmem:$0x6400] =	vst v0  }
0x14: {  	[tilespmem:$0x6410] =	vst v0  }
0x15: {  	[tilespmem:$0x6420] =	vst v0  }
0x16: {  	[tilespmem:$0x6422] =	vst v0  }
0x17: {  	[spmem:s10], [sflag:s9] =	dma.local [hbm:s5], $0x50  }
0x18: {  	_ =	swait.ge [sflag:s8], $0x50  }
0x19: {  	[sflag:s8] =	ssyncset.done $0x0  }
0x1a: {  	[sflag:s8] =	ssyncadd.s32 $0xFFFFFFB0  }
0x1b: {  	s16 =	simm.s32 $0x0;
	[bflag:$0x0] =	sbarrier.arrive $0xFFFF  }
0x1c: {  	[spmem:s2] =	stream.indirect.scatter.add.f32 [tilespmem:s12], [sflag:$0x1], $0x1, s16, s11, $0xb8;
	[tilespmem:$0x6700] =	vst v63  }
0x1d: {  	_ =	swait.ge [sflag:s8], $0x32  }
0x1e: {  	s16 =	simm.s32 $0x200;
	[sflag:s8] =	ssyncset.done $0x0  }
.LBB2_2:
0x1f: {  	s17 =	sshra.s32 s16, $0x2;
	[sflag:s8] =	ssyncadd.s32 $0xFFFFFFCE;
	p0 =	sne.s32 s16, $0x18E00  }
0x20: {  	[spmem:s2] =	stream.indirect.scatter.add.f32 [tilespmem:s12], [sflag:$0x1], $0x1, s17, s11, $0xb8;
	[tilespmem:$0x6700] =	vst v63  }
.Ltmp0:
0x21: {  	_ = 	snop;
	(pc) =	sbr.rel @p0 .LBB2_2-.Ltmp0, $4  }
0x22: {  	_ = 	snop  }
0x23: {  	s16 =	sadd.s32 $0x200, s16  }
0x24: {  	_ =	swait.ge [sflag:s8], $0x32  }
0x25: {  	[sflag:s8] =	ssyncset.done $0x0  }
0x26: {  	s15 =	sadd.s32 $0x1, s15  }
0x27: {  	[sflag:s8] =	ssyncadd.s32 $0xFFFFFFCE;
	p0 =	sne.s32 s15, s7  }
.Ltmp1:
0x28: {  	[bflag:$0x0] =	sbarrier.arrive $0xFFFF;
	(pc) =	sbr.rel @p0 .LBB2_1-.Ltmp1, $4  }
0x29: {  	[hbm:s6@s13], [sflag:s9] =	dma.strided [spmem:s10@s14], $0x50, s8, $0x10   }
0x2a: {  	_ =	swait.ge [sflag:s8], $0x50  }
0x2b: {  	[sflag:s8] =	ssyncset.done $0x0  }
0x2c: {  	[sflag:s8] =	ssyncadd.s32 $0xFFFFFFB0  }
0x2d: {  	_ =	sfence.sel $0x180000  }
0x2e: {  	[bflag:$0x0] =	sbarrier.arrive $0xFFFF  }
0x2f: {  	p0 =	sne.s32 s1, $0x0;
	_ =	strace $0x90000047  }
0x30: {  	s0 =	sadd.s32 @!p0 $0x100000, s0;
	[bflag:$0x2] =	sbarrier.arrive $0xFFFF  }
0x31: {  	[sflag:s0] =	ssyncadd.tile.s32 @!p0 $0x1;
	_ =	shalt  }
.Lfunc_end2:
_tile_overlayer_lowered:
.L_overlay_start_2:
0x32: {  	(tag) =	ssettag $0x2  }
0x33: {  	s0 =	rddreg [dreg:$0x0];
	s2 =	stileid.u32  }
0x34: {  	s1 =	rddreg [dreg:$0x1];
	p0 =	sne.s32 s2, $0x0  }
0x35: {  	s3 =	rddreg [dreg:$0x2];
	[bflag:$0x3] =	sbarrier.arrive $0xFFFF;
	s2 =	simm.s32 @!p0 $0x1C01  }
0x36: {  	[timem:s3], [sflag:s2] =	dma.local @!p0 [hbm:s0], s1  }
0x37: {  	s0 =	simm.s32 @!p0 $0x1  }
0x38: {  	_ =	swait.ge @!p0 [sflag:s0], s1  }
0x39: {  	s1 =	ssub.s32 @!p0 $0x0, s1;
	[sflag:s0] =	ssyncset.done @!p0 $0x0  }
0x3a: {  	[sflag:s0] =	ssyncadd.s32 @!p0 s1  }
0x3b: {  	[bflag:$0x3] =	sbarrier.arrive $0xFFFF  }
0x3c: {  	_ =	shalt  }

// kernel: kernel.15.cloned.1.call-start
scs
__scs_entry_jumppad:
0x0: {  	(pc) =	sbr.rel $0x88, $3  }
0x1: {  	(tag) =	ssettag $0x0;
	lr =	simm.s32 $0x1  }
0x2: {  	[smem:$0x3F4A] =	sst lr;
	_ =	strace $0xD0000000  }
0x3: {  	_ = 	snop  }
0x4: {  	_ = 	snop  }
0x5: {  	_ = 	snop  }
0x6: {  	_ = 	snop  }
0x7: {  	_ = 	snop  }
__scs_overlays_trampoline_lowered:
0x8: {  	[smem:$0x3F59] =	sst s0  }
0x9: {  	[smem:$0x3F5A] =	sst s1  }
0xa: {  	[smem:$0x3F5B] =	sst s2  }
0xb: {  	[smem:$0x3F5C] =	sst s3  }
0xc: {  	[smem:$0x3F5D] =	sst s4  }
0xd: {  	[smem:$0x3F5E] =	sst s5  }
0xe: {  	[smem:$0x3F5F] =	sst s6  }
0xf: {  	[smem:$0x3F60] =	sst s7  }
0x10: {  	[smem:$0x3F61] =	sst s8  }
0x11: {  	[smem:$0x3F62] =	sst s9;
	s0 =	simm.s32 @!p0 $0x0  }
0x12: {  	s1 =	sld [smem:$0x3F48];
	s0 =	simm.s32 @p0 $0x1  }
0x13: {  	[smem:$0x3F63] =	sst s0;
	s0 =	simm.s32 @!p1 $0x0  }
0x14: {  	s2 =	sld [smem:$0x3F47];
	s0 =	simm.s32 @p1 $0x1  }
0x15: {  	[smem:$0x3F64] =	sst s0;
	s0 =	simm.s32 @!p2 $0x0  }
0x16: {  	s3 =	sld [smem:$0x3FDB];
	s0 =	simm.s32 @p2 $0x1  }
0x17: {  	s4 =	simm.s32 $0x1BF5;
	[smem:$0x3F66] =	sst s0  }
0x18: {  	s0 =	sld [smem:$0x3F49];
	_ =	swait.ge [sflag:s4], $0x0  }
0x19: {  	s7 =	sld [smem:$0x3F4A]  }
0x1a: {  	s8 =	sadd.s32 $0xFFFFE003, lr  }
0x1b: {  	s9 =	sadd.s32 $0xFFFFFEF7, lr;
	s5 =	simm.s32 $0xFFFFFFFF;
	p2 =	slt.u32 s8, $0xFFFFF086  }
0x1c: {  	p1 =	slt.u32 s9, $0xF7A;
	s5 =	simm.s32 @!p2 $0x0  }
0x1d: {  	s5 =	simm.s32 @p1 $0x1;
	p0 =	seq.s32 s7, s2  }
0x1e: {  	s7 =	smul.u32 @!p0 $0xF7A, s2;
	p2 =	seq.s32 @!p0 s5, $0x0  }
0x1f: {  	s9 =	smul.u32 $0xF7A, s1;
	s8 =	simm.s32 @!p0 $0x1BF5;
	p2 =	por !p2, p0  }
0x20: {  	[sflag:s8] =	ssyncset.s32 @!p0 $0xFFFFF086;
	s6 =	sadd.s32 @!p0 s3, s7;
	s7 =	simm.s32 @!p0 $0x108  }
0x21: {  	s3 =	sadd.s32 s3, s9;
	s6 =	sadd.s32 @!p0 $0x88, s6;
	s7 =	simm.s32 @p2 $0x1082  }
0x22: {  	[simem:s7], [sflag:s8] =	dma.local @!p0 [hbm:s6], $0xF7A  }
0x23: {  	s9 =	sor.u32 $0xD0000000, s2;
	s6 =	simm.s32 $0x108;
	_ =	swait.ge @!p0 [sflag:s8], $0x0  }
0x24: {  	s3 =	sadd.s32 $0x88, s3;
	s6 =	simm.s32 @!p1 $0x1082;
	[sflag:s4] =	ssyncset.s32 $0xFFFFF086  }
0x25: {  	[simem:s6], [sflag:s4] =	dma.local [hbm:s3], $0xF7A  }
0x26: {  	[smem:$0x3F4A] =	sst s1;
	(tag) =	ssettag s2;
	_ =	strace s9  }
0x27: {  	s1 =	sld [smem:$0x3F5A]  }
0x28: {  	s2 =	sld [smem:$0x3F5B]  }
0x29: {  	s4 =	sld [smem:$0x3F5D]  }
0x2a: {  	p0 =	seq.s32 s5, $0x0;
	s5 =	sld [smem:$0x3F5E]  }
0x2b: {  	s6 =	sld [smem:$0x3F5F]  }
0x2c: {  	s7 =	sld [smem:$0x3F60]  }
0x2d: {  	s3 =	simm.s32 $0x108;
	s8 =	sld [smem:$0x3F61]  }
0x2e: {  	s3 =	simm.s32 @!p0 $0x1082;
	s9 =	sld [smem:$0x3F62]  }
0x2f: {  	lr =	sadd.s32 s0, s3;
	s0 =	sld [smem:$0x3F59]  }
0x30: {  	s3 =	sld [smem:$0x3F5C]  }
0x31: {  	[smem:$0x3F65] =	sst s10  }
0x32: {  	s10 =	sld [smem:$0x3F63];
	_ =	sdelay $0x3  }
0x33: {  	p0 =	seq.s32 s10, $0x1;
	s10 =	sld [smem:$0x3F65];
	_ =	sdelay $0x3  }
0x34: {  	[smem:$0x3F65] =	sst s10  }
0x35: {  	s10 =	sld [smem:$0x3F64];
	_ =	sdelay $0x3  }
0x36: {  	p1 =	seq.s32 s10, $0x1;
	s10 =	sld [smem:$0x3F65];
	_ =	sdelay $0x3  }
0x37: {  	[smem:$0x3F65] =	sst s10  }
0x38: {  	s10 =	sld [smem:$0x3F66]  }
0x39: {  	_ = 	snop;
	(pc) =	sbr.ind lr, $3  }
0x3a: {  	_ = 	snop  }
0x3b: {  	_ = 	snop  }
0x3c: {  	p2 =	seq.s32 s10, $0x1;
	s10 =	sld [smem:$0x3F65]  }
0x3d: {  	_ =	shalt  }
0x3e: {  	_ =	shalt  }
0x3f: {  	_ =	shalt  }
0x40: {  	_ =	shalt  }
0x41: {  	_ =	shalt  }
0x42: {  	_ =	shalt  }
0x43: {  	_ =	shalt  }
0x44: {  	_ =	shalt  }
0x45: {  	_ =	shalt  }
0x46: {  	_ =	shalt  }
0x47: {  	_ =	shalt  }
0x48: {  	_ =	shalt  }
0x49: {  	_ =	shalt  }
0x4a: {  	_ =	shalt  }
0x4b: {  	_ =	shalt  }
0x4c: {  	_ =	shalt  }
0x4d: {  	_ =	shalt  }
0x4e: {  	_ =	shalt  }
0x4f: {  	_ =	shalt  }
0x50: {  	_ =	shalt  }
0x51: {  	_ =	shalt  }
0x52: {  	_ =	shalt  }
0x53: {  	_ =	shalt  }
0x54: {  	_ =	shalt  }
0x55: {  	_ =	shalt  }
0x56: {  	_ =	shalt  }
0x57: {  	_ =	shalt  }
0x58: {  	_ =	shalt  }
0x59: {  	_ =	shalt  }
0x5a: {  	_ =	shalt  }
0x5b: {  	_ =	shalt  }
0x5c: {  	_ =	shalt  }
0x5d: {  	_ =	shalt  }
0x5e: {  	_ =	shalt  }
0x5f: {  	_ =	shalt  }
0x60: {  	_ =	shalt  }
0x61: {  	_ =	shalt  }
0x62: {  	_ =	shalt  }
0x63: {  	_ =	shalt  }
0x64: {  	_ =	shalt  }
0x65: {  	_ =	shalt  }
0x66: {  	_ =	shalt  }
0x67: {  	_ =	shalt  }
0x68: {  	_ =	shalt  }
0x69: {  	_ =	shalt  }
0x6a: {  	_ =	shalt  }
0x6b: {  	_ =	shalt  }
0x6c: {  	_ =	shalt  }
0x6d: {  	_ =	shalt  }
0x6e: {  	_ =	shalt  }
0x6f: {  	_ =	shalt  }
0x70: {  	_ =	shalt  }
0x71: {  	_ =	shalt  }
0x72: {  	_ =	shalt  }
0x73: {  	_ =	shalt  }
0x74: {  	_ =	shalt  }
0x75: {  	_ =	shalt  }
0x76: {  	_ =	shalt  }
0x77: {  	_ =	shalt  }
0x78: {  	_ =	shalt  }
0x79: {  	_ =	shalt  }
0x7a: {  	_ =	shalt  }
0x7b: {  	_ =	shalt  }
0x7c: {  	_ =	shalt  }
0x7d: {  	_ =	shalt  }
0x7e: {  	_ =	shalt  }
0x7f: {  	_ =	shalt  }
0x80: {  	_ =	shalt  }
0x81: {  	_ =	shalt  }
0x82: {  	_ =	shalt  }
0x83: {  	_ =	shalt  }
0x84: {  	_ =	shalt  }
0x85: {  	_ =	shalt  }
0x86: {  	_ =	shalt  }
0x87: {  	_ =	shalt  }
.Lfunc_end0:
.L_simem_size_0:
called_computation.1_lowered:
.L_overlay_start_0:
0x88: {  	s2 =	sld [smem:$0x3FD9]  }
0x89: {  	s3 =	sld [smem:$0x3FFE];
	_ =	sdelay $0x1  }
0x8a: {  	s1 =	srdreg.scid  }
0x8b: {  	s0 =	sand.u32 $0x1, s1  }
0x8c: {  	s16 =	sshll.u32 s0, $0xA;
	s2 =	sadd.s32 s3, s2  }
0x8d: {  	s2 =	sadd.s32 s2, s16  }
0x8e: {  	[smem:$0x3F71] =	sst s2  }
0x8f: {  	_ = 	snop  }
0x90: {  	(tm) =	ssettm $0x1  }
0x91: {  	s17 =	sld [smem:$0x3FFB];
	_ =	sdelay $0x3  }
0x92: {  	_ =	strace s17  }
0x93: {  	s2 =	sld [smem:$0x3FFC];
	_ =	sdelay $0x3  }
0x94: {  	_ =	strace s2  }
0x95: {  	s2 =	sld [smem:$0x3FFD];
	_ =	sdelay $0x3  }
0x96: {  	_ =	strace s2  }
0x97: {  	_ =	strace $0x8FFFFFFF  }
0x98: {  	s18 =	sld [smem:$0x3FDB];
	_ =	sdelay $0x1  }
0x99: {  	s19 =	simm.s32 $_scs_section_size  }
0x9a: {  	s4 =	simm.s32 $_size__tile_overlayer_lowered;
	s5 =	simm.s32 $_tile_overlayer_lowered  }
0x9b: {  	s22 =	simm.s32 $0x1BFF;
	s21 =	sshll.u32 s5, $0x1;
	s2 =	sadd.s32 s19, s18  }
0x9c: {  	s6 =	simm.s32 $0x0;
	s20 =	sshll.u32 s4, $0x1;
	s4 =	sadd.s32 s21, s2  }
0x9d: {  	[timem:s6], [sflag:s22] =	dma.local [hbm:s4], s20  }
0x9e: {  	_ =	swait.ge [sflag:s22], s20  }
0x9f: {  	s3 =	ssub.s32 $0x0, s20;
	[sflag:s22] =	ssyncset.done $0x0  }
0xa0: {  	[sflag:s22] =	ssyncadd.s32 s3;
	_ =	sdelay $0x1  }
0xa1: {  	s23 =	simm.s32 $0x1B8B  }
0xa2: {  	_ =	swait.ge [sflag:s23], $0x1  }
0xa3: {  	[sflag:s23] =	ssyncset.done $0x0  }
0xa4: {  	s25 =	simm.s32 $0x1B8E;
	s24 =	sld [smem:$0x3FFE];
	[sflag:s23] =	ssyncadd.s32 $0xFFFFFFFF  }
0xa5: {  	s26 =	simm.s32 $execute0_lowered;
	[smem:$0x3FD2] =	sst s25  }
0xa6: {  	s4 =	sshll.u32 s26, $0x1;
	_ =	strace $0x80000049;
	[dreg:$0x1] =	wrdreg $0xFFFFFFFF  }
0xa7: {  	s28 =	simm.s32 $_size_execute0_lowered;
	s2 =	sadd.s32 s2, s4;
	[dreg:$0x0] =	wrdreg $0x0  }
0xa8: {  	s4 =	sshll.u32 s28, $0x1;
	[dreg:$0x2] =	wrdreg s2  }
0xa9: {  	[dreg:$0x3] =	wrdreg s4  }
0xaa: {  	[dreg:$0x4] =	wrdreg $0xC0  }
0xab: {  	_ =	task [dreg:s6], $0x5FFFF  }
0xac: {  	[dreg:$0x1] =	wrdreg $0xFFFFFFFF  }
0xad: {  	[dreg:$0x0] =	wrdreg $0x60  }
0xae: {  	[dreg:$0x2] =	wrdreg s24  }
0xaf: {  	[dreg:$0x3] =	wrdreg $0x160000  }
0xb0: {  	[dreg:$0x4] =	wrdreg $0x9  }
0xb1: {  	_ =	task.clear_ibuf [dreg:s6], $0x5FFFF;
	_ =	strace $0x90000049  }
0xb2: {  	s29 =	simm.s32 $0x9;
	_ =	strace $0x8000004B  }
0xb3: {  	_ =	swait.ge [sflag:s29], $0x1  }
0xb4: {  	[sflag:s29] =	ssyncadd.s32 $0xFFFFFFFF  }
0xb5: {  	_ =	strace $0x9000004B  }
0xb6: {  	_ =	sfence  }
0xb7: {  	s30 =	sld [smem:$0x0];
	_ =	sdelay $0x2  }
0xb8: {  	s31 =	sshll.u32 s1, $0xD;
	s1 =	sshrl.u32 s1, $0x2  }
0xb9: {  	s3 =	sand.u32 $0x4000, s31;
	s1 =	sadd.s32 s1, s30  }
0xba: {  	s0 =	sor.u32 s3, s0;
	s1 =	sshll.u32 s1, $0x11  }
0xbb: {  	s0 =	sor.u32 s1, s0  }
0xbc: {  	s0 =	sadd.s32 $0x8F2B, s0  }
0xbd: {  	[sflag:s0] =	ssyncadd.remote.s32 $0x1  }
0xbe: {  	_ =	sfence.sel $0xFFFF  }
0xbf: {  	[dreg:$0x0] =	wrdreg $0xFFFFFFFF;
	(pc) =	sbr.abs _section_cstart, $3  }
0xc0: {  	[dreg:$0x1] =	wrdreg $0xFFFFFFFF  }
0xc1: {  	_ =	task.clear_ibuf [dreg:s6], $0x2FFFF;
	_ =	strace $0x9FFFFFFF  }
0xc2: {  	(tm) =	ssettm $0x7FFFFFFF  }
0xc3: {  	_ =	shalt  }
tec
execute0_lowered:
.L_overlay_start_1:
0x0: {  	(tag) =	ssettag $0x1  }
0x1: {  	s0 =	rddreg [dreg:$0x0]  }
0x2: {  	s2 =	rddreg [dreg:$0x1]  }
0x3: {  	s15 =	stileid.u32;
	s1 =	srdreg.scid;
	s3 =	simm.s32 $0x0  }
0x4: {  	s17 =	simm.s32 $0x7D;
	s18 =	simm.s32 $0xA000;
	s28 =	simm.s32 $0x4F80  }
0x5: {  	s29 =	simm.s32 $0x9E80;
	s30 =	simm.s32 $0x9F00;
	s5 =	smul.u32 $0x5000, s15  }
0x6: {  	s31 =	simm.s32 $0x9F80;
	s1 =	sand.u32 $0x1, s1;
	s20 =	smul.u32 $0x1380, s15  }
0x7: {  	[smem:$0x7FF] =	sst s3;
	s4 =	sadd.s32 $0x67000, s0;
	s9 =	smul.u32 $0x27000, s15  }
0x8: {  	s11 =	sadd.s32 $0xDC600, s0;
	s22 =	smul.u32 $0x9C00, s15;
	s14 =	sadd.s32 $0x92400, s2  }
0x9: {  	p0 =	seq.s32 s15, $0xF;
	s6 =	smul.u32 $0x50000, s1;
	_ =	strace $0x8000004A  }
0xa: {  	s21 =	ssub.s32 $0x2, s1;
	s1 =	smul.u32 $0x9C400, s1;
	s14 =	sshrl.u32 @p0 s14, $0x3  }
0xb: {  	s7 =	sshrl.u32 s5, $0x3;
	s10 =	sshrl.u32 s21, $0x1;
	s23 =	sshrl.u32 s9, $0x2  }
0xc: {  	s5 =	sadd.s32 s5, s6;
	s19 =	sadd.s32 s7, s0;
	s7 =	sadd.s32 s20, s0  }
0xd: {  	s12 =	ssub.s32 s21, s10;
	s13 =	sadd.s32 s23, s2;
	s24 =	sadd.s32 s22, s1  }
0xe: {  	s1 =	sshrl.u32 s1, $0x3;
	s20 =	simm.s32 $0xE000;
	s21 =	simm.s32 $0x100  }
0xf: {  	s22 =	simm.s32 $0x12000;
	s23 =	simm.s32 $0x1;
	s5 =	sshrl.u32 s5, $0x3  }
0x10: {  	s7 =	sadd.s32 $0x8800, s7;
	s25 =	sshrl.u32 s24, $0x3;
	s26 =	sadd.s32 s11, s1  }
0x11: {  	s16 =	sshrl.u32 @!p0 s13, $0x3;
	s24 =	simm.s32 $0x2;
	s8 =	sadd.s32 s5, s0  }
0x12: {  	s5 =	sadd.s32 $0x21E00, s19;
	s9 =	sadd.s32 s11, s25;
	s10 =	sadd.s32 $0x12480, s26  }
0x13: {  	s11 =	smax.u32 s12, $0x1;
	s12 =	simm.s32 $0x4;
	s25 =	simm.s32 $0x3  }
0x14: {  	s6 =	sadd.s32 $0x2BE00, s8;
	s8 =	sadd.s32 $0x1AC80, s0;
	s0 =	sshll.u32 @!p0 s15, $0x6  }
0x15: {  	s26 =	simm.s32 $0x9E00;
	s15 =	sor.u32 @!p0 $0x1C04, s0;
	s0 =	simm.s32 $0x0  }
.LBB2_1:
0x16: {  	[tilespmem:s3], [sflag:$0x4] =	stream.linear.gather [hbm4b:s5+s3], $0x5000, $0x38;
	[tilespmem:$0x1FDC0] =	vst v63  }
0x17: {  	_ =	swait.ge [sflag:s12], $0x5000  }
0x18: {  	[sflag:s12] =	ssyncset.done $0x0  }
0x19: {  	s1 =	simm.s32 $0x5000;
	[sflag:s12] =	ssyncadd.s32 $0xFFFFB000  }
0x1a: {  	[tilespmem:s1], [sflag:$0x4] =	stream.linear.gather [hbm4b:s6+s3], $0x5000, $0x38;
	[tilespmem:$0x1FDC0] =	vst v63  }
0x1b: {  	_ =	swait.ge [sflag:s12], $0x5000  }
0x1c: {  	[sflag:s12] =	ssyncset.done $0x0  }
0x1d: {  	s1 =	simm.s32 @p0 $0x1FC4;
	[sflag:s12] =	ssyncadd.s32 $0xFFFFB000  }
0x1e: {  	[spmem:s14], [sflag:s1] =	dma.local @p0 [hbm:s8], $0x1700  }
0x1f: {  	s1 =	simm.s32 @p0 $0x4  }
0x20: {  	_ =	swait.ge @p0 [sflag:s1], $0x1700  }
0x21: {  	[sflag:s1] =	ssyncset.done @p0 $0x0  }
0x22: {  	[sflag:s1] =	ssyncadd.s32 @p0 $0xFFFFE900;
	s1 =	simm.s32 @!p0 $0x4  }
0x23: {  	[spmem:s16], [sflag:s15] =	dma.local @!p0 [hbm:s7], $0x1380  }
0x24: {  	_ =	swait.ge @!p0 [sflag:s1], $0x1380  }
0x25: {  	[sflag:s1] =	ssyncset.done @!p0 $0x0  }
0x26: {  	[sflag:s1] =	ssyncadd.s32 @!p0 $0xFFFFEC80  }
0x27: {  	[bflag:$0x0] =	sbarrier.arrive $0xFFFF  }
0x28: {  	[tilespmem:s18], [sflag:$0x1] =	stream.indirect.gather [hbm4b:s4+s17], $0x80, s3, s17, $0xb8;
	[tilespmem:$0x1FDC0] =	vst v63  }
0x29: {  	s13 =	simm.s32 $0x80  }
0x2a: {  	[tilespmem:s20], [sflag:$0x2] =	stream.indirect.gather [hbm4b:s4+s17], $0x80, s13, s17, $0xb8;
	[tilespmem:$0x1FDC0] =	vst v63  }
0x2b: {  	_ = 	snop  }
0x2c: {  	[tilespmem:s22], [sflag:$0x3] =	stream.indirect.gather [hbm4b:s4+s17], $0x80, s21, s17, $0xb8;
	[tilespmem:$0x1FDC0] =	vst v63  }
0x2d: {  	_ =	swait.ge [sflag:s23], $0x3E80  }
0x2e: {  	[sflag:s23] =	ssyncset.done $0x0  }
0x2f: {  	s19 =	simm.s32 $0x5000;
	[sflag:s23] =	ssyncadd.s32 $0xFFFFC180  }
0x30: {  	[spmem:s2] =	stream.indirect.scatter.add.f32 [tilespmem:s18], [sflag:$0x4], $0x80, s19, s17, $0xb8;
	[tilespmem:$0x1FDC0] =	vst v63  }
0x31: {  	_ =	swait.ge [sflag:s12], $0x3E80  }
0x32: {  	[sflag:s12] =	ssyncset.done $0x0  }
0x33: {  	s13 =	simm.s32 $0x180;
	[sflag:s12] =	ssyncadd.s32 $0xFFFFC180  }
0x34: {  	[tilespmem:s18], [sflag:$0x1] =	stream.indirect.gather [hbm4b:s4+s17], $0x80, s13, s17, $0xb8;
	[tilespmem:$0x1FDC0] =	vst v63  }
0x35: {  	_ =	swait.ge [sflag:s24], $0x3E80  }
0x36: {  	[sflag:s24] =	ssyncset.done $0x0  }
0x37: {  	s19 =	simm.s32 $0x5080;
	[sflag:s24] =	ssyncadd.s32 $0xFFFFC180  }
0x38: {  	[spmem:s2] =	stream.indirect.scatter.add.f32 [tilespmem:s20], [sflag:$0x4], $0x80, s19, s17, $0xb8;
	[tilespmem:$0x1FDC0] =	vst v63  }
0x39: {  	_ =	swait.ge [sflag:s12], $0x3E80  }
0x3a: {  	[sflag:s12] =	ssyncset.done $0x0  }
0x3b: {  	s13 =	simm.s32 $0x200;
	[sflag:s12] =	ssyncadd.s32 $0xFFFFC180  }
0x3c: {  	[tilespmem:s20], [sflag:$0x2] =	stream.indirect.gather [hbm4b:s4+s17], $0x80, s13, s17, $0xb8;
	[tilespmem:$0x1FDC0] =	vst v63  }
0x3d: {  	_ =	swait.ge [sflag:s25], $0x3E80  }
0x3e: {  	[sflag:s25] =	ssyncset.done $0x0  }
0x3f: {  	s19 =	simm.s32 $0x5100;
	[sflag:s25] =	ssyncadd.s32 $0xFFFFC180  }
0x40: {  	[spmem:s2] =	stream.indirect.scatter.add.f32 [tilespmem:s22], [sflag:$0x4], $0x80, s19, s17, $0xb8;
	[tilespmem:$0x1FDC0] =	vst v63  }
0x41: {  	_ =	swait.ge [sflag:s12], $0x3E80  }
0x42: {  	[sflag:s12] =	ssyncset.done $0x0  }
0x43: {  	s1 =	simm.s32 $0x600;
	s13 =	simm.s32 $0x280;
	[sflag:s12] =	ssyncadd.s32 $0xFFFFC180  }
.LBB2_2:
0x44: {  	[tilespmem:s22], [sflag:$0x3] =	stream.indirect.gather [hbm4b:s4+s17], $0x80, s13, s17, $0xb8;
	[tilespmem:$0x1FDC0] =	vst v63  }
0x45: {  	s13 =	smov.u32 s1  }
0x46: {  	p1 =	sne.s32 s1, $0x13200;
	s1 =	sadd.s32 $0x600, s1;
	_ =	swait.ge [sflag:s23], $0x3E80  }
0x47: {  	s13 =	sshra.s32 s13, $0x2;
	[sflag:s23] =	ssyncset.done $0x0  }
0x48: {  	s19 =	sadd.s32 $0x5000, s13;
	[sflag:s23] =	ssyncadd.s32 $0xFFFFC180  }
0x49: {  	[spmem:s2] =	stream.indirect.scatter.add.f32 [tilespmem:s18], [sflag:$0x4], $0x80, s19, s17, $0xb8;
	[tilespmem:$0x1FDC0] =	vst v63  }
0x4a: {  	_ =	swait.ge [sflag:s12], $0x3E80  }
0x4b: {  	[sflag:s12] =	ssyncset.done $0x0  }
0x4c: {  	s19 =	sadd.s32 $0x180, s13;
	[sflag:s12] =	ssyncadd.s32 $0xFFFFC180  }
0x4d: {  	[tilespmem:s18], [sflag:$0x1] =	stream.indirect.gather [hbm4b:s4+s17], $0x80, s19, s17, $0xb8;
	[tilespmem:$0x1FDC0] =	vst v63  }
0x4e: {  	_ =	swait.ge [sflag:s24], $0x3E80  }
0x4f: {  	[sflag:s24] =	ssyncset.done $0x0  }
0x50: {  	s19 =	sadd.s32 $0x5080, s13;
	[sflag:s24] =	ssyncadd.s32 $0xFFFFC180  }
0x51: {  	[spmem:s2] =	stream.indirect.scatter.add.f32 [tilespmem:s20], [sflag:$0x4], $0x80, s19, s17, $0xb8;
	[tilespmem:$0x1FDC0] =	vst v63  }
0x52: {  	_ =	swait.ge [sflag:s12], $0x3E80  }
0x53: {  	[sflag:s12] =	ssyncset.done $0x0  }
0x54: {  	s19 =	sadd.s32 $0x200, s13;
	[sflag:s12] =	ssyncadd.s32 $0xFFFFC180  }
0x55: {  	[tilespmem:s20], [sflag:$0x2] =	stream.indirect.gather [hbm4b:s4+s17], $0x80, s19, s17, $0xb8;
	[tilespmem:$0x1FDC0] =	vst v63  }
0x56: {  	_ =	swait.ge [sflag:s25], $0x3E80  }
0x57: {  	[sflag:s25] =	ssyncset.done $0x0  }
.Ltmp0:
0x58: {  	s19 =	sadd.s32 $0x5100, s13;
	[sflag:s25] =	ssyncadd.s32 $0xFFFFC180;
	(pc) =	sbr.rel @p1 .LBB2_2-.Ltmp0, $4  }
0x59: {  	[spmem:s2] =	stream.indirect.scatter.add.f32 [tilespmem:s22], [sflag:$0x4], $0x80, s19, s17, $0xb8;
	[tilespmem:$0x1FDC0] =	vst v63  }
0x5a: {  	_ =	swait.ge [sflag:s12], $0x3E80  }
0x5b: {  	[sflag:s12] =	ssyncset.done $0x0  }
0x5c: {  	s13 =	sadd.s32 $0x280, s13;
	[sflag:s12] =	ssyncadd.s32 $0xFFFFC180  }
0x5d: {  	[tilespmem:s22], [sflag:$0x3] =	stream.indirect.gather [hbm4b:s4+s17], $0x80, s13, s17, $0xb8;
	[tilespmem:$0x1FDC0] =	vst v63  }
0x5e: {  	_ =	swait.ge [sflag:s23], $0x3E80  }
0x5f: {  	[sflag:s23] =	ssyncset.done $0x0  }
0x60: {  	[sflag:s23] =	ssyncadd.s32 $0xFFFFC180  }
0x61: {  	[spmem:s2] =	stream.indirect.scatter.add.f32 [tilespmem:s18], [sflag:$0x4], $0x80, s26, s17, $0xb8;
	[tilespmem:$0x1FDC0] =	vst v63  }
0x62: {  	_ =	swait.ge [sflag:s12], $0x3E80  }
0x63: {  	[sflag:s12] =	ssyncset.done $0x0  }
0x64: {  	[sflag:s12] =	ssyncadd.s32 $0xFFFFC180  }
0x65: {  	[tilespmem:s18], [sflag:$0x1] =	stream.indirect.gather [hbm4b:s4+s17], $0x80, s28, s17, $0xb8;
	[tilespmem:$0x1FDC0] =	vst v63  }
0x66: {  	_ =	swait.ge [sflag:s24], $0x3E80  }
0x67: {  	[sflag:s24] =	ssyncset.done $0x0  }
0x68: {  	[sflag:s24] =	ssyncadd.s32 $0xFFFFC180  }
0x69: {  	[spmem:s2] =	stream.indirect.scatter.add.f32 [tilespmem:s20], [sflag:$0x4], $0x80, s29, s17, $0xb8;
	[tilespmem:$0x1FDC0] =	vst v63  }
0x6a: {  	_ =	swait.ge [sflag:s12], $0x3E80  }
0x6b: {  	[sflag:s12] =	ssyncset.done $0x0  }
0x6c: {  	[sflag:s12] =	ssyncadd.s32 $0xFFFFC180  }
0x6d: {  	_ =	swait.ge [sflag:s25], $0x3E80  }
0x6e: {  	[sflag:s25] =	ssyncset.done $0x0  }
0x6f: {  	[sflag:s25] =	ssyncadd.s32 $0xFFFFC180  }
0x70: {  	[spmem:s2] =	stream.indirect.scatter.add.f32 [tilespmem:s22], [sflag:$0x4], $0x80, s30, s17, $0xb8;
	[tilespmem:$0x1FDC0] =	vst v63  }
0x71: {  	_ =	swait.ge [sflag:s12], $0x3E80  }
0x72: {  	[sflag:s12] =	ssyncset.done $0x0  }
0x73: {  	[sflag:s12] =	ssyncadd.s32 $0xFFFFC180  }
0x74: {  	_ =	swait.ge [sflag:s23], $0x3E80  }
0x75: {  	[sflag:s23] =	ssyncset.done $0x0  }
0x76: {  	[sflag:s23] =	ssyncadd.s32 $0xFFFFC180  }
0x77: {  	[spmem:s2] =	stream.indirect.scatter.add.f32 [tilespmem:s18], [sflag:$0x4], $0x80, s31, s17, $0xb8;
	[tilespmem:$0x1FDC0] =	vst v63  }
0x78: {  	_ =	swait.ge [sflag:s12], $0x3E80  }
0x79: {  	[sflag:s12] =	ssyncset.done $0x0  }
0x7a: {  	[sflag:s12] =	ssyncadd.s32 $0xFFFFC180  }
0x7b: {  	s1 =	simm.s32 @p0 $0x1FC4;
	[bflag:$0x0] =	sbarrier.arrive $0xFFFF  }
0x7c: {  	[hbm:s10], [sflag:s1] =	dma.local @p0 [spmem:s14], $0x1400  }
0x7d: {  	s1 =	simm.s32 @p0 $0x4  }
0x7e: {  	s0 =	sadd.s32 $0x1, s0;
	_ =	swait.ge @p0 [sflag:s1], $0x1400  }
0x7f: {  	p1 =	sne.s32 s0, s11;
	[sflag:s1] =	ssyncset.done @p0 $0x0  }
.Ltmp1:
0x80: {  	[sflag:s1] =	ssyncadd.s32 @p0 $0xFFFFEC00;
	s1 =	simm.s32 @!p0 $0x4;
	(pc) =	sbr.rel @p1 .LBB2_1-.Ltmp1, $4  }
0x81: {  	[hbm:s9], [sflag:s15] =	dma.local @!p0 [spmem:s16], $0x1380  }
0x82: {  	_ =	swait.ge @!p0 [sflag:s1], $0x1380  }
0x83: {  	[sflag:s1] =	ssyncset.done @!p0 $0x0  }
0x84: {  	[sflag:s1] =	ssyncadd.s32 @!p0 $0xFFFFEC80  }
0x85: {  	_ =	sfence.sel $0x180000  }
0x86: {  	[bflag:$0x0] =	sbarrier.arrive $0xFFFF  }
0x87: {  	_ =	strace $0x9000004A  }
0x88: {  	s0 =	stileid.u32;
	[bflag:$0x2] =	sbarrier.arrive $0xFFFF  }
0x89: {  	p0 =	sne.s32 s0, $0x0;
	s0 =	rddreg [dreg:$0x2]  }
0x8a: {  	s0 =	sadd.s32 @!p0 $0x100000, s0  }
0x8b: {  	[sflag:s0] =	ssyncadd.tile.s32 @!p0 $0x1;
	_ =	shalt  }
.Lfunc_end2:
_tile_overlayer_lowered:
.L_overlay_start_2:
0x8c: {  	(tag) =	ssettag $0x2  }
0x8d: {  	s0 =	rddreg [dreg:$0x0];
	s2 =	stileid.u32  }
0x8e: {  	s1 =	rddreg [dreg:$0x1];
	p0 =	sne.s32 s2, $0x0  }
0x8f: {  	s3 =	rddreg [dreg:$0x2];
	[bflag:$0x3] =	sbarrier.arrive $0xFFFF;
	s2 =	simm.s32 @!p0 $0x1C04  }
0x90: {  	[timem:s3], [sflag:s2] =	dma.local @!p0 [hbm:s0], s1  }
0x91: {  	s0 =	simm.s32 @!p0 $0x4  }
0x92: {  	_ =	swait.ge @!p0 [sflag:s0], s1  }
0x93: {  	s1 =	ssub.s32 @!p0 $0x0, s1;
	[sflag:s0] =	ssyncset.done @!p0 $0x0  }
0x94: {  	[sflag:s0] =	ssyncadd.s32 @!p0 s1  }
0x95: {  	[bflag:$0x3] =	sbarrier.arrive $0xFFFF  }
0x96: {  	_ =	shalt  }

// kernel: kernel.18.cloned.1.call-start
scs
__scs_entry_jumppad:
0x0: {  	(pc) =	sbr.rel $0x88, $3  }
0x1: {  	(tag) =	ssettag $0x0;
	lr =	simm.s32 $0x1  }
0x2: {  	[smem:$0x3F4A] =	sst lr;
	_ =	strace $0xD0000000  }
0x3: {  	_ = 	snop  }
0x4: {  	_ = 	snop  }
0x5: {  	_ = 	snop  }
0x6: {  	_ = 	snop  }
0x7: {  	_ = 	snop  }
__scs_overlays_trampoline_lowered:
0x8: {  	[smem:$0x3F59] =	sst s0  }
0x9: {  	[smem:$0x3F5A] =	sst s1  }
0xa: {  	[smem:$0x3F5B] =	sst s2  }
0xb: {  	[smem:$0x3F5C] =	sst s3  }
0xc: {  	[smem:$0x3F5D] =	sst s4  }
0xd: {  	[smem:$0x3F5E] =	sst s5  }
0xe: {  	[smem:$0x3F5F] =	sst s6  }
0xf: {  	[smem:$0x3F60] =	sst s7  }
0x10: {  	[smem:$0x3F61] =	sst s8  }
0x11: {  	[smem:$0x3F62] =	sst s9;
	s0 =	simm.s32 @!p0 $0x0  }
0x12: {  	s1 =	sld [smem:$0x3F48];
	s0 =	simm.s32 @p0 $0x1  }
0x13: {  	[smem:$0x3F63] =	sst s0;
	s0 =	simm.s32 @!p1 $0x0  }
0x14: {  	s2 =	sld [smem:$0x3F47];
	s0 =	simm.s32 @p1 $0x1  }
0x15: {  	[smem:$0x3F64] =	sst s0;
	s0 =	simm.s32 @!p2 $0x0  }
0x16: {  	s3 =	sld [smem:$0x3FDB];
	s0 =	simm.s32 @p2 $0x1  }
0x17: {  	s4 =	simm.s32 $0x1BF5;
	[smem:$0x3F66] =	sst s0  }
0x18: {  	s0 =	sld [smem:$0x3F49];
	_ =	swait.ge [sflag:s4], $0x0  }
0x19: {  	s7 =	sld [smem:$0x3F4A]  }
0x1a: {  	s8 =	sadd.s32 $0xFFFFE003, lr  }
0x1b: {  	s9 =	sadd.s32 $0xFFFFFEF7, lr;
	s5 =	simm.s32 $0xFFFFFFFF;
	p2 =	slt.u32 s8, $0xFFFFF086  }
0x1c: {  	p1 =	slt.u32 s9, $0xF7A;
	s5 =	simm.s32 @!p2 $0x0  }
0x1d: {  	s5 =	simm.s32 @p1 $0x1;
	p0 =	seq.s32 s7, s2  }
0x1e: {  	s7 =	smul.u32 @!p0 $0xF7A, s2;
	p2 =	seq.s32 @!p0 s5, $0x0  }
0x1f: {  	s9 =	smul.u32 $0xF7A, s1;
	s8 =	simm.s32 @!p0 $0x1BF5;
	p2 =	por !p2, p0  }
0x20: {  	[sflag:s8] =	ssyncset.s32 @!p0 $0xFFFFF086;
	s6 =	sadd.s32 @!p0 s3, s7;
	s7 =	simm.s32 @!p0 $0x108  }
0x21: {  	s3 =	sadd.s32 s3, s9;
	s6 =	sadd.s32 @!p0 $0x88, s6;
	s7 =	simm.s32 @p2 $0x1082  }
0x22: {  	[simem:s7], [sflag:s8] =	dma.local @!p0 [hbm:s6], $0xF7A  }
0x23: {  	s9 =	sor.u32 $0xD0000000, s2;
	s6 =	simm.s32 $0x108;
	_ =	swait.ge @!p0 [sflag:s8], $0x0  }
0x24: {  	s3 =	sadd.s32 $0x88, s3;
	s6 =	simm.s32 @!p1 $0x1082;
	[sflag:s4] =	ssyncset.s32 $0xFFFFF086  }
0x25: {  	[simem:s6], [sflag:s4] =	dma.local [hbm:s3], $0xF7A  }
0x26: {  	[smem:$0x3F4A] =	sst s1;
	(tag) =	ssettag s2;
	_ =	strace s9  }
0x27: {  	s1 =	sld [smem:$0x3F5A]  }
0x28: {  	s2 =	sld [smem:$0x3F5B]  }
0x29: {  	s4 =	sld [smem:$0x3F5D]  }
0x2a: {  	p0 =	seq.s32 s5, $0x0;
	s5 =	sld [smem:$0x3F5E]  }
0x2b: {  	s6 =	sld [smem:$0x3F5F]  }
0x2c: {  	s7 =	sld [smem:$0x3F60]  }
0x2d: {  	s3 =	simm.s32 $0x108;
	s8 =	sld [smem:$0x3F61]  }
0x2e: {  	s3 =	simm.s32 @!p0 $0x1082;
	s9 =	sld [smem:$0x3F62]  }
0x2f: {  	lr =	sadd.s32 s0, s3;
	s0 =	sld [smem:$0x3F59]  }
0x30: {  	s3 =	sld [smem:$0x3F5C]  }
0x31: {  	[smem:$0x3F65] =	sst s10  }
0x32: {  	s10 =	sld [smem:$0x3F63];
	_ =	sdelay $0x3  }
0x33: {  	p0 =	seq.s32 s10, $0x1;
	s10 =	sld [smem:$0x3F65];
	_ =	sdelay $0x3  }
0x34: {  	[smem:$0x3F65] =	sst s10  }
0x35: {  	s10 =	sld [smem:$0x3F64];
	_ =	sdelay $0x3  }
0x36: {  	p1 =	seq.s32 s10, $0x1;
	s10 =	sld [smem:$0x3F65];
	_ =	sdelay $0x3  }
0x37: {  	[smem:$0x3F65] =	sst s10  }
0x38: {  	s10 =	sld [smem:$0x3F66]  }
0x39: {  	_ = 	snop;
	(pc) =	sbr.ind lr, $3  }
0x3a: {  	_ = 	snop  }
0x3b: {  	_ = 	snop  }
0x3c: {  	p2 =	seq.s32 s10, $0x1;
	s10 =	sld [smem:$0x3F65]  }
0x3d: {  	_ =	shalt  }
0x3e: {  	_ =	shalt  }
0x3f: {  	_ =	shalt  }
0x40: {  	_ =	shalt  }
0x41: {  	_ =	shalt  }
0x42: {  	_ =	shalt  }
0x43: {  	_ =	shalt  }
0x44: {  	_ =	shalt  }
0x45: {  	_ =	shalt  }
0x46: {  	_ =	shalt  }
0x47: {  	_ =	shalt  }
0x48: {  	_ =	shalt  }
0x49: {  	_ =	shalt  }
0x4a: {  	_ =	shalt  }
0x4b: {  	_ =	shalt  }
0x4c: {  	_ =	shalt  }
0x4d: {  	_ =	shalt  }
0x4e: {  	_ =	shalt  }
0x4f: {  	_ =	shalt  }
0x50: {  	_ =	shalt  }
0x51: {  	_ =	shalt  }
0x52: {  	_ =	shalt  }
0x53: {  	_ =	shalt  }
0x54: {  	_ =	shalt  }
0x55: {  	_ =	shalt  }
0x56: {  	_ =	shalt  }
0x57: {  	_ =	shalt  }
0x58: {  	_ =	shalt  }
0x59: {  	_ =	shalt  }
0x5a: {  	_ =	shalt  }
0x5b: {  	_ =	shalt  }
0x5c: {  	_ =	shalt  }
0x5d: {  	_ =	shalt  }
0x5e: {  	_ =	shalt  }
0x5f: {  	_ =	shalt  }
0x60: {  	_ =	shalt  }
0x61: {  	_ =	shalt  }
0x62: {  	_ =	shalt  }
0x63: {  	_ =	shalt  }
0x64: {  	_ =	shalt  }
0x65: {  	_ =	shalt  }
0x66: {  	_ =	shalt  }
0x67: {  	_ =	shalt  }
0x68: {  	_ =	shalt  }
0x69: {  	_ =	shalt  }
0x6a: {  	_ =	shalt  }
0x6b: {  	_ =	shalt  }
0x6c: {  	_ =	shalt  }
0x6d: {  	_ =	shalt  }
0x6e: {  	_ =	shalt  }
0x6f: {  	_ =	shalt  }
0x70: {  	_ =	shalt  }
0x71: {  	_ =	shalt  }
0x72: {  	_ =	shalt  }
0x73: {  	_ =	shalt  }
0x74: {  	_ =	shalt  }
0x75: {  	_ =	shalt  }
0x76: {  	_ =	shalt  }
0x77: {  	_ =	shalt  }
0x78: {  	_ =	shalt  }
0x79: {  	_ =	shalt  }
0x7a: {  	_ =	shalt  }
0x7b: {  	_ =	shalt  }
0x7c: {  	_ =	shalt  }
0x7d: {  	_ =	shalt  }
0x7e: {  	_ =	shalt  }
0x7f: {  	_ =	shalt  }
0x80: {  	_ =	shalt  }
0x81: {  	_ =	shalt  }
0x82: {  	_ =	shalt  }
0x83: {  	_ =	shalt  }
0x84: {  	_ =	shalt  }
0x85: {  	_ =	shalt  }
0x86: {  	_ =	shalt  }
0x87: {  	_ =	shalt  }
.Lfunc_end0:
.L_simem_size_0:
called_computation.2_lowered:
.L_overlay_start_0:
0x88: {  	s2 =	sld [smem:$0x3FD9]  }
0x89: {  	s3 =	sld [smem:$0x3FFE];
	_ =	sdelay $0x1  }
0x8a: {  	s1 =	srdreg.scid  }
0x8b: {  	s0 =	sand.u32 $0x1, s1  }
0x8c: {  	s16 =	sshll.u32 s0, $0xA;
	s2 =	sadd.s32 s3, s2  }
0x8d: {  	s2 =	sadd.s32 s2, s16  }
0x8e: {  	[smem:$0x3F71] =	sst s2  }
0x8f: {  	_ = 	snop  }
0x90: {  	(tm) =	ssettm $0x1  }
0x91: {  	s17 =	sld [smem:$0x3FFB];
	_ =	sdelay $0x3  }
0x92: {  	_ =	strace s17  }
0x93: {  	s2 =	sld [smem:$0x3FFC];
	_ =	sdelay $0x3  }
0x94: {  	_ =	strace s2  }
0x95: {  	s2 =	sld [smem:$0x3FFD];
	_ =	sdelay $0x3  }
0x96: {  	_ =	strace s2  }
0x97: {  	_ =	strace $0x8FFFFFFF  }
0x98: {  	s18 =	sld [smem:$0x3FDB];
	_ =	sdelay $0x1  }
0x99: {  	s19 =	simm.s32 $_scs_section_size  }
0x9a: {  	s4 =	simm.s32 $_size__tile_overlayer_lowered;
	s5 =	simm.s32 $_tile_overlayer_lowered  }
0x9b: {  	s22 =	simm.s32 $0x1BFF;
	s21 =	sshll.u32 s5, $0x1;
	s2 =	sadd.s32 s19, s18  }
0x9c: {  	s6 =	simm.s32 $0x0;
	s20 =	sshll.u32 s4, $0x1;
	s4 =	sadd.s32 s21, s2  }
0x9d: {  	[timem:s6], [sflag:s22] =	dma.local [hbm:s4], s20  }
0x9e: {  	_ =	swait.ge [sflag:s22], s20  }
0x9f: {  	s3 =	ssub.s32 $0x0, s20;
	[sflag:s22] =	ssyncset.done $0x0  }
0xa0: {  	[sflag:s22] =	ssyncadd.s32 s3;
	_ =	sdelay $0x1  }
0xa1: {  	s23 =	simm.s32 $0x1B8B  }
0xa2: {  	_ =	swait.ge [sflag:s23], $0x1  }
0xa3: {  	[sflag:s23] =	ssyncset.done $0x0  }
0xa4: {  	s25 =	simm.s32 $0x1B8E;
	s24 =	sld [smem:$0x3FFE];
	[sflag:s23] =	ssyncadd.s32 $0xFFFFFFFF  }
0xa5: {  	s26 =	simm.s32 $execute0_lowered;
	[smem:$0x3FD2] =	sst s25  }
0xa6: {  	s4 =	sshll.u32 s26, $0x1;
	_ =	strace $0x8000004C;
	[dreg:$0x1] =	wrdreg $0xFFFFFFFF  }
0xa7: {  	s28 =	simm.s32 $_size_execute0_lowered;
	s2 =	sadd.s32 s2, s4;
	[dreg:$0x0] =	wrdreg $0x0  }
0xa8: {  	s4 =	sshll.u32 s28, $0x1;
	[dreg:$0x2] =	wrdreg s2  }
0xa9: {  	[dreg:$0x3] =	wrdreg s4  }
0xaa: {  	[dreg:$0x4] =	wrdreg $0xC0  }
0xab: {  	_ =	task [dreg:s6], $0x5FFFF  }
0xac: {  	[dreg:$0x1] =	wrdreg $0xFFFFFFFF  }
0xad: {  	[dreg:$0x0] =	wrdreg $0x60  }
0xae: {  	[dreg:$0x2] =	wrdreg s24  }
0xaf: {  	[dreg:$0x3] =	wrdreg $0x160000  }
0xb0: {  	[dreg:$0x4] =	wrdreg $0x9  }
0xb1: {  	_ =	task.clear_ibuf [dreg:s6], $0x5FFFF;
	_ =	strace $0x9000004C  }
0xb2: {  	s29 =	simm.s32 $0x9;
	_ =	strace $0x8000004E  }
0xb3: {  	_ =	swait.ge [sflag:s29], $0x1  }
0xb4: {  	[sflag:s29] =	ssyncadd.s32 $0xFFFFFFFF  }
0xb5: {  	_ =	strace $0x9000004E  }
0xb6: {  	_ =	sfence  }
0xb7: {  	s30 =	sld [smem:$0x0];
	_ =	sdelay $0x2  }
0xb8: {  	s31 =	sshll.u32 s1, $0xD;
	s1 =	sshrl.u32 s1, $0x2  }
0xb9: {  	s3 =	sand.u32 $0x4000, s31;
	s1 =	sadd.s32 s1, s30  }
0xba: {  	s0 =	sor.u32 s3, s0;
	s1 =	sshll.u32 s1, $0x11  }
0xbb: {  	s0 =	sor.u32 s1, s0  }
0xbc: {  	s0 =	sadd.s32 $0x8F2B, s0  }
0xbd: {  	[sflag:s0] =	ssyncadd.remote.s32 $0x1  }
0xbe: {  	_ =	sfence.sel $0xFFFF  }
0xbf: {  	[dreg:$0x0] =	wrdreg $0xFFFFFFFF;
	(pc) =	sbr.abs _section_cstart, $3  }
0xc0: {  	[dreg:$0x1] =	wrdreg $0xFFFFFFFF  }
0xc1: {  	_ =	task.clear_ibuf [dreg:s6], $0x2FFFF;
	_ =	strace $0x9FFFFFFF  }
0xc2: {  	(tm) =	ssettm $0x7FFFFFFF  }
0xc3: {  	_ =	shalt  }
tec
execute0_lowered:
.L_overlay_start_1:
0x0: {  	(tag) =	ssettag $0x1  }
0x1: {  	s0 =	rddreg [dreg:$0x0]  }
0x2: {  	s2 =	rddreg [dreg:$0x1]  }
0x3: {  	s15 =	stileid.u32;
	s1 =	srdreg.scid;
	s3 =	simm.s32 $0x0  }
0x4: {  	s17 =	simm.s32 $0x7D;
	s18 =	simm.s32 $0xA000;
	s28 =	simm.s32 $0x4F80  }
0x5: {  	s29 =	simm.s32 $0x9E80;
	s30 =	simm.s32 $0x9F00;
	s5 =	smul.u32 $0x5000, s15  }
0x6: {  	s31 =	simm.s32 $0x9F80;
	s1 =	sand.u32 $0x1, s1;
	s20 =	smul.u32 $0x1380, s15  }
0x7: {  	[smem:$0x7FF] =	sst s3;
	s4 =	sadd.s32 $0x67000, s0;
	s9 =	smul.u32 $0x27000, s15  }
0x8: {  	s11 =	sadd.s32 $0xDC600, s0;
	s22 =	smul.u32 $0x9C00, s15;
	s14 =	sadd.s32 $0x92400, s2  }
0x9: {  	p0 =	seq.s32 s15, $0xF;
	s6 =	smul.u32 $0x50000, s1;
	_ =	strace $0x8000004D  }
0xa: {  	s21 =	ssub.s32 $0x2, s1;
	s1 =	smul.u32 $0x9C400, s1;
	s14 =	sshrl.u32 @p0 s14, $0x3  }
0xb: {  	s7 =	sshrl.u32 s5, $0x3;
	s10 =	sshrl.u32 s21, $0x1;
	s23 =	sshrl.u32 s9, $0x2  }
0xc: {  	s5 =	sadd.s32 s5, s6;
	s19 =	sadd.s32 s7, s0;
	s7 =	sadd.s32 s20, s0  }
0xd: {  	s12 =	ssub.s32 s21, s10;
	s13 =	sadd.s32 s23, s2;
	s24 =	sadd.s32 s22, s1  }
0xe: {  	s1 =	sshrl.u32 s1, $0x3;
	s20 =	simm.s32 $0xE000;
	s21 =	simm.s32 $0x100  }
0xf: {  	s22 =	simm.s32 $0x12000;
	s23 =	simm.s32 $0x1;
	s5 =	sshrl.u32 s5, $0x3  }
0x10: {  	s7 =	sadd.s32 $0x8800, s7;
	s25 =	sshrl.u32 s24, $0x3;
	s26 =	sadd.s32 s11, s1  }
0x11: {  	s16 =	sshrl.u32 @!p0 s13, $0x3;
	s24 =	simm.s32 $0x2;
	s8 =	sadd.s32 s5, s0  }
0x12: {  	s5 =	sadd.s32 $0x21E00, s19;
	s9 =	sadd.s32 s11, s25;
	s10 =	sadd.s32 $0x12480, s26  }
0x13: {  	s11 =	smax.u32 s12, $0x1;
	s12 =	simm.s32 $0x4;
	s25 =	simm.s32 $0x3  }
0x14: {  	s6 =	sadd.s32 $0x2BE00, s8;
	s8 =	sadd.s32 $0x1AC80, s0;
	s0 =	sshll.u32 @!p0 s15, $0x6  }
0x15: {  	s26 =	simm.s32 $0x9E00;
	s15 =	sor.u32 @!p0 $0x1C04, s0;
	s0 =	simm.s32 $0x0  }
.LBB2_1:
0x16: {  	[tilespmem:s3], [sflag:$0x4] =	stream.linear.gather [hbm4b:s5+s3], $0x5000, $0x38;
	[tilespmem:$0x1FDC0] =	vst v63  }
0x17: {  	_ =	swait.ge [sflag:s12], $0x5000  }
0x18: {  	[sflag:s12] =	ssyncset.done $0x0  }
0x19: {  	s1 =	simm.s32 $0x5000;
	[sflag:s12] =	ssyncadd.s32 $0xFFFFB000  }
0x1a: {  	[tilespmem:s1], [sflag:$0x4] =	stream.linear.gather [hbm4b:s6+s3], $0x5000, $0x38;
	[tilespmem:$0x1FDC0] =	vst v63  }
0x1b: {  	_ =	swait.ge [sflag:s12], $0x5000  }
0x1c: {  	[sflag:s12] =	ssyncset.done $0x0  }
0x1d: {  	s1 =	simm.s32 @p0 $0x1FC4;
	[sflag:s12] =	ssyncadd.s32 $0xFFFFB000  }
0x1e: {  	[spmem:s14], [sflag:s1] =	dma.local @p0 [hbm:s8], $0x1700  }
0x1f: {  	s1 =	simm.s32 @p0 $0x4  }
0x20: {  	_ =	swait.ge @p0 [sflag:s1], $0x1700  }
0x21: {  	[sflag:s1] =	ssyncset.done @p0 $0x0  }
0x22: {  	[sflag:s1] =	ssyncadd.s32 @p0 $0xFFFFE900;
	s1 =	simm.s32 @!p0 $0x4  }
0x23: {  	[spmem:s16], [sflag:s15] =	dma.local @!p0 [hbm:s7], $0x1380  }
0x24: {  	_ =	swait.ge @!p0 [sflag:s1], $0x1380  }
0x25: {  	[sflag:s1] =	ssyncset.done @!p0 $0x0  }
0x26: {  	[sflag:s1] =	ssyncadd.s32 @!p0 $0xFFFFEC80  }
0x27: {  	[bflag:$0x0] =	sbarrier.arrive $0xFFFF  }
0x28: {  	[tilespmem:s18], [sflag:$0x1] =	stream.indirect.gather [hbm4b:s4+s17], $0x80, s3, s17, $0xb8;
	[tilespmem:$0x1FDC0] =	vst v63  }
0x29: {  	s13 =	simm.s32 $0x80  }
0x2a: {  	[tilespmem:s20], [sflag:$0x2] =	stream.indirect.gather [hbm4b:s4+s17], $0x80, s13, s17, $0xb8;
	[tilespmem:$0x1FDC0] =	vst v63  }
0x2b: {  	_ = 	snop  }
0x2c: {  	[tilespmem:s22], [sflag:$0x3] =	stream.indirect.gather [hbm4b:s4+s17], $0x80, s21, s17, $0xb8;
	[tilespmem:$0x1FDC0] =	vst v63  }
0x2d: {  	_ =	swait.ge [sflag:s23], $0x3E80  }
0x2e: {  	[sflag:s23] =	ssyncset.done $0x0  }
0x2f: {  	s19 =	simm.s32 $0x5000;
	[sflag:s23] =	ssyncadd.s32 $0xFFFFC180  }
0x30: {  	[spmem:s2] =	stream.indirect.scatter.add.f32 [tilespmem:s18], [sflag:$0x4], $0x80, s19, s17, $0xb8;
	[tilespmem:$0x1FDC0] =	vst v63  }
0x31: {  	_ =	swait.ge [sflag:s12], $0x3E80  }
0x32: {  	[sflag:s12] =	ssyncset.done $0x0  }
0x33: {  	s13 =	simm.s32 $0x180;
	[sflag:s12] =	ssyncadd.s32 $0xFFFFC180  }
0x34: {  	[tilespmem:s18], [sflag:$0x1] =	stream.indirect.gather [hbm4b:s4+s17], $0x80, s13, s17, $0xb8;
	[tilespmem:$0x1FDC0] =	vst v63  }
0x35: {  	_ =	swait.ge [sflag:s24], $0x3E80  }
0x36: {  	[sflag:s24] =	ssyncset.done $0x0  }
0x37: {  	s19 =	simm.s32 $0x5080;
	[sflag:s24] =	ssyncadd.s32 $0xFFFFC180  }
0x38: {  	[spmem:s2] =	stream.indirect.scatter.add.f32 [tilespmem:s20], [sflag:$0x4], $0x80, s19, s17, $0xb8;
	[tilespmem:$0x1FDC0] =	vst v63  }
0x39: {  	_ =	swait.ge [sflag:s12], $0x3E80  }
0x3a: {  	[sflag:s12] =	ssyncset.done $0x0  }
0x3b: {  	s13 =	simm.s32 $0x200;
	[sflag:s12] =	ssyncadd.s32 $0xFFFFC180  }
0x3c: {  	[tilespmem:s20], [sflag:$0x2] =	stream.indirect.gather [hbm4b:s4+s17], $0x80, s13, s17, $0xb8;
	[tilespmem:$0x1FDC0] =	vst v63  }
0x3d: {  	_ =	swait.ge [sflag:s25], $0x3E80  }
0x3e: {  	[sflag:s25] =	ssyncset.done $0x0  }
0x3f: {  	s19 =	simm.s32 $0x5100;
	[sflag:s25] =	ssyncadd.s32 $0xFFFFC180  }
0x40: {  	[spmem:s2] =	stream.indirect.scatter.add.f32 [tilespmem:s22], [sflag:$0x4], $0x80, s19, s17, $0xb8;
	[tilespmem:$0x1FDC0] =	vst v63  }
0x41: {  	_ =	swait.ge [sflag:s12], $0x3E80  }
0x42: {  	[sflag:s12] =	ssyncset.done $0x0  }
0x43: {  	s1 =	simm.s32 $0x600;
	s13 =	simm.s32 $0x280;
	[sflag:s12] =	ssyncadd.s32 $0xFFFFC180  }
.LBB2_2:
0x44: {  	[tilespmem:s22], [sflag:$0x3] =	stream.indirect.gather [hbm4b:s4+s17], $0x80, s13, s17, $0xb8;
	[tilespmem:$0x1FDC0] =	vst v63  }
0x45: {  	s13 =	smov.u32 s1  }
0x46: {  	p1 =	sne.s32 s1, $0x13200;
	s1 =	sadd.s32 $0x600, s1;
	_ =	swait.ge [sflag:s23], $0x3E80  }
0x47: {  	s13 =	sshra.s32 s13, $0x2;
	[sflag:s23] =	ssyncset.done $0x0  }
0x48: {  	s19 =	sadd.s32 $0x5000, s13;
	[sflag:s23] =	ssyncadd.s32 $0xFFFFC180  }
0x49: {  	[spmem:s2] =	stream.indirect.scatter.add.f32 [tilespmem:s18], [sflag:$0x4], $0x80, s19, s17, $0xb8;
	[tilespmem:$0x1FDC0] =	vst v63  }
0x4a: {  	_ =	swait.ge [sflag:s12], $0x3E80  }
0x4b: {  	[sflag:s12] =	ssyncset.done $0x0  }
0x4c: {  	s19 =	sadd.s32 $0x180, s13;
	[sflag:s12] =	ssyncadd.s32 $0xFFFFC180  }
0x4d: {  	[tilespmem:s18], [sflag:$0x1] =	stream.indirect.gather [hbm4b:s4+s17], $0x80, s19, s17, $0xb8;
	[tilespmem:$0x1FDC0] =	vst v63  }
0x4e: {  	_ =	swait.ge [sflag:s24], $0x3E80  }
0x4f: {  	[sflag:s24] =	ssyncset.done $0x0  }
0x50: {  	s19 =	sadd.s32 $0x5080, s13;
	[sflag:s24] =	ssyncadd.s32 $0xFFFFC180  }
0x51: {  	[spmem:s2] =	stream.indirect.scatter.add.f32 [tilespmem:s20], [sflag:$0x4], $0x80, s19, s17, $0xb8;
	[tilespmem:$0x1FDC0] =	vst v63  }
0x52: {  	_ =	swait.ge [sflag:s12], $0x3E80  }
0x53: {  	[sflag:s12] =	ssyncset.done $0x0  }
0x54: {  	s19 =	sadd.s32 $0x200, s13;
	[sflag:s12] =	ssyncadd.s32 $0xFFFFC180  }
0x55: {  	[tilespmem:s20], [sflag:$0x2] =	stream.indirect.gather [hbm4b:s4+s17], $0x80, s19, s17, $0xb8;
	[tilespmem:$0x1FDC0] =	vst v63  }
0x56: {  	_ =	swait.ge [sflag:s25], $0x3E80  }
0x57: {  	[sflag:s25] =	ssyncset.done $0x0  }
.Ltmp0:
0x58: {  	s19 =	sadd.s32 $0x5100, s13;
	[sflag:s25] =	ssyncadd.s32 $0xFFFFC180;
	(pc) =	sbr.rel @p1 .LBB2_2-.Ltmp0, $4  }
0x59: {  	[spmem:s2] =	stream.indirect.scatter.add.f32 [tilespmem:s22], [sflag:$0x4], $0x80, s19, s17, $0xb8;
	[tilespmem:$0x1FDC0] =	vst v63  }
0x5a: {  	_ =	swait.ge [sflag:s12], $0x3E80  }
0x5b: {  	[sflag:s12] =	ssyncset.done $0x0  }
0x5c: {  	s13 =	sadd.s32 $0x280, s13;
	[sflag:s12] =	ssyncadd.s32 $0xFFFFC180  }
0x5d: {  	[tilespmem:s22], [sflag:$0x3] =	stream.indirect.gather [hbm4b:s4+s17], $0x80, s13, s17, $0xb8;
	[tilespmem:$0x1FDC0] =	vst v63  }
0x5e: {  	_ =	swait.ge [sflag:s23], $0x3E80  }
0x5f: {  	[sflag:s23] =	ssyncset.done $0x0  }
0x60: {  	[sflag:s23] =	ssyncadd.s32 $0xFFFFC180  }
0x61: {  	[spmem:s2] =	stream.indirect.scatter.add.f32 [tilespmem:s18], [sflag:$0x4], $0x80, s26, s17, $0xb8;
	[tilespmem:$0x1FDC0] =	vst v63  }
0x62: {  	_ =	swait.ge [sflag:s12], $0x3E80  }
0x63: {  	[sflag:s12] =	ssyncset.done $0x0  }
0x64: {  	[sflag:s12] =	ssyncadd.s32 $0xFFFFC180  }
0x65: {  	[tilespmem:s18], [sflag:$0x1] =	stream.indirect.gather [hbm4b:s4+s17], $0x80, s28, s17, $0xb8;
	[tilespmem:$0x1FDC0] =	vst v63  }
0x66: {  	_ =	swait.ge [sflag:s24], $0x3E80  }
0x67: {  	[sflag:s24] =	ssyncset.done $0x0  }
0x68: {  	[sflag:s24] =	ssyncadd.s32 $0xFFFFC180  }
0x69: {  	[spmem:s2] =	stream.indirect.scatter.add.f32 [tilespmem:s20], [sflag:$0x4], $0x80, s29, s17, $0xb8;
	[tilespmem:$0x1FDC0] =	vst v63  }
0x6a: {  	_ =	swait.ge [sflag:s12], $0x3E80  }
0x6b: {  	[sflag:s12] =	ssyncset.done $0x0  }
0x6c: {  	[sflag:s12] =	ssyncadd.s32 $0xFFFFC180  }
0x6d: {  	_ =	swait.ge [sflag:s25], $0x3E80  }
0x6e: {  	[sflag:s25] =	ssyncset.done $0x0  }
0x6f: {  	[sflag:s25] =	ssyncadd.s32 $0xFFFFC180  }
0x70: {  	[spmem:s2] =	stream.indirect.scatter.add.f32 [tilespmem:s22], [sflag:$0x4], $0x80, s30, s17, $0xb8;
	[tilespmem:$0x1FDC0] =	vst v63  }
0x71: {  	_ =	swait.ge [sflag:s12], $0x3E80  }
0x72: {  	[sflag:s12] =	ssyncset.done $0x0  }
0x73: {  	[sflag:s12] =	ssyncadd.s32 $0xFFFFC180  }
0x74: {  	_ =	swait.ge [sflag:s23], $0x3E80  }
0x75: {  	[sflag:s23] =	ssyncset.done $0x0  }
0x76: {  	[sflag:s23] =	ssyncadd.s32 $0xFFFFC180  }
0x77: {  	[spmem:s2] =	stream.indirect.scatter.add.f32 [tilespmem:s18], [sflag:$0x4], $0x80, s31, s17, $0xb8;
	[tilespmem:$0x1FDC0] =	vst v63  }
0x78: {  	_ =	swait.ge [sflag:s12], $0x3E80  }
0x79: {  	[sflag:s12] =	ssyncset.done $0x0  }
0x7a: {  	[sflag:s12] =	ssyncadd.s32 $0xFFFFC180  }
0x7b: {  	s1 =	simm.s32 @p0 $0x1FC4;
	[bflag:$0x0] =	sbarrier.arrive $0xFFFF  }
0x7c: {  	[hbm:s10], [sflag:s1] =	dma.local @p0 [spmem:s14], $0x1400  }
0x7d: {  	s1 =	simm.s32 @p0 $0x4  }
0x7e: {  	s0 =	sadd.s32 $0x1, s0;
	_ =	swait.ge @p0 [sflag:s1], $0x1400  }
0x7f: {  	p1 =	sne.s32 s0, s11;
	[sflag:s1] =	ssyncset.done @p0 $0x0  }
.Ltmp1:
0x80: {  	[sflag:s1] =	ssyncadd.s32 @p0 $0xFFFFEC00;
	s1 =	simm.s32 @!p0 $0x4;
	(pc) =	sbr.rel @p1 .LBB2_1-.Ltmp1, $4  }
0x81: {  	[hbm:s9], [sflag:s15] =	dma.local @!p0 [spmem:s16], $0x1380  }
0x82: {  	_ =	swait.ge @!p0 [sflag:s1], $0x1380  }
0x83: {  	[sflag:s1] =	ssyncset.done @!p0 $0x0  }
0x84: {  	[sflag:s1] =	ssyncadd.s32 @!p0 $0xFFFFEC80  }
0x85: {  	_ =	sfence.sel $0x180000  }
0x86: {  	[bflag:$0x0] =	sbarrier.arrive $0xFFFF  }
0x87: {  	_ =	strace $0x9000004D  }
0x88: {  	s0 =	stileid.u32;
	[bflag:$0x2] =	sbarrier.arrive $0xFFFF  }
0x89: {  	p0 =	sne.s32 s0, $0x0;
	s0 =	rddreg [dreg:$0x2]  }
0x8a: {  	s0 =	sadd.s32 @!p0 $0x100000, s0  }
0x8b: {  	[sflag:s0] =	ssyncadd.tile.s32 @!p0 $0x1;
	_ =	shalt  }
.Lfunc_end2:
_tile_overlayer_lowered:
.L_overlay_start_2:
0x8c: {  	(tag) =	ssettag $0x2  }
0x8d: {  	s0 =	rddreg [dreg:$0x0];
	s2 =	stileid.u32  }
0x8e: {  	s1 =	rddreg [dreg:$0x1];
	p0 =	sne.s32 s2, $0x0  }
0x8f: {  	s3 =	rddreg [dreg:$0x2];
	[bflag:$0x3] =	sbarrier.arrive $0xFFFF;
	s2 =	simm.s32 @!p0 $0x1C04  }
0x90: {  	[timem:s3], [sflag:s2] =	dma.local @!p0 [hbm:s0], s1  }
0x91: {  	s0 =	simm.s32 @!p0 $0x4  }
0x92: {  	_ =	swait.ge @!p0 [sflag:s0], s1  }
0x93: {  	s1 =	ssub.s32 @!p0 $0x0, s1;
	[sflag:s0] =	ssyncset.done @!p0 $0x0  }
0x94: {  	[sflag:s0] =	ssyncadd.s32 @!p0 s1  }
0x95: {  	[bflag:$0x3] =	sbarrier.arrive $0xFFFF  }
0x96: {  	_ =	shalt  }

// kernel: kernel.21.cloned.1.call-start
scs
__scs_entry_jumppad:
0x0: {  	(pc) =	sbr.rel $0x88, $3  }
0x1: {  	(tag) =	ssettag $0x0;
	lr =	simm.s32 $0x1  }
0x2: {  	[smem:$0x3F4A] =	sst lr;
	_ =	strace $0xD0000000  }
0x3: {  	_ = 	snop  }
0x4: {  	_ = 	snop  }
0x5: {  	_ = 	snop  }
0x6: {  	_ = 	snop  }
0x7: {  	_ = 	snop  }
__scs_overlays_trampoline_lowered:
0x8: {  	[smem:$0x3F59] =	sst s0  }
0x9: {  	[smem:$0x3F5A] =	sst s1  }
0xa: {  	[smem:$0x3F5B] =	sst s2  }
0xb: {  	[smem:$0x3F5C] =	sst s3  }
0xc: {  	[smem:$0x3F5D] =	sst s4  }
0xd: {  	[smem:$0x3F5E] =	sst s5  }
0xe: {  	[smem:$0x3F5F] =	sst s6  }
0xf: {  	[smem:$0x3F60] =	sst s7  }
0x10: {  	[smem:$0x3F61] =	sst s8  }
0x11: {  	[smem:$0x3F62] =	sst s9;
	s0 =	simm.s32 @!p0 $0x0  }
0x12: {  	s1 =	sld [smem:$0x3F48];
	s0 =	simm.s32 @p0 $0x1  }
0x13: {  	[smem:$0x3F63] =	sst s0;
	s0 =	simm.s32 @!p1 $0x0  }
0x14: {  	s2 =	sld [smem:$0x3F47];
	s0 =	simm.s32 @p1 $0x1  }
0x15: {  	[smem:$0x3F64] =	sst s0;
	s0 =	simm.s32 @!p2 $0x0  }
0x16: {  	s3 =	sld [smem:$0x3FDB];
	s0 =	simm.s32 @p2 $0x1  }
0x17: {  	s4 =	simm.s32 $0x1BF5;
	[smem:$0x3F66] =	sst s0  }
0x18: {  	s0 =	sld [smem:$0x3F49];
	_ =	swait.ge [sflag:s4], $0x0  }
0x19: {  	s7 =	sld [smem:$0x3F4A]  }
0x1a: {  	s8 =	sadd.s32 $0xFFFFE003, lr  }
0x1b: {  	s9 =	sadd.s32 $0xFFFFFEF7, lr;
	s5 =	simm.s32 $0xFFFFFFFF;
	p2 =	slt.u32 s8, $0xFFFFF086  }
0x1c: {  	p1 =	slt.u32 s9, $0xF7A;
	s5 =	simm.s32 @!p2 $0x0  }
0x1d: {  	s5 =	simm.s32 @p1 $0x1;
	p0 =	seq.s32 s7, s2  }
0x1e: {  	s7 =	smul.u32 @!p0 $0xF7A, s2;
	p2 =	seq.s32 @!p0 s5, $0x0  }
0x1f: {  	s9 =	smul.u32 $0xF7A, s1;
	s8 =	simm.s32 @!p0 $0x1BF5;
	p2 =	por !p2, p0  }
0x20: {  	[sflag:s8] =	ssyncset.s32 @!p0 $0xFFFFF086;
	s6 =	sadd.s32 @!p0 s3, s7;
	s7 =	simm.s32 @!p0 $0x108  }
0x21: {  	s3 =	sadd.s32 s3, s9;
	s6 =	sadd.s32 @!p0 $0x88, s6;
	s7 =	simm.s32 @p2 $0x1082  }
0x22: {  	[simem:s7], [sflag:s8] =	dma.local @!p0 [hbm:s6], $0xF7A  }
0x23: {  	s9 =	sor.u32 $0xD0000000, s2;
	s6 =	simm.s32 $0x108;
	_ =	swait.ge @!p0 [sflag:s8], $0x0  }
0x24: {  	s3 =	sadd.s32 $0x88, s3;
	s6 =	simm.s32 @!p1 $0x1082;
	[sflag:s4] =	ssyncset.s32 $0xFFFFF086  }
0x25: {  	[simem:s6], [sflag:s4] =	dma.local [hbm:s3], $0xF7A  }
0x26: {  	[smem:$0x3F4A] =	sst s1;
	(tag) =	ssettag s2;
	_ =	strace s9  }
0x27: {  	s1 =	sld [smem:$0x3F5A]  }
0x28: {  	s2 =	sld [smem:$0x3F5B]  }
0x29: {  	s4 =	sld [smem:$0x3F5D]  }
0x2a: {  	p0 =	seq.s32 s5, $0x0;
	s5 =	sld [smem:$0x3F5E]  }
0x2b: {  	s6 =	sld [smem:$0x3F5F]  }
0x2c: {  	s7 =	sld [smem:$0x3F60]  }
0x2d: {  	s3 =	simm.s32 $0x108;
	s8 =	sld [smem:$0x3F61]  }
0x2e: {  	s3 =	simm.s32 @!p0 $0x1082;
	s9 =	sld [smem:$0x3F62]  }
0x2f: {  	lr =	sadd.s32 s0, s3;
	s0 =	sld [smem:$0x3F59]  }
0x30: {  	s3 =	sld [smem:$0x3F5C]  }
0x31: {  	[smem:$0x3F65] =	sst s10  }
0x32: {  	s10 =	sld [smem:$0x3F63];
	_ =	sdelay $0x3  }
0x33: {  	p0 =	seq.s32 s10, $0x1;
	s10 =	sld [smem:$0x3F65];
	_ =	sdelay $0x3  }
0x34: {  	[smem:$0x3F65] =	sst s10  }
0x35: {  	s10 =	sld [smem:$0x3F64];
	_ =	sdelay $0x3  }
0x36: {  	p1 =	seq.s32 s10, $0x1;
	s10 =	sld [smem:$0x3F65];
	_ =	sdelay $0x3  }
0x37: {  	[smem:$0x3F65] =	sst s10  }
0x38: {  	s10 =	sld [smem:$0x3F66]  }
0x39: {  	_ = 	snop;
	(pc) =	sbr.ind lr, $3  }
0x3a: {  	_ = 	snop  }
0x3b: {  	_ = 	snop  }
0x3c: {  	p2 =	seq.s32 s10, $0x1;
	s10 =	sld [smem:$0x3F65]  }
0x3d: {  	_ =	shalt  }
0x3e: {  	_ =	shalt  }
0x3f: {  	_ =	shalt  }
0x40: {  	_ =	shalt  }
0x41: {  	_ =	shalt  }
0x42: {  	_ =	shalt  }
0x43: {  	_ =	shalt  }
0x44: {  	_ =	shalt  }
0x45: {  	_ =	shalt  }
0x46: {  	_ =	shalt  }
0x47: {  	_ =	shalt  }
0x48: {  	_ =	shalt  }
0x49: {  	_ =	shalt  }
0x4a: {  	_ =	shalt  }
0x4b: {  	_ =	shalt  }
0x4c: {  	_ =	shalt  }
0x4d: {  	_ =	shalt  }
0x4e: {  	_ =	shalt  }
0x4f: {  	_ =	shalt  }
0x50: {  	_ =	shalt  }
0x51: {  	_ =	shalt  }
0x52: {  	_ =	shalt  }
0x53: {  	_ =	shalt  }
0x54: {  	_ =	shalt  }
0x55: {  	_ =	shalt  }
0x56: {  	_ =	shalt  }
0x57: {  	_ =	shalt  }
0x58: {  	_ =	shalt  }
0x59: {  	_ =	shalt  }
0x5a: {  	_ =	shalt  }
0x5b: {  	_ =	shalt  }
0x5c: {  	_ =	shalt  }
0x5d: {  	_ =	shalt  }
0x5e: {  	_ =	shalt  }
0x5f: {  	_ =	shalt  }
0x60: {  	_ =	shalt  }
0x61: {  	_ =	shalt  }
0x62: {  	_ =	shalt  }
0x63: {  	_ =	shalt  }
0x64: {  	_ =	shalt  }
0x65: {  	_ =	shalt  }
0x66: {  	_ =	shalt  }
0x67: {  	_ =	shalt  }
0x68: {  	_ =	shalt  }
0x69: {  	_ =	shalt  }
0x6a: {  	_ =	shalt  }
0x6b: {  	_ =	shalt  }
0x6c: {  	_ =	shalt  }
0x6d: {  	_ =	shalt  }
0x6e: {  	_ =	shalt  }
0x6f: {  	_ =	shalt  }
0x70: {  	_ =	shalt  }
0x71: {  	_ =	shalt  }
0x72: {  	_ =	shalt  }
0x73: {  	_ =	shalt  }
0x74: {  	_ =	shalt  }
0x75: {  	_ =	shalt  }
0x76: {  	_ =	shalt  }
0x77: {  	_ =	shalt  }
0x78: {  	_ =	shalt  }
0x79: {  	_ =	shalt  }
0x7a: {  	_ =	shalt  }
0x7b: {  	_ =	shalt  }
0x7c: {  	_ =	shalt  }
0x7d: {  	_ =	shalt  }
0x7e: {  	_ =	shalt  }
0x7f: {  	_ =	shalt  }
0x80: {  	_ =	shalt  }
0x81: {  	_ =	shalt  }
0x82: {  	_ =	shalt  }
0x83: {  	_ =	shalt  }
0x84: {  	_ =	shalt  }
0x85: {  	_ =	shalt  }
0x86: {  	_ =	shalt  }
0x87: {  	_ =	shalt  }
.Lfunc_end0:
.L_simem_size_0:
called_computation.3_lowered:
.L_overlay_start_0:
0x88: {  	s2 =	sld [smem:$0x3FD9]  }
0x89: {  	s3 =	sld [smem:$0x3FFE];
	_ =	sdelay $0x1  }
0x8a: {  	s1 =	srdreg.scid  }
0x8b: {  	s0 =	sand.u32 $0x1, s1  }
0x8c: {  	s16 =	sshll.u32 s0, $0xA;
	s2 =	sadd.s32 s3, s2  }
0x8d: {  	s2 =	sadd.s32 s2, s16  }
0x8e: {  	[smem:$0x3F71] =	sst s2  }
0x8f: {  	_ = 	snop  }
0x90: {  	(tm) =	ssettm $0x1  }
0x91: {  	s17 =	sld [smem:$0x3FFB];
	_ =	sdelay $0x3  }
0x92: {  	_ =	strace s17  }
0x93: {  	s2 =	sld [smem:$0x3FFC];
	_ =	sdelay $0x3  }
0x94: {  	_ =	strace s2  }
0x95: {  	s2 =	sld [smem:$0x3FFD];
	_ =	sdelay $0x3  }
0x96: {  	_ =	strace s2  }
0x97: {  	_ =	strace $0x8FFFFFFF  }
0x98: {  	s18 =	sld [smem:$0x3FDB];
	_ =	sdelay $0x1  }
0x99: {  	s19 =	simm.s32 $_scs_section_size  }
0x9a: {  	s4 =	simm.s32 $_size__tile_overlayer_lowered;
	s5 =	simm.s32 $_tile_overlayer_lowered  }
0x9b: {  	s22 =	simm.s32 $0x1BFF;
	s21 =	sshll.u32 s5, $0x1;
	s2 =	sadd.s32 s19, s18  }
0x9c: {  	s6 =	simm.s32 $0x0;
	s20 =	sshll.u32 s4, $0x1;
	s4 =	sadd.s32 s21, s2  }
0x9d: {  	[timem:s6], [sflag:s22] =	dma.local [hbm:s4], s20  }
0x9e: {  	_ =	swait.ge [sflag:s22], s20  }
0x9f: {  	s3 =	ssub.s32 $0x0, s20;
	[sflag:s22] =	ssyncset.done $0x0  }
0xa0: {  	[sflag:s22] =	ssyncadd.s32 s3;
	_ =	sdelay $0x1  }
0xa1: {  	s23 =	simm.s32 $0x1B8B  }
0xa2: {  	_ =	swait.ge [sflag:s23], $0x1  }
0xa3: {  	[sflag:s23] =	ssyncset.done $0x0  }
0xa4: {  	s25 =	simm.s32 $0x1B8E;
	s24 =	sld [smem:$0x3FFE];
	[sflag:s23] =	ssyncadd.s32 $0xFFFFFFFF  }
0xa5: {  	s26 =	simm.s32 $execute0_lowered;
	[smem:$0x3FD2] =	sst s25  }
0xa6: {  	s4 =	sshll.u32 s26, $0x1;
	_ =	strace $0x8000004F;
	[dreg:$0x1] =	wrdreg $0xFFFFFFFF  }
0xa7: {  	s28 =	simm.s32 $_size_execute0_lowered;
	s2 =	sadd.s32 s2, s4;
	[dreg:$0x0] =	wrdreg $0x0  }
0xa8: {  	s4 =	sshll.u32 s28, $0x1;
	[dreg:$0x2] =	wrdreg s2  }
0xa9: {  	[dreg:$0x3] =	wrdreg s4  }
0xaa: {  	[dreg:$0x4] =	wrdreg $0xC0  }
0xab: {  	_ =	task [dreg:s6], $0x5FFFF  }
0xac: {  	[dreg:$0x1] =	wrdreg $0xFFFFFFFF  }
0xad: {  	[dreg:$0x0] =	wrdreg $0x60  }
0xae: {  	[dreg:$0x2] =	wrdreg s24  }
0xaf: {  	[dreg:$0x3] =	wrdreg $0x160000  }
0xb0: {  	[dreg:$0x4] =	wrdreg $0x9  }
0xb1: {  	_ =	task.clear_ibuf [dreg:s6], $0x5FFFF;
	_ =	strace $0x9000004F  }
0xb2: {  	s29 =	simm.s32 $0x9;
	_ =	strace $0x80000051  }
0xb3: {  	_ =	swait.ge [sflag:s29], $0x1  }
0xb4: {  	[sflag:s29] =	ssyncadd.s32 $0xFFFFFFFF  }
0xb5: {  	_ =	strace $0x90000051  }
0xb6: {  	_ =	sfence  }
0xb7: {  	s30 =	sld [smem:$0x0];
	_ =	sdelay $0x2  }
0xb8: {  	s31 =	sshll.u32 s1, $0xD;
	s1 =	sshrl.u32 s1, $0x2  }
0xb9: {  	s3 =	sand.u32 $0x4000, s31;
	s1 =	sadd.s32 s1, s30  }
0xba: {  	s0 =	sor.u32 s3, s0;
	s1 =	sshll.u32 s1, $0x11  }
0xbb: {  	s0 =	sor.u32 s1, s0  }
0xbc: {  	s0 =	sadd.s32 $0x8F2B, s0  }
0xbd: {  	[sflag:s0] =	ssyncadd.remote.s32 $0x1  }
0xbe: {  	_ =	sfence.sel $0xFFFF  }
0xbf: {  	[dreg:$0x0] =	wrdreg $0xFFFFFFFF;
	(pc) =	sbr.abs _section_cstart, $3  }
0xc0: {  	[dreg:$0x1] =	wrdreg $0xFFFFFFFF  }
0xc1: {  	_ =	task.clear_ibuf [dreg:s6], $0x2FFFF;
	_ =	strace $0x9FFFFFFF  }
0xc2: {  	(tm) =	ssettm $0x7FFFFFFF  }
0xc3: {  	_ =	shalt  }
tec
execute0_lowered:
.L_overlay_start_1:
0x0: {  	(tag) =	ssettag $0x1  }
0x1: {  	s0 =	rddreg [dreg:$0x0]  }
0x2: {  	s2 =	rddreg [dreg:$0x1]  }
0x3: {  	s15 =	stileid.u32;
	s1 =	srdreg.scid;
	s3 =	simm.s32 $0x0  }
0x4: {  	s17 =	simm.s32 $0x7D;
	s18 =	simm.s32 $0xA000;
	s28 =	simm.s32 $0x4F80  }
0x5: {  	s29 =	simm.s32 $0x9E80;
	s30 =	simm.s32 $0x9F00;
	s5 =	smul.u32 $0x5000, s15  }
0x6: {  	s31 =	simm.s32 $0x9F80;
	s1 =	sand.u32 $0x1, s1;
	s20 =	smul.u32 $0x1380, s15  }
0x7: {  	[smem:$0x7FF] =	sst s3;
	s4 =	sadd.s32 $0x67000, s0;
	s9 =	smul.u32 $0x27000, s15  }
0x8: {  	s11 =	sadd.s32 $0x8E200, s0;
	s22 =	smul.u32 $0x9C00, s15;
	s14 =	sadd.s32 $0x92400, s2  }
0x9: {  	p0 =	seq.s32 s15, $0xF;
	s6 =	smul.u32 $0x50000, s1;
	_ =	strace $0x80000050  }
0xa: {  	s21 =	ssub.s32 $0x2, s1;
	s1 =	smul.u32 $0x9C400, s1;
	s14 =	sshrl.u32 @p0 s14, $0x3  }
0xb: {  	s7 =	sshrl.u32 s5, $0x3;
	s10 =	sshrl.u32 s21, $0x1;
	s23 =	sshrl.u32 s9, $0x2  }
0xc: {  	s5 =	sadd.s32 s5, s6;
	s19 =	sadd.s32 s7, s0;
	s7 =	sadd.s32 s20, s0  }
0xd: {  	s12 =	ssub.s32 s21, s10;
	s13 =	sadd.s32 s23, s2;
	s24 =	sadd.s32 s22, s1  }
0xe: {  	s1 =	sshrl.u32 s1, $0x3;
	s20 =	simm.s32 $0xE000;
	s21 =	simm.s32 $0x100  }
0xf: {  	s22 =	simm.s32 $0x12000;
	s23 =	simm.s32 $0x1;
	s5 =	sshrl.u32 s5, $0x3  }
0x10: {  	s7 =	sadd.s32 $0x8800, s7;
	s25 =	sshrl.u32 s24, $0x3;
	s26 =	sadd.s32 s11, s1  }
0x11: {  	s16 =	sshrl.u32 @!p0 s13, $0x3;
	s24 =	simm.s32 $0x2;
	s8 =	sadd.s32 s5, s0  }
0x12: {  	s5 =	sadd.s32 $0x21E00, s19;
	s9 =	sadd.s32 s11, s25;
	s10 =	sadd.s32 $0x12480, s26  }
0x13: {  	s11 =	smax.u32 s12, $0x1;
	s12 =	simm.s32 $0x4;
	s25 =	simm.s32 $0x3  }
0x14: {  	s6 =	sadd.s32 $0x2BE00, s8;
	s8 =	sadd.s32 $0x1AC80, s0;
	s0 =	sshll.u32 @!p0 s15, $0x6  }
0x15: {  	s26 =	simm.s32 $0x9E00;
	s15 =	sor.u32 @!p0 $0x1C04, s0;
	s0 =	simm.s32 $0x0  }
.LBB2_1:
0x16: {  	[tilespmem:s3], [sflag:$0x4] =	stream.linear.gather [hbm4b:s5+s3], $0x5000, $0x38;
	[tilespmem:$0x1FDC0] =	vst v63  }
0x17: {  	_ =	swait.ge [sflag:s12], $0x5000  }
0x18: {  	[sflag:s12] =	ssyncset.done $0x0  }
0x19: {  	s1 =	simm.s32 $0x5000;
	[sflag:s12] =	ssyncadd.s32 $0xFFFFB000  }
0x1a: {  	[tilespmem:s1], [sflag:$0x4] =	stream.linear.gather [hbm4b:s6+s3], $0x5000, $0x38;
	[tilespmem:$0x1FDC0] =	vst v63  }
0x1b: {  	_ =	swait.ge [sflag:s12], $0x5000  }
0x1c: {  	[sflag:s12] =	ssyncset.done $0x0  }
0x1d: {  	s1 =	simm.s32 @p0 $0x1FC4;
	[sflag:s12] =	ssyncadd.s32 $0xFFFFB000  }
0x1e: {  	[spmem:s14], [sflag:s1] =	dma.local @p0 [hbm:s8], $0x1700  }
0x1f: {  	s1 =	simm.s32 @p0 $0x4  }
0x20: {  	_ =	swait.ge @p0 [sflag:s1], $0x1700  }
0x21: {  	[sflag:s1] =	ssyncset.done @p0 $0x0  }
0x22: {  	[sflag:s1] =	ssyncadd.s32 @p0 $0xFFFFE900;
	s1 =	simm.s32 @!p0 $0x4  }
0x23: {  	[spmem:s16], [sflag:s15] =	dma.local @!p0 [hbm:s7], $0x1380  }
0x24: {  	_ =	swait.ge @!p0 [sflag:s1], $0x1380  }
0x25: {  	[sflag:s1] =	ssyncset.done @!p0 $0x0  }
0x26: {  	[sflag:s1] =	ssyncadd.s32 @!p0 $0xFFFFEC80  }
0x27: {  	[bflag:$0x0] =	sbarrier.arrive $0xFFFF  }
0x28: {  	[tilespmem:s18], [sflag:$0x1] =	stream.indirect.gather [hbm4b:s4+s17], $0x80, s3, s17, $0xb8;
	[tilespmem:$0x1FDC0] =	vst v63  }
0x29: {  	s13 =	simm.s32 $0x80  }
0x2a: {  	[tilespmem:s20], [sflag:$0x2] =	stream.indirect.gather [hbm4b:s4+s17], $0x80, s13, s17, $0xb8;
	[tilespmem:$0x1FDC0] =	vst v63  }
0x2b: {  	_ = 	snop  }
0x2c: {  	[tilespmem:s22], [sflag:$0x3] =	stream.indirect.gather [hbm4b:s4+s17], $0x80, s21, s17, $0xb8;
	[tilespmem:$0x1FDC0] =	vst v63  }
0x2d: {  	_ =	swait.ge [sflag:s23], $0x3E80  }
0x2e: {  	[sflag:s23] =	ssyncset.done $0x0  }
0x2f: {  	s19 =	simm.s32 $0x5000;
	[sflag:s23] =	ssyncadd.s32 $0xFFFFC180  }
0x30: {  	[spmem:s2] =	stream.indirect.scatter.add.f32 [tilespmem:s18], [sflag:$0x4], $0x80, s19, s17, $0xb8;
	[tilespmem:$0x1FDC0] =	vst v63  }
0x31: {  	_ =	swait.ge [sflag:s12], $0x3E80  }
0x32: {  	[sflag:s12] =	ssyncset.done $0x0  }
0x33: {  	s13 =	simm.s32 $0x180;
	[sflag:s12] =	ssyncadd.s32 $0xFFFFC180  }
0x34: {  	[tilespmem:s18], [sflag:$0x1] =	stream.indirect.gather [hbm4b:s4+s17], $0x80, s13, s17, $0xb8;
	[tilespmem:$0x1FDC0] =	vst v63  }
0x35: {  	_ =	swait.ge [sflag:s24], $0x3E80  }
0x36: {  	[sflag:s24] =	ssyncset.done $0x0  }
0x37: {  	s19 =	simm.s32 $0x5080;
	[sflag:s24] =	ssyncadd.s32 $0xFFFFC180  }
0x38: {  	[spmem:s2] =	stream.indirect.scatter.add.f32 [tilespmem:s20], [sflag:$0x4], $0x80, s19, s17, $0xb8;
	[tilespmem:$0x1FDC0] =	vst v63  }
0x39: {  	_ =	swait.ge [sflag:s12], $0x3E80  }
0x3a: {  	[sflag:s12] =	ssyncset.done $0x0  }
0x3b: {  	s13 =	simm.s32 $0x200;
	[sflag:s12] =	ssyncadd.s32 $0xFFFFC180  }
0x3c: {  	[tilespmem:s20], [sflag:$0x2] =	stream.indirect.gather [hbm4b:s4+s17], $0x80, s13, s17, $0xb8;
	[tilespmem:$0x1FDC0] =	vst v63  }
0x3d: {  	_ =	swait.ge [sflag:s25], $0x3E80  }
0x3e: {  	[sflag:s25] =	ssyncset.done $0x0  }
0x3f: {  	s19 =	simm.s32 $0x5100;
	[sflag:s25] =	ssyncadd.s32 $0xFFFFC180  }
0x40: {  	[spmem:s2] =	stream.indirect.scatter.add.f32 [tilespmem:s22], [sflag:$0x4], $0x80, s19, s17, $0xb8;
	[tilespmem:$0x1FDC0] =	vst v63  }
0x41: {  	_ =	swait.ge [sflag:s12], $0x3E80  }
0x42: {  	[sflag:s12] =	ssyncset.done $0x0  }
0x43: {  	s1 =	simm.s32 $0x600;
	s13 =	simm.s32 $0x280;
	[sflag:s12] =	ssyncadd.s32 $0xFFFFC180  }
.LBB2_2:
0x44: {  	[tilespmem:s22], [sflag:$0x3] =	stream.indirect.gather [hbm4b:s4+s17], $0x80, s13, s17, $0xb8;
	[tilespmem:$0x1FDC0] =	vst v63  }
0x45: {  	s13 =	smov.u32 s1  }
0x46: {  	p1 =	sne.s32 s1, $0x13200;
	s1 =	sadd.s32 $0x600, s1;
	_ =	swait.ge [sflag:s23], $0x3E80  }
0x47: {  	s13 =	sshra.s32 s13, $0x2;
	[sflag:s23] =	ssyncset.done $0x0  }
0x48: {  	s19 =	sadd.s32 $0x5000, s13;
	[sflag:s23] =	ssyncadd.s32 $0xFFFFC180  }
0x49: {  	[spmem:s2] =	stream.indirect.scatter.add.f32 [tilespmem:s18], [sflag:$0x4], $0x80, s19, s17, $0xb8;
	[tilespmem:$0x1FDC0] =	vst v63  }
0x4a: {  	_ =	swait.ge [sflag:s12], $0x3E80  }
0x4b: {  	[sflag:s12] =	ssyncset.done $0x0  }
0x4c: {  	s19 =	sadd.s32 $0x180, s13;
	[sflag:s12] =	ssyncadd.s32 $0xFFFFC180  }
0x4d: {  	[tilespmem:s18], [sflag:$0x1] =	stream.indirect.gather [hbm4b:s4+s17], $0x80, s19, s17, $0xb8;
	[tilespmem:$0x1FDC0] =	vst v63  }
0x4e: {  	_ =	swait.ge [sflag:s24], $0x3E80  }
0x4f: {  	[sflag:s24] =	ssyncset.done $0x0  }
0x50: {  	s19 =	sadd.s32 $0x5080, s13;
	[sflag:s24] =	ssyncadd.s32 $0xFFFFC180  }
0x51: {  	[spmem:s2] =	stream.indirect.scatter.add.f32 [tilespmem:s20], [sflag:$0x4], $0x80, s19, s17, $0xb8;
	[tilespmem:$0x1FDC0] =	vst v63  }
0x52: {  	_ =	swait.ge [sflag:s12], $0x3E80  }
0x53: {  	[sflag:s12] =	ssyncset.done $0x0  }
0x54: {  	s19 =	sadd.s32 $0x200, s13;
	[sflag:s12] =	ssyncadd.s32 $0xFFFFC180  }
0x55: {  	[tilespmem:s20], [sflag:$0x2] =	stream.indirect.gather [hbm4b:s4+s17], $0x80, s19, s17, $0xb8;
	[tilespmem:$0x1FDC0] =	vst v63  }
0x56: {  	_ =	swait.ge [sflag:s25], $0x3E80  }
0x57: {  	[sflag:s25] =	ssyncset.done $0x0  }
.Ltmp0:
0x58: {  	s19 =	sadd.s32 $0x5100, s13;
	[sflag:s25] =	ssyncadd.s32 $0xFFFFC180;
	(pc) =	sbr.rel @p1 .LBB2_2-.Ltmp0, $4  }
0x59: {  	[spmem:s2] =	stream.indirect.scatter.add.f32 [tilespmem:s22], [sflag:$0x4], $0x80, s19, s17, $0xb8;
	[tilespmem:$0x1FDC0] =	vst v63  }
0x5a: {  	_ =	swait.ge [sflag:s12], $0x3E80  }
0x5b: {  	[sflag:s12] =	ssyncset.done $0x0  }
0x5c: {  	s13 =	sadd.s32 $0x280, s13;
	[sflag:s12] =	ssyncadd.s32 $0xFFFFC180  }
0x5d: {  	[tilespmem:s22], [sflag:$0x3] =	stream.indirect.gather [hbm4b:s4+s17], $0x80, s13, s17, $0xb8;
	[tilespmem:$0x1FDC0] =	vst v63  }
0x5e: {  	_ =	swait.ge [sflag:s23], $0x3E80  }
0x5f: {  	[sflag:s23] =	ssyncset.done $0x0  }
0x60: {  	[sflag:s23] =	ssyncadd.s32 $0xFFFFC180  }
0x61: {  	[spmem:s2] =	stream.indirect.scatter.add.f32 [tilespmem:s18], [sflag:$0x4], $0x80, s26, s17, $0xb8;
	[tilespmem:$0x1FDC0] =	vst v63  }
0x62: {  	_ =	swait.ge [sflag:s12], $0x3E80  }
0x63: {  	[sflag:s12] =	ssyncset.done $0x0  }
0x64: {  	[sflag:s12] =	ssyncadd.s32 $0xFFFFC180  }
0x65: {  	[tilespmem:s18], [sflag:$0x1] =	stream.indirect.gather [hbm4b:s4+s17], $0x80, s28, s17, $0xb8;
	[tilespmem:$0x1FDC0] =	vst v63  }
0x66: {  	_ =	swait.ge [sflag:s24], $0x3E80  }
0x67: {  	[sflag:s24] =	ssyncset.done $0x0  }
0x68: {  	[sflag:s24] =	ssyncadd.s32 $0xFFFFC180  }
0x69: {  	[spmem:s2] =	stream.indirect.scatter.add.f32 [tilespmem:s20], [sflag:$0x4], $0x80, s29, s17, $0xb8;
	[tilespmem:$0x1FDC0] =	vst v63  }
0x6a: {  	_ =	swait.ge [sflag:s12], $0x3E80  }
0x6b: {  	[sflag:s12] =	ssyncset.done $0x0  }
0x6c: {  	[sflag:s12] =	ssyncadd.s32 $0xFFFFC180  }
0x6d: {  	_ =	swait.ge [sflag:s25], $0x3E80  }
0x6e: {  	[sflag:s25] =	ssyncset.done $0x0  }
0x6f: {  	[sflag:s25] =	ssyncadd.s32 $0xFFFFC180  }
0x70: {  	[spmem:s2] =	stream.indirect.scatter.add.f32 [tilespmem:s22], [sflag:$0x4], $0x80, s30, s17, $0xb8;
	[tilespmem:$0x1FDC0] =	vst v63  }
0x71: {  	_ =	swait.ge [sflag:s12], $0x3E80  }
0x72: {  	[sflag:s12] =	ssyncset.done $0x0  }
0x73: {  	[sflag:s12] =	ssyncadd.s32 $0xFFFFC180  }
0x74: {  	_ =	swait.ge [sflag:s23], $0x3E80  }
0x75: {  	[sflag:s23] =	ssyncset.done $0x0  }
0x76: {  	[sflag:s23] =	ssyncadd.s32 $0xFFFFC180  }
0x77: {  	[spmem:s2] =	stream.indirect.scatter.add.f32 [tilespmem:s18], [sflag:$0x4], $0x80, s31, s17, $0xb8;
	[tilespmem:$0x1FDC0] =	vst v63  }
0x78: {  	_ =	swait.ge [sflag:s12], $0x3E80  }
0x79: {  	[sflag:s12] =	ssyncset.done $0x0  }
0x7a: {  	[sflag:s12] =	ssyncadd.s32 $0xFFFFC180  }
0x7b: {  	s1 =	simm.s32 @p0 $0x1FC4;
	[bflag:$0x0] =	sbarrier.arrive $0xFFFF  }
0x7c: {  	[hbm:s10], [sflag:s1] =	dma.local @p0 [spmem:s14], $0x1400  }
0x7d: {  	s1 =	simm.s32 @p0 $0x4  }
0x7e: {  	s0 =	sadd.s32 $0x1, s0;
	_ =	swait.ge @p0 [sflag:s1], $0x1400  }
0x7f: {  	p1 =	sne.s32 s0, s11;
	[sflag:s1] =	ssyncset.done @p0 $0x0  }
.Ltmp1:
0x80: {  	[sflag:s1] =	ssyncadd.s32 @p0 $0xFFFFEC00;
	s1 =	simm.s32 @!p0 $0x4;
	(pc) =	sbr.rel @p1 .LBB2_1-.Ltmp1, $4  }
0x81: {  	[hbm:s9], [sflag:s15] =	dma.local @!p0 [spmem:s16], $0x1380  }
0x82: {  	_ =	swait.ge @!p0 [sflag:s1], $0x1380  }
0x83: {  	[sflag:s1] =	ssyncset.done @!p0 $0x0  }
0x84: {  	[sflag:s1] =	ssyncadd.s32 @!p0 $0xFFFFEC80  }
0x85: {  	_ =	sfence.sel $0x180000  }
0x86: {  	[bflag:$0x0] =	sbarrier.arrive $0xFFFF  }
0x87: {  	_ =	strace $0x90000050  }
0x88: {  	s0 =	stileid.u32;
	[bflag:$0x2] =	sbarrier.arrive $0xFFFF  }
0x89: {  	p0 =	sne.s32 s0, $0x0;
	s0 =	rddreg [dreg:$0x2]  }
0x8a: {  	s0 =	sadd.s32 @!p0 $0x100000, s0  }
0x8b: {  	[sflag:s0] =	ssyncadd.tile.s32 @!p0 $0x1;
	_ =	shalt  }
.Lfunc_end2:
_tile_overlayer_lowered:
.L_overlay_start_2:
0x8c: {  	(tag) =	ssettag $0x2  }
0x8d: {  	s0 =	rddreg [dreg:$0x0];
	s2 =	stileid.u32  }
0x8e: {  	s1 =	rddreg [dreg:$0x1];
	p0 =	sne.s32 s2, $0x0  }
0x8f: {  	s3 =	rddreg [dreg:$0x2];
	[bflag:$0x3] =	sbarrier.arrive $0xFFFF;
	s2 =	simm.s32 @!p0 $0x1C04  }
0x90: {  	[timem:s3], [sflag:s2] =	dma.local @!p0 [hbm:s0], s1  }
0x91: {  	s0 =	simm.s32 @!p0 $0x4  }
0x92: {  	_ =	swait.ge @!p0 [sflag:s0], s1  }
0x93: {  	s1 =	ssub.s32 @!p0 $0x0, s1;
	[sflag:s0] =	ssyncset.done @!p0 $0x0  }
0x94: {  	[sflag:s0] =	ssyncadd.s32 @!p0 s1  }
0x95: {  	[bflag:$0x3] =	sbarrier.arrive $0xFFFF  }
0x96: {  	_ =	shalt  }

</sc_bundles>
